<compile_context>
chip_gen: v7x
topology: tpu7x:2x2x1
jax: 0.10.2.dev20260603
libtpu: 0.0.44.dev20260713+nightly
codegen_flags: <defaults>
</compile_context>

<pallas_src>
import functools

import jax
import jax.numpy as jnp
from jax import lax
from jax.experimental import pallas as pl
from jax.experimental.pallas import tpu as pltpu
from jax.experimental.pallas import tpu_sc as plsc

N = 10000
E = 320000
FH = 128
NC = 2
NS = 16
NW = NC * NS
CHUNK = 125
EDGES_PER_TILE = E // NW
CHUNKS_PER_TILE = EDGES_PER_TILE // CHUNK
N_PAD = 10240
ROWS_PER_TILE = N_PAD // NS
NPHASE = 2
PHASE_CHUNKS = CHUNKS_PER_TILE // NPHASE
DEGW = 16

def _deg_body(src_hbm, ones_hbm, zeros_hbm, out_hbm, idx_s, ones_v, acc,
              d0, d1, d2, d3):
    cid = lax.axis_index("c")
    sid = lax.axis_index("s")
    wid = cid * NS + sid
    dsems = (d0, d1, d2, d3)
    pltpu.sync_copy(zeros_hbm, acc.at[pl.ds(sid * ROWS_PER_TILE, ROWS_PER_TILE)])
    pltpu.sync_copy(ones_hbm, ones_v)
    pltpu.sync_copy(src_hbm.at[pl.ds(wid * CHUNKS_PER_TILE, CHUNKS_PER_TILE)], idx_s)
    plsc.subcore_barrier()

    def body(g, carry):
        for k in range(4):
            pltpu.async_copy(ones_v, acc.at[idx_s.at[4 * g + k]], dsems[k], add=True)
        for k in range(4):
            pltpu.make_async_copy(ones_v, acc.at[idx_s.at[4 * g + k]], dsems[k]).wait()
        return carry

    lax.fori_loop(0, CHUNKS_PER_TILE // 4, body, 0)
    plsc.subcore_barrier()
    pltpu.sync_copy(acc.at[pl.ds(sid * ROWS_PER_TILE, ROWS_PER_TILE)],
                    out_hbm.at[cid, pl.ds(sid * ROWS_PER_TILE, ROWS_PER_TILE)])


@functools.cache
def _get_deg_kernel():
    mesh = plsc.VectorSubcoreMesh(core_axis_name="c", subcore_axis_name="s")
    return pl.kernel(
        _deg_body,
        out_type=jax.ShapeDtypeStruct((NC, N_PAD, FH), jnp.float32),
        mesh=mesh,
        scratch_types=[
            pltpu.VMEM((CHUNKS_PER_TILE, CHUNK), jnp.int32),
            pltpu.VMEM((CHUNK, FH), jnp.float32),
            pltpu.VMEM_SHARED((N_PAD, FH), jnp.float32),
            pltpu.SemaphoreType.DMA,
            pltpu.SemaphoreType.DMA,
            pltpu.SemaphoreType.DMA,
            pltpu.SemaphoreType.DMA,
        ],
    )


def _scatter_body(u_hbm, src_hbm, dst_hbm, zeros_hbm, out_hbm,
                  idx_s, idx_d, rows0, rows1, acc, sem0, sem1):
    cid = lax.axis_index("c")
    sid = lax.axis_index("s")
    wid = cid * NS + sid
    pltpu.sync_copy(zeros_hbm, acc.at[pl.ds(sid * ROWS_PER_TILE, ROWS_PER_TILE)])
    plsc.subcore_barrier()

    rows = (rows0, rows1)
    sems = (sem0, sem1)
    for ph in range(NPHASE):
        base = wid * CHUNKS_PER_TILE + ph * PHASE_CHUNKS
        pltpu.sync_copy(src_hbm.at[pl.ds(base, PHASE_CHUNKS)], idx_s)
        pltpu.sync_copy(dst_hbm.at[pl.ds(base, PHASE_CHUNKS)], idx_d)
        pltpu.async_copy(u_hbm.at[idx_s.at[0]], rows0, sem0)
        pltpu.async_copy(u_hbm.at[idx_s.at[1]], rows1, sem1)

        def body(jj, carry):
            for b in range(2):
                j = 2 * jj + b
                pltpu.make_async_copy(u_hbm.at[idx_s.at[j]], rows[b], sems[b]).wait()
                pltpu.sync_copy(rows[b], acc.at[idx_d.at[j]], add=True)
                pltpu.async_copy(u_hbm.at[idx_s.at[j + 2]], rows[b], sems[b])
            return carry

        lax.fori_loop(0, PHASE_CHUNKS // 2 - 1, body, 0)
        for b in range(2):
            j = PHASE_CHUNKS - 2 + b
            pltpu.make_async_copy(u_hbm.at[idx_s.at[j]], rows[b], sems[b]).wait()
            pltpu.sync_copy(rows[b], acc.at[idx_d.at[j]], add=True)

    plsc.subcore_barrier()
    pltpu.sync_copy(acc.at[pl.ds(sid * ROWS_PER_TILE, ROWS_PER_TILE)],
                    out_hbm.at[cid, pl.ds(sid * ROWS_PER_TILE, ROWS_PER_TILE)])


@functools.cache
def _get_scatter_kernel():
    mesh = plsc.VectorSubcoreMesh(core_axis_name="c", subcore_axis_name="s")
    return pl.kernel(
        _scatter_body,
        out_type=jax.ShapeDtypeStruct((NC, N_PAD, FH), jnp.float32),
        mesh=mesh,
        scratch_types=[
            pltpu.VMEM((PHASE_CHUNKS, CHUNK), jnp.int32),
            pltpu.VMEM((PHASE_CHUNKS, CHUNK), jnp.int32),
            pltpu.VMEM((CHUNK, FH), jnp.float32),
            pltpu.VMEM((CHUNK, FH), jnp.float32),
            pltpu.VMEM_SHARED((N_PAD, FH), jnp.float32),
            pltpu.SemaphoreType.DMA,
            pltpu.SemaphoreType.DMA,
        ],
    )


def _sc_degree(src2):
    ones = jnp.ones((CHUNK, FH), jnp.float32)
    zeros = jnp.zeros((ROWS_PER_TILE, FH), jnp.float32)
    return _get_deg_kernel()(src2, ones, zeros)


def _sc_scatter(u, src2, dst2):
    zeros = jnp.zeros((ROWS_PER_TILE, FH), jnp.float32)
    return _get_scatter_kernel()(u, src2, dst2, zeros)


_RB = 1000
_GRID = N // _RB

def _row_spec(w):
    return pl.BlockSpec((_RB, w), lambda i: (i, 0))


def _p0_body(dega, degb, x, dis_o, u0_o):
    deg = dega[...] + degb[...]
    dis = jnp.where(deg > 0, lax.rsqrt(jnp.maximum(deg, 1e-12)), 0.0)
    dis_o[...] = dis
    u0_o[...] = dis * x[...]


def _tc_p0(dega, degb, x):
    return pl.pallas_call(
        _p0_body,
        grid=(_GRID,),
        in_specs=[_row_spec(1), _row_spec(1), _row_spec(FH)],
        out_specs=[_row_spec(1), _row_spec(FH)],
        out_shape=[jax.ShapeDtypeStruct((N, 1), jnp.float32),
                   jax.ShapeDtypeStruct((N, FH), jnp.float32)],
    )(dega, degb, x)


def _p1_body(a0, a1, dis, tx1_o, u1_o):
    dis_ = dis[...]
    tx1 = -dis_ * (a0[...] + a1[...])
    tx1_o[...] = tx1
    u1_o[...] = dis_ * tx1


def _tc_p1(a0, a1, dis):
    return pl.pallas_call(
        _p1_body,
        grid=(_GRID,),
        in_specs=[_row_spec(FH), _row_spec(FH), _row_spec(1)],
        out_specs=[_row_spec(FH), _row_spec(FH)],
        out_shape=[jax.ShapeDtypeStruct((N, FH), jnp.float32),
                   jax.ShapeDtypeStruct((N, FH), jnp.float32)],
    )(a0, a1, dis)


def _p2_body(a0, a1, dis, x, tx2_o, u2_o):
    dis_ = dis[...]
    tx2 = -2.0 * dis_ * (a0[...] + a1[...]) - x[...]
    tx2_o[...] = tx2
    u2_o[...] = dis_ * tx2


def _tc_p2(a0, a1, dis, x):
    return pl.pallas_call(
        _p2_body,
        grid=(_GRID,),
        in_specs=[_row_spec(FH), _row_spec(FH), _row_spec(1), _row_spec(FH)],
        out_specs=[_row_spec(FH), _row_spec(FH)],
        out_shape=[jax.ShapeDtypeStruct((N, FH), jnp.float32),
                   jax.ShapeDtypeStruct((N, FH), jnp.float32)],
    )(a0, a1, dis, x)


def _head_body(a0, a1, dis, x, tx1, tx2, wc, bias, wco, wlin, blin, y_o):
    dis_ = dis[...]
    tx3 = -2.0 * dis_ * (a0[...] + a1[...]) - tx1[...]
    z = jnp.dot(x[...], wc[0], preferred_element_type=jnp.float32)
    z += jnp.dot(tx1[...], wc[1], preferred_element_type=jnp.float32)
    z += jnp.dot(tx2[...], wc[2], preferred_element_type=jnp.float32)
    z += jnp.dot(tx3, wc[3], preferred_element_type=jnp.float32)
    z += bias[...]
    gi = jax.nn.sigmoid(z[:, :FH])
    gt = jnp.tanh(z[:, 2 * FH:3 * FH])
    c = gi * gt
    go = jax.nn.sigmoid(z[:, 3 * FH:] + wco[...] * c)
    h = go * jnp.tanh(c)
    y_o[...] = jnp.dot(h, wlin[...], preferred_element_type=jnp.float32) + blin[...]


def _tc_head(a0, a1, dis, x, tx1, tx2, wc, bias, wco, wlin, blin):
    full = lambda s: pl.BlockSpec(s, lambda i: tuple(0 for _ in s))
    return pl.pallas_call(
        _head_body,
        grid=(_GRID,),
        in_specs=[_row_spec(FH), _row_spec(FH), _row_spec(1), _row_spec(FH),
                  _row_spec(FH), _row_spec(FH),
                  full((4, FH, 4 * FH)), full((1, 4 * FH)), full((1, FH)),
                  full((FH, 1)), full((1, 1))],
        out_specs=_row_spec(1),
        out_shape=jax.ShapeDtypeStruct((N, 1), jnp.float32),
    )(a0, a1, dis, x, tx1, tx2, wc, bias, wco, wlin, blin)


def kernel(x, edge_index, params):
    p = params
    src2 = edge_index[0].reshape(NW * CHUNKS_PER_TILE, CHUNK)
    dst2 = edge_index[1].reshape(NW * CHUNKS_PER_TILE, CHUNK)

    deg2 = _sc_degree(src2)
    dega = deg2[0, :N, 0:1]
    degb = deg2[1, :N, 0:1]
    dis, u0 = _tc_p0(dega, degb, x)

    a1 = _sc_scatter(u0, src2, dst2)
    tx1, u1 = _tc_p1(a1[0, :N], a1[1, :N], dis)
    a2 = _sc_scatter(u1, src2, dst2)
    tx2, u2 = _tc_p2(a2[0, :N], a2[1, :N], dis, x)
    a3 = _sc_scatter(u2, src2, dst2)

    wc = jnp.stack([
        jnp.concatenate([p["W_x_" + g][k] for g in ("i", "f", "c", "o")], axis=1)
        for k in range(4)])
    bias = jnp.concatenate(
        [(p["b_x_" + g] + p["b_h_" + g] + p["b_" + g][0])[None, :]
         for g in ("i", "f", "c", "o")], axis=1)
    blin = p["b_lin"].reshape(1, 1)

    return _tc_head(a3[0, :N], a3[1, :N], dis, x, tx1, tx2,
                    wc, bias, p["w_c_o"], p["W_lin"], blin)

# --- scband reference (transcript-rebuilt; emitter-appended) ---
"""Pipeline reference for scband-ourlstm-20968030339130 (READ-ONLY COPY).

The authoritative reference and input builder live on the scoring server;
editing this copy changes nothing except your own understanding.
"""

import jax, jax.numpy as jnp
import numpy as np

N = 10000
E = 320000
F_IN = 128
F_H = 128
K = 4

def setup_inputs(seed: int = 0):
    key = jax.random.key(seed)
    ks = jax.random.split(key, 32)
    x = jax.random.normal(ks[0], (N, F_IN), dtype=jnp.float32)
    edge_index = jax.random.randint(ks[1], (2, E), 0, N, dtype=jnp.int32)
    params = {}
    i = 2
    for name, fin in [("x_i", F_IN), ("h_i", F_H), ("x_f", F_IN), ("h_f", F_H), ("x_c", F_IN), ("h_c", F_H), ("x_o", F_IN), ("h_o", F_H)]:
        params["W_" + name] = jax.random.normal(ks[i], (K, fin, F_H), dtype=jnp.float32) * 0.05
        i += 1
        params["b_" + name] = jnp.zeros((F_H,), dtype=jnp.float32)
    for g in ["i", "f", "o"]:
        params["w_c_" + g] = jax.random.normal(ks[i], (1, F_H), dtype=jnp.float32) * 0.05
        i += 1
    for g in ["i", "f", "c", "o"]:
        params["b_" + g] = jnp.zeros((1, F_H), dtype=jnp.float32)
    params["W_lin"] = jax.random.normal(ks[i], (F_H, 1), dtype=jnp.float32) * 0.05
    params["b_lin"] = jnp.zeros((1,), dtype=jnp.float32)
    return {"x": x, "edge_index": edge_index, "params": params}

def _cheb(x, src, dst, norm, W, b):
    # ChebConv with K=4, sym normalization, lambda_max=2.0 (scaled Laplacian has zero diagonal)
    Tx0 = x
    out = Tx0 @ W[0]
    Tx1 = jax.ops.segment_sum(norm[:, None] * Tx0[src], dst, num_segments=N)
    out = out + Tx1 @ W[1]
    for k in range(2, K):
        Tx2 = 2.0 * jax.ops.segment_sum(norm[:, None] * Tx1[src], dst, num_segments=N) - Tx0
        out = out + Tx2 @ W[k]
        Tx0, Tx1 = Tx1, Tx2
    return out + b

def _forward(x, params, src, dst, norm):
    p = params
    H = jnp.zeros((N, F_H), dtype=jnp.float32)
    C = jnp.zeros((N, F_H), dtype=jnp.float32)
    I = jax.nn.sigmoid(_cheb(x, src, dst, norm, p["W_x_i"], p["b_x_i"]) + _cheb(H, src, dst, norm, p["W_h_i"], p["b_h_i"]) + p["w_c_i"] * C + p["b_i"])
    F = jax.nn.sigmoid(_cheb(x, src, dst, norm, p["W_x_f"], p["b_x_f"]) + _cheb(H, src, dst, norm, p["W_h_f"], p["b_h_f"]) + p["w_c_f"] * C + p["b_f"])
    T = jnp.tanh(_cheb(x, src, dst, norm, p["W_x_c"], p["b_x_c"]) + _cheb(H, src, dst, norm, p["W_h_c"], p["b_h_c"]) + p["b_c"])
    C = F * C + I * T
    O = jax.nn.sigmoid(_cheb(x, src, dst, norm, p["W_x_o"], p["b_x_o"]) + _cheb(H, src, dst, norm, p["W_h_o"], p["b_h_o"]) + p["w_c_o"] * C + p["b_o"])
    H = O * jnp.tanh(C)
    # dropout is identity in eval mode; final linear head
    return H @ p["W_lin"] + p["b_lin"]

def reference(x, edge_index, params):
    src = edge_index[0]
    dst = edge_index[1]
    w = jnp.ones((E,), dtype=jnp.float32)
    deg = jax.ops.segment_sum(w, src, num_segments=N)
    dis = jnp.where(deg > 0, 1.0 / jnp.sqrt(jnp.maximum(deg, 1e-12)), 0.0)
    norm = -dis[src] * w * dis[dst]
    return _forward(x, params, src, dst, norm)

if __name__ == "__main__":
    import jax
    _d = setup_inputs()
    print(jax.jit(kernel)(*tuple(_d.values())))

</pallas_src>

<mosaic_0001>
#map = affine_map<(d0, d1) -> (0, 0)>
#map1 = affine_map<(d0, d1) -> (0, 0, 0)>
module attributes {stable_mosaic.version = 14 : i64} {
  func.func @_scatter_body(%arg0: i32, %arg1: i32, %arg2: memref<10000x128xf32, #tpu.memory_space<hbm>>, %arg3: memref<2560x125xi32, #tpu.memory_space<hbm>>, %arg4: memref<2560x125xi32, #tpu.memory_space<hbm>>, %arg5: memref<640x128xf32, #tpu.memory_space<hbm>>, %arg6: memref<2x10240x128xf32, #tpu.memory_space<hbm>>, %arg7: memref<40x125xi32, #tpu.memory_space<vmem>>, %arg8: memref<40x125xi32, #tpu.memory_space<vmem>>, %arg9: memref<125x128xf32, #tpu.memory_space<vmem>>, %arg10: memref<125x128xf32, #tpu.memory_space<vmem>>, %arg11: memref<10240x128xf32, #tpu.memory_space<vmem_shared>>, %arg12: memref<!tpu.dma_semaphore, #tpu.memory_space<semaphore_mem>>, %arg13: memref<!tpu.dma_semaphore, #tpu.memory_space<semaphore_mem>>) attributes {dimension_semantics = [#tpu.dimension_semantics<core_parallel>, #tpu.dimension_semantics<subcore_parallel>], iteration_bounds = array<i64: 2, 16>, scalar_prefetch = 0 : i64, scratch_operands = 7 : i64, tpu.core_type = #tpu.core_type<sc_vector_subcore>, window_params = [{transform_indices = #map}, {transform_indices = #map}, {transform_indices = #map}, {transform_indices = #map}, {transform_indices = #map1}]} {
    %mul3A = arith.constant 16 : i32
    %mul3A_0 = arith.muli %arg0, %mul3A : i32
    %add3A = arith.addi %mul3A_0, %arg1 : i32
    %mul3A_1 = arith.constant 640 : i32
    %mul3A_2 = arith.muli %arg1, %mul3A_1 : i32
    "tpu.region"() ({
      %run_scoped3A_84 = tpu.sem_alloc : memref<!tpu.dma_semaphore, #tpu.memory_space<semaphore_mem>>
      %dma_start3A_85 = arith.constant 0 : i32
      %dma_start3A_86 = tpu.memref_slice %arg11[%mul3A_2, %dma_start3A_85] : memref<10240x128xf32, #tpu.memory_space<vmem_shared>> -> memref<640x128xf32, #tpu.memory_space<vmem_shared>>
      tpu.enqueue_dma source(%arg5 : memref<640x128xf32, #tpu.memory_space<hbm>>) target(%dma_start3A_86 : memref<640x128xf32, #tpu.memory_space<vmem_shared>>) target_semaphore(%run_scoped3A_84 : memref<!tpu.dma_semaphore, #tpu.memory_space<semaphore_mem>>)
      %dma_wait3A_87 = arith.constant 0 : i32
      %dma_wait3A_88 = tpu.memref_slice %arg11[%mul3A_2, %dma_wait3A_87] : memref<10240x128xf32, #tpu.memory_space<vmem_shared>> -> memref<640x128xf32, #tpu.memory_space<vmem_shared>>
      tpu.wait_dma2 semaphore(%run_scoped3A_84 : memref<!tpu.dma_semaphore, #tpu.memory_space<semaphore_mem>>) src(%arg5 : memref<640x128xf32, #tpu.memory_space<hbm>>) dst(%dma_wait3A_88 : memref<640x128xf32, #tpu.memory_space<vmem_shared>>)
      tpu.yield
    }) : () -> ()
    %barrier3A = arith.constant 0 : index
    tpu.barrier barrier_id(%barrier3A)
    %mul3A_3 = arith.constant 80 : i32
    %mul3A_4 = arith.muli %add3A, %mul3A_3 : i32
    %add3A_5 = arith.constant 0 : i32
    %add3A_6 = arith.addi %mul3A_4, %add3A_5 : i32
    "tpu.region"() ({
      %run_scoped3A_84 = tpu.sem_alloc : memref<!tpu.dma_semaphore, #tpu.memory_space<semaphore_mem>>
      %dma_start3A_85 = arith.constant 0 : i32
      %dma_start3A_86 = tpu.memref_slice %arg3[%add3A_6, %dma_start3A_85] : memref<2560x125xi32, #tpu.memory_space<hbm>> -> memref<40x125xi32, #tpu.memory_space<hbm>>
      %dma_start3A_87 = arith.constant 0 : i32
      %dma_start3A_88 = tpu.memref_slice %arg3[%add3A_6, %dma_start3A_87] : memref<2560x125xi32, #tpu.memory_space<hbm>> -> memref<40x125xi32, #tpu.memory_space<hbm>>
      tpu.enqueue_dma source(%dma_start3A_88 : memref<40x125xi32, #tpu.memory_space<hbm>>) target(%arg7 : memref<40x125xi32, #tpu.memory_space<vmem>>) target_semaphore(%run_scoped3A_84 : memref<!tpu.dma_semaphore, #tpu.memory_space<semaphore_mem>>)
      %dma_wait3A_89 = arith.constant 0 : i32
      %dma_wait3A_90 = tpu.memref_slice %arg3[%add3A_6, %dma_wait3A_89] : memref<2560x125xi32, #tpu.memory_space<hbm>> -> memref<40x125xi32, #tpu.memory_space<hbm>>
      %dma_wait3A_91 = arith.constant 0 : i32
      %dma_wait3A_92 = tpu.memref_slice %arg3[%add3A_6, %dma_wait3A_91] : memref<2560x125xi32, #tpu.memory_space<hbm>> -> memref<40x125xi32, #tpu.memory_space<hbm>>
      tpu.wait_dma2 semaphore(%run_scoped3A_84 : memref<!tpu.dma_semaphore, #tpu.memory_space<semaphore_mem>>) src(%dma_wait3A_92 : memref<40x125xi32, #tpu.memory_space<hbm>>) dst(%arg7 : memref<40x125xi32, #tpu.memory_space<vmem>>)
      tpu.yield
    }) : () -> ()
    "tpu.region"() ({
      %run_scoped3A_84 = tpu.sem_alloc : memref<!tpu.dma_semaphore, #tpu.memory_space<semaphore_mem>>
      %dma_start3A_85 = arith.constant 0 : i32
      %dma_start3A_86 = tpu.memref_slice %arg4[%add3A_6, %dma_start3A_85] : memref<2560x125xi32, #tpu.memory_space<hbm>> -> memref<40x125xi32, #tpu.memory_space<hbm>>
      %dma_start3A_87 = arith.constant 0 : i32
      %dma_start3A_88 = tpu.memref_slice %arg4[%add3A_6, %dma_start3A_87] : memref<2560x125xi32, #tpu.memory_space<hbm>> -> memref<40x125xi32, #tpu.memory_space<hbm>>
      tpu.enqueue_dma source(%dma_start3A_88 : memref<40x125xi32, #tpu.memory_space<hbm>>) target(%arg8 : memref<40x125xi32, #tpu.memory_space<vmem>>) target_semaphore(%run_scoped3A_84 : memref<!tpu.dma_semaphore, #tpu.memory_space<semaphore_mem>>)
      %dma_wait3A_89 = arith.constant 0 : i32
      %dma_wait3A_90 = tpu.memref_slice %arg4[%add3A_6, %dma_wait3A_89] : memref<2560x125xi32, #tpu.memory_space<hbm>> -> memref<40x125xi32, #tpu.memory_space<hbm>>
      %dma_wait3A_91 = arith.constant 0 : i32
      %dma_wait3A_92 = tpu.memref_slice %arg4[%add3A_6, %dma_wait3A_91] : memref<2560x125xi32, #tpu.memory_space<hbm>> -> memref<40x125xi32, #tpu.memory_space<hbm>>
      tpu.wait_dma2 semaphore(%run_scoped3A_84 : memref<!tpu.dma_semaphore, #tpu.memory_space<semaphore_mem>>) src(%dma_wait3A_92 : memref<40x125xi32, #tpu.memory_space<hbm>>) dst(%arg8 : memref<40x125xi32, #tpu.memory_space<vmem>>)
      tpu.yield
    }) : () -> ()
    %dma_start3A = arith.constant 0 : i32
    %dma_start3A_7 = arith.constant 0 : i32
    %dma_start3A_8 = tpu.memref_slice %arg7[%dma_start3A, %dma_start3A_7] : memref<40x125xi32, #tpu.memory_space<vmem>> -> memref<1x125xi32, #tpu.memory_space<vmem>>
    %dma_start3A_9 = tpu.memref_squeeze %dma_start3A_8 : memref<1x125xi32, #tpu.memory_space<vmem>> -> memref<125xi32, #tpu.memory_space<vmem>>
    %dma_start3A_10 = arith.constant 0 : i32
    %dma_start3A_11 = arith.constant 0 : i32
    %dma_start3A_12 = tpu.memref_slice %arg2[%dma_start3A_10, %dma_start3A_11] : memref<10000x128xf32, #tpu.memory_space<hbm>> -> memref<10000x128xf32, #tpu.memory_space<hbm>>
    tpu.enqueue_indirect_dma source(%dma_start3A_12 : memref<10000x128xf32, #tpu.memory_space<hbm>>) target(%arg9 : memref<125x128xf32, #tpu.memory_space<vmem>>) offsets(%dma_start3A_9 : memref<125xi32, #tpu.memory_space<vmem>>) semaphore(%arg12 : memref<!tpu.dma_semaphore, #tpu.memory_space<semaphore_mem>>)
    %dma_start3A_13 = arith.constant 1 : i32
    %dma_start3A_14 = arith.constant 0 : i32
    %dma_start3A_15 = tpu.memref_slice %arg7[%dma_start3A_13, %dma_start3A_14] : memref<40x125xi32, #tpu.memory_space<vmem>> -> memref<1x125xi32, #tpu.memory_space<vmem>>
    %dma_start3A_16 = tpu.memref_squeeze %dma_start3A_15 : memref<1x125xi32, #tpu.memory_space<vmem>> -> memref<125xi32, #tpu.memory_space<vmem>>
    %dma_start3A_17 = arith.constant 0 : i32
    %dma_start3A_18 = arith.constant 0 : i32
    %dma_start3A_19 = tpu.memref_slice %arg2[%dma_start3A_17, %dma_start3A_18] : memref<10000x128xf32, #tpu.memory_space<hbm>> -> memref<10000x128xf32, #tpu.memory_space<hbm>>
    tpu.enqueue_indirect_dma source(%dma_start3A_19 : memref<10000x128xf32, #tpu.memory_space<hbm>>) target(%arg10 : memref<125x128xf32, #tpu.memory_space<vmem>>) offsets(%dma_start3A_16 : memref<125xi32, #tpu.memory_space<vmem>>) semaphore(%arg13 : memref<!tpu.dma_semaphore, #tpu.memory_space<semaphore_mem>>)
    %scan3A = arith.constant 0 : i32
    %scan3A_20 = arith.constant 0 : i32
    %scan3A_21 = arith.constant 19 : i32
    %scan3A_22 = arith.addi %scan3A_20, %scan3A_21 : i32
    %scan3A_23 = arith.constant 1 : i32
    scf.for %scan3A_84 = %scan3A_20 to %scan3A_22 step %scan3A_23  : i32 {
      %mul3A_85 = arith.constant 2 : i32
      %mul3A_86 = arith.muli %mul3A_85, %scan3A_84 : i32
      %add3A_87 = arith.constant 0 : i32
      %add3A_88 = arith.addi %mul3A_86, %add3A_87 : i32
      %dma_wait3A_89 = arith.constant 0 : i32
      %dma_wait3A_90 = tpu.memref_slice %arg7[%add3A_88, %dma_wait3A_89] : memref<40x125xi32, #tpu.memory_space<vmem>> -> memref<1x125xi32, #tpu.memory_space<vmem>>
      %dma_wait3A_91 = tpu.memref_squeeze %dma_wait3A_90 : memref<1x125xi32, #tpu.memory_space<vmem>> -> memref<125xi32, #tpu.memory_space<vmem>>
      %dma_wait3A_92 = arith.constant 0 : i32
      %dma_wait3A_93 = arith.constant 0 : i32
      %dma_wait3A_94 = tpu.memref_slice %arg2[%dma_wait3A_92, %dma_wait3A_93] : memref<10000x128xf32, #tpu.memory_space<hbm>> -> memref<10000x128xf32, #tpu.memory_space<hbm>>
      tpu.wait_indirect_dma semaphore(%arg12 : memref<!tpu.dma_semaphore, #tpu.memory_space<semaphore_mem>>) src(%dma_wait3A_94 : memref<10000x128xf32, #tpu.memory_space<hbm>>) dst(%arg9 : memref<125x128xf32, #tpu.memory_space<vmem>>)
      "tpu.region"() ({
        %run_scoped3A_121 = tpu.sem_alloc : memref<!tpu.dma_semaphore, #tpu.memory_space<semaphore_mem>>
        %dma_start3A_122 = arith.constant 0 : i32
        %dma_start3A_123 = tpu.memref_slice %arg8[%add3A_88, %dma_start3A_122] : memref<40x125xi32, #tpu.memory_space<vmem>> -> memref<1x125xi32, #tpu.memory_space<vmem>>
        %dma_start3A_124 = tpu.memref_squeeze %dma_start3A_123 : memref<1x125xi32, #tpu.memory_space<vmem>> -> memref<125xi32, #tpu.memory_space<vmem>>
        %dma_start3A_125 = arith.constant 0 : i32
        %dma_start3A_126 = arith.constant 0 : i32
        %dma_start3A_127 = tpu.memref_slice %arg11[%dma_start3A_125, %dma_start3A_126] : memref<10240x128xf32, #tpu.memory_space<vmem_shared>> -> memref<10240x128xf32, #tpu.memory_space<vmem_shared>>
        tpu.enqueue_indirect_dma source(%arg9 : memref<125x128xf32, #tpu.memory_space<vmem>>) target(%dma_start3A_127 : memref<10240x128xf32, #tpu.memory_space<vmem_shared>>) offsets(%dma_start3A_124 : memref<125xi32, #tpu.memory_space<vmem>>) semaphore(%run_scoped3A_121 : memref<!tpu.dma_semaphore, #tpu.memory_space<semaphore_mem>>) {add = true}
        %dma_wait3A_128 = arith.constant 0 : i32
        %dma_wait3A_129 = tpu.memref_slice %arg8[%add3A_88, %dma_wait3A_128] : memref<40x125xi32, #tpu.memory_space<vmem>> -> memref<1x125xi32, #tpu.memory_space<vmem>>
        %dma_wait3A_130 = tpu.memref_squeeze %dma_wait3A_129 : memref<1x125xi32, #tpu.memory_space<vmem>> -> memref<125xi32, #tpu.memory_space<vmem>>
        %dma_wait3A_131 = arith.constant 0 : i32
        %dma_wait3A_132 = arith.constant 0 : i32
        %dma_wait3A_133 = tpu.memref_slice %arg11[%dma_wait3A_131, %dma_wait3A_132] : memref<10240x128xf32, #tpu.memory_space<vmem_shared>> -> memref<10240x128xf32, #tpu.memory_space<vmem_shared>>
        tpu.wait_indirect_dma semaphore(%run_scoped3A_121 : memref<!tpu.dma_semaphore, #tpu.memory_space<semaphore_mem>>) src(%arg9 : memref<125x128xf32, #tpu.memory_space<vmem>>) dst(%dma_wait3A_133 : memref<10240x128xf32, #tpu.memory_space<vmem_shared>>)
        tpu.yield
      }) : () -> ()
      %add3A_95 = arith.constant 2 : i32
      %add3A_96 = arith.addi %add3A_88, %add3A_95 : i32
      %dma_start3A_97 = arith.constant 0 : i32
      %dma_start3A_98 = tpu.memref_slice %arg7[%add3A_96, %dma_start3A_97] : memref<40x125xi32, #tpu.memory_space<vmem>> -> memref<1x125xi32, #tpu.memory_space<vmem>>
      %dma_start3A_99 = tpu.memref_squeeze %dma_start3A_98 : memref<1x125xi32, #tpu.memory_space<vmem>> -> memref<125xi32, #tpu.memory_space<vmem>>
      %dma_start3A_100 = arith.constant 0 : i32
      %dma_start3A_101 = arith.constant 0 : i32
      %dma_start3A_102 = tpu.memref_slice %arg2[%dma_start3A_100, %dma_start3A_101] : memref<10000x128xf32, #tpu.memory_space<hbm>> -> memref<10000x128xf32, #tpu.memory_space<hbm>>
      tpu.enqueue_indirect_dma source(%dma_start3A_102 : memref<10000x128xf32, #tpu.memory_space<hbm>>) target(%arg9 : memref<125x128xf32, #tpu.memory_space<vmem>>) offsets(%dma_start3A_99 : memref<125xi32, #tpu.memory_space<vmem>>) semaphore(%arg12 : memref<!tpu.dma_semaphore, #tpu.memory_space<semaphore_mem>>)
      %mul3A_103 = arith.constant 2 : i32
      %mul3A_104 = arith.muli %mul3A_103, %scan3A_84 : i32
      %add3A_105 = arith.constant 1 : i32
      %add3A_106 = arith.addi %mul3A_104, %add3A_105 : i32
      %dma_wait3A_107 = arith.constant 0 : i32
      %dma_wait3A_108 = tpu.memref_slice %arg7[%add3A_106, %dma_wait3A_107] : memref<40x125xi32, #tpu.memory_space<vmem>> -> memref<1x125xi32, #tpu.memory_space<vmem>>
      %dma_wait3A_109 = tpu.memref_squeeze %dma_wait3A_108 : memref<1x125xi32, #tpu.memory_space<vmem>> -> memref<125xi32, #tpu.memory_space<vmem>>
      %dma_wait3A_110 = arith.constant 0 : i32
      %dma_wait3A_111 = arith.constant 0 : i32
      %dma_wait3A_112 = tpu.memref_slice %arg2[%dma_wait3A_110, %dma_wait3A_111] : memref<10000x128xf32, #tpu.memory_space<hbm>> -> memref<10000x128xf32, #tpu.memory_space<hbm>>
      tpu.wait_indirect_dma semaphore(%arg13 : memref<!tpu.dma_semaphore, #tpu.memory_space<semaphore_mem>>) src(%dma_wait3A_112 : memref<10000x128xf32, #tpu.memory_space<hbm>>) dst(%arg10 : memref<125x128xf32, #tpu.memory_space<vmem>>)
      "tpu.region"() ({
        %run_scoped3A_121 = tpu.sem_alloc : memref<!tpu.dma_semaphore, #tpu.memory_space<semaphore_mem>>
        %dma_start3A_122 = arith.constant 0 : i32
        %dma_start3A_123 = tpu.memref_slice %arg8[%add3A_106, %dma_start3A_122] : memref<40x125xi32, #tpu.memory_space<vmem>> -> memref<1x125xi32, #tpu.memory_space<vmem>>
        %dma_start3A_124 = tpu.memref_squeeze %dma_start3A_123 : memref<1x125xi32, #tpu.memory_space<vmem>> -> memref<125xi32, #tpu.memory_space<vmem>>
        %dma_start3A_125 = arith.constant 0 : i32
        %dma_start3A_126 = arith.constant 0 : i32
        %dma_start3A_127 = tpu.memref_slice %arg11[%dma_start3A_125, %dma_start3A_126] : memref<10240x128xf32, #tpu.memory_space<vmem_shared>> -> memref<10240x128xf32, #tpu.memory_space<vmem_shared>>
        tpu.enqueue_indirect_dma source(%arg10 : memref<125x128xf32, #tpu.memory_space<vmem>>) target(%dma_start3A_127 : memref<10240x128xf32, #tpu.memory_space<vmem_shared>>) offsets(%dma_start3A_124 : memref<125xi32, #tpu.memory_space<vmem>>) semaphore(%run_scoped3A_121 : memref<!tpu.dma_semaphore, #tpu.memory_space<semaphore_mem>>) {add = true}
        %dma_wait3A_128 = arith.constant 0 : i32
        %dma_wait3A_129 = tpu.memref_slice %arg8[%add3A_106, %dma_wait3A_128] : memref<40x125xi32, #tpu.memory_space<vmem>> -> memref<1x125xi32, #tpu.memory_space<vmem>>
        %dma_wait3A_130 = tpu.memref_squeeze %dma_wait3A_129 : memref<1x125xi32, #tpu.memory_space<vmem>> -> memref<125xi32, #tpu.memory_space<vmem>>
        %dma_wait3A_131 = arith.constant 0 : i32
        %dma_wait3A_132 = arith.constant 0 : i32
        %dma_wait3A_133 = tpu.memref_slice %arg11[%dma_wait3A_131, %dma_wait3A_132] : memref<10240x128xf32, #tpu.memory_space<vmem_shared>> -> memref<10240x128xf32, #tpu.memory_space<vmem_shared>>
        tpu.wait_indirect_dma semaphore(%run_scoped3A_121 : memref<!tpu.dma_semaphore, #tpu.memory_space<semaphore_mem>>) src(%arg10 : memref<125x128xf32, #tpu.memory_space<vmem>>) dst(%dma_wait3A_133 : memref<10240x128xf32, #tpu.memory_space<vmem_shared>>)
        tpu.yield
      }) : () -> ()
      %add3A_113 = arith.constant 2 : i32
      %add3A_114 = arith.addi %add3A_106, %add3A_113 : i32
      %dma_start3A_115 = arith.constant 0 : i32
      %dma_start3A_116 = tpu.memref_slice %arg7[%add3A_114, %dma_start3A_115] : memref<40x125xi32, #tpu.memory_space<vmem>> -> memref<1x125xi32, #tpu.memory_space<vmem>>
      %dma_start3A_117 = tpu.memref_squeeze %dma_start3A_116 : memref<1x125xi32, #tpu.memory_space<vmem>> -> memref<125xi32, #tpu.memory_space<vmem>>
      %dma_start3A_118 = arith.constant 0 : i32
      %dma_start3A_119 = arith.constant 0 : i32
      %dma_start3A_120 = tpu.memref_slice %arg2[%dma_start3A_118, %dma_start3A_119] : memref<10000x128xf32, #tpu.memory_space<hbm>> -> memref<10000x128xf32, #tpu.memory_space<hbm>>
      tpu.enqueue_indirect_dma source(%dma_start3A_120 : memref<10000x128xf32, #tpu.memory_space<hbm>>) target(%arg10 : memref<125x128xf32, #tpu.memory_space<vmem>>) offsets(%dma_start3A_117 : memref<125xi32, #tpu.memory_space<vmem>>) semaphore(%arg13 : memref<!tpu.dma_semaphore, #tpu.memory_space<semaphore_mem>>)
    }
    %scan3A_24 = arith.constant 19 : i32
    %dma_wait3A = arith.constant 38 : i32
    %dma_wait3A_25 = arith.constant 0 : i32
    %dma_wait3A_26 = tpu.memref_slice %arg7[%dma_wait3A, %dma_wait3A_25] : memref<40x125xi32, #tpu.memory_space<vmem>> -> memref<1x125xi32, #tpu.memory_space<vmem>>
    %dma_wait3A_27 = tpu.memref_squeeze %dma_wait3A_26 : memref<1x125xi32, #tpu.memory_space<vmem>> -> memref<125xi32, #tpu.memory_space<vmem>>
    %dma_wait3A_28 = arith.constant 0 : i32
    %dma_wait3A_29 = arith.constant 0 : i32
    %dma_wait3A_30 = tpu.memref_slice %arg2[%dma_wait3A_28, %dma_wait3A_29] : memref<10000x128xf32, #tpu.memory_space<hbm>> -> memref<10000x128xf32, #tpu.memory_space<hbm>>
    tpu.wait_indirect_dma semaphore(%arg12 : memref<!tpu.dma_semaphore, #tpu.memory_space<semaphore_mem>>) src(%dma_wait3A_30 : memref<10000x128xf32, #tpu.memory_space<hbm>>) dst(%arg9 : memref<125x128xf32, #tpu.memory_space<vmem>>)
    %run_scoped3A = arith.constant 38 : i32
    "tpu.region"() ({
      %run_scoped3A_84 = tpu.sem_alloc : memref<!tpu.dma_semaphore, #tpu.memory_space<semaphore_mem>>
      %dma_start3A_85 = arith.constant 0 : i32
      %dma_start3A_86 = tpu.memref_slice %arg8[%run_scoped3A, %dma_start3A_85] : memref<40x125xi32, #tpu.memory_space<vmem>> -> memref<1x125xi32, #tpu.memory_space<vmem>>
      %dma_start3A_87 = tpu.memref_squeeze %dma_start3A_86 : memref<1x125xi32, #tpu.memory_space<vmem>> -> memref<125xi32, #tpu.memory_space<vmem>>
      %dma_start3A_88 = arith.constant 0 : i32
      %dma_start3A_89 = arith.constant 0 : i32
      %dma_start3A_90 = tpu.memref_slice %arg11[%dma_start3A_88, %dma_start3A_89] : memref<10240x128xf32, #tpu.memory_space<vmem_shared>> -> memref<10240x128xf32, #tpu.memory_space<vmem_shared>>
      tpu.enqueue_indirect_dma source(%arg9 : memref<125x128xf32, #tpu.memory_space<vmem>>) target(%dma_start3A_90 : memref<10240x128xf32, #tpu.memory_space<vmem_shared>>) offsets(%dma_start3A_87 : memref<125xi32, #tpu.memory_space<vmem>>) semaphore(%run_scoped3A_84 : memref<!tpu.dma_semaphore, #tpu.memory_space<semaphore_mem>>) {add = true}
      %dma_wait3A_91 = arith.constant 0 : i32
      %dma_wait3A_92 = tpu.memref_slice %arg8[%run_scoped3A, %dma_wait3A_91] : memref<40x125xi32, #tpu.memory_space<vmem>> -> memref<1x125xi32, #tpu.memory_space<vmem>>
      %dma_wait3A_93 = tpu.memref_squeeze %dma_wait3A_92 : memref<1x125xi32, #tpu.memory_space<vmem>> -> memref<125xi32, #tpu.memory_space<vmem>>
      %dma_wait3A_94 = arith.constant 0 : i32
      %dma_wait3A_95 = arith.constant 0 : i32
      %dma_wait3A_96 = tpu.memref_slice %arg11[%dma_wait3A_94, %dma_wait3A_95] : memref<10240x128xf32, #tpu.memory_space<vmem_shared>> -> memref<10240x128xf32, #tpu.memory_space<vmem_shared>>
      tpu.wait_indirect_dma semaphore(%run_scoped3A_84 : memref<!tpu.dma_semaphore, #tpu.memory_space<semaphore_mem>>) src(%arg9 : memref<125x128xf32, #tpu.memory_space<vmem>>) dst(%dma_wait3A_96 : memref<10240x128xf32, #tpu.memory_space<vmem_shared>>)
      tpu.yield
    }) : () -> ()
    %dma_wait3A_31 = arith.constant 39 : i32
    %dma_wait3A_32 = arith.constant 0 : i32
    %dma_wait3A_33 = tpu.memref_slice %arg7[%dma_wait3A_31, %dma_wait3A_32] : memref<40x125xi32, #tpu.memory_space<vmem>> -> memref<1x125xi32, #tpu.memory_space<vmem>>
    %dma_wait3A_34 = tpu.memref_squeeze %dma_wait3A_33 : memref<1x125xi32, #tpu.memory_space<vmem>> -> memref<125xi32, #tpu.memory_space<vmem>>
    %dma_wait3A_35 = arith.constant 0 : i32
    %dma_wait3A_36 = arith.constant 0 : i32
    %dma_wait3A_37 = tpu.memref_slice %arg2[%dma_wait3A_35, %dma_wait3A_36] : memref<10000x128xf32, #tpu.memory_space<hbm>> -> memref<10000x128xf32, #tpu.memory_space<hbm>>
    tpu.wait_indirect_dma semaphore(%arg13 : memref<!tpu.dma_semaphore, #tpu.memory_space<semaphore_mem>>) src(%dma_wait3A_37 : memref<10000x128xf32, #tpu.memory_space<hbm>>) dst(%arg10 : memref<125x128xf32, #tpu.memory_space<vmem>>)
    %run_scoped3A_38 = arith.constant 39 : i32
    "tpu.region"() ({
      %run_scoped3A_84 = tpu.sem_alloc : memref<!tpu.dma_semaphore, #tpu.memory_space<semaphore_mem>>
      %dma_start3A_85 = arith.constant 0 : i32
      %dma_start3A_86 = tpu.memref_slice %arg8[%run_scoped3A_38, %dma_start3A_85] : memref<40x125xi32, #tpu.memory_space<vmem>> -> memref<1x125xi32, #tpu.memory_space<vmem>>
      %dma_start3A_87 = tpu.memref_squeeze %dma_start3A_86 : memref<1x125xi32, #tpu.memory_space<vmem>> -> memref<125xi32, #tpu.memory_space<vmem>>
      %dma_start3A_88 = arith.constant 0 : i32
      %dma_start3A_89 = arith.constant 0 : i32
      %dma_start3A_90 = tpu.memref_slice %arg11[%dma_start3A_88, %dma_start3A_89] : memref<10240x128xf32, #tpu.memory_space<vmem_shared>> -> memref<10240x128xf32, #tpu.memory_space<vmem_shared>>
      tpu.enqueue_indirect_dma source(%arg10 : memref<125x128xf32, #tpu.memory_space<vmem>>) target(%dma_start3A_90 : memref<10240x128xf32, #tpu.memory_space<vmem_shared>>) offsets(%dma_start3A_87 : memref<125xi32, #tpu.memory_space<vmem>>) semaphore(%run_scoped3A_84 : memref<!tpu.dma_semaphore, #tpu.memory_space<semaphore_mem>>) {add = true}
      %dma_wait3A_91 = arith.constant 0 : i32
      %dma_wait3A_92 = tpu.memref_slice %arg8[%run_scoped3A_38, %dma_wait3A_91] : memref<40x125xi32, #tpu.memory_space<vmem>> -> memref<1x125xi32, #tpu.memory_space<vmem>>
      %dma_wait3A_93 = tpu.memref_squeeze %dma_wait3A_92 : memref<1x125xi32, #tpu.memory_space<vmem>> -> memref<125xi32, #tpu.memory_space<vmem>>
      %dma_wait3A_94 = arith.constant 0 : i32
      %dma_wait3A_95 = arith.constant 0 : i32
      %dma_wait3A_96 = tpu.memref_slice %arg11[%dma_wait3A_94, %dma_wait3A_95] : memref<10240x128xf32, #tpu.memory_space<vmem_shared>> -> memref<10240x128xf32, #tpu.memory_space<vmem_shared>>
      tpu.wait_indirect_dma semaphore(%run_scoped3A_84 : memref<!tpu.dma_semaphore, #tpu.memory_space<semaphore_mem>>) src(%arg10 : memref<125x128xf32, #tpu.memory_space<vmem>>) dst(%dma_wait3A_96 : memref<10240x128xf32, #tpu.memory_space<vmem_shared>>)
      tpu.yield
    }) : () -> ()
    %mul3A_39 = arith.constant 80 : i32
    %mul3A_40 = arith.muli %add3A, %mul3A_39 : i32
    %add3A_41 = arith.constant 40 : i32
    %add3A_42 = arith.addi %mul3A_40, %add3A_41 : i32
    "tpu.region"() ({
      %run_scoped3A_84 = tpu.sem_alloc : memref<!tpu.dma_semaphore, #tpu.memory_space<semaphore_mem>>
      %dma_start3A_85 = arith.constant 0 : i32
      %dma_start3A_86 = tpu.memref_slice %arg3[%add3A_42, %dma_start3A_85] : memref<2560x125xi32, #tpu.memory_space<hbm>> -> memref<40x125xi32, #tpu.memory_space<hbm>>
      %dma_start3A_87 = arith.constant 0 : i32
      %dma_start3A_88 = tpu.memref_slice %arg3[%add3A_42, %dma_start3A_87] : memref<2560x125xi32, #tpu.memory_space<hbm>> -> memref<40x125xi32, #tpu.memory_space<hbm>>
      tpu.enqueue_dma source(%dma_start3A_88 : memref<40x125xi32, #tpu.memory_space<hbm>>) target(%arg7 : memref<40x125xi32, #tpu.memory_space<vmem>>) target_semaphore(%run_scoped3A_84 : memref<!tpu.dma_semaphore, #tpu.memory_space<semaphore_mem>>)
      %dma_wait3A_89 = arith.constant 0 : i32
      %dma_wait3A_90 = tpu.memref_slice %arg3[%add3A_42, %dma_wait3A_89] : memref<2560x125xi32, #tpu.memory_space<hbm>> -> memref<40x125xi32, #tpu.memory_space<hbm>>
      %dma_wait3A_91 = arith.constant 0 : i32
      %dma_wait3A_92 = tpu.memref_slice %arg3[%add3A_42, %dma_wait3A_91] : memref<2560x125xi32, #tpu.memory_space<hbm>> -> memref<40x125xi32, #tpu.memory_space<hbm>>
      tpu.wait_dma2 semaphore(%run_scoped3A_84 : memref<!tpu.dma_semaphore, #tpu.memory_space<semaphore_mem>>) src(%dma_wait3A_92 : memref<40x125xi32, #tpu.memory_space<hbm>>) dst(%arg7 : memref<40x125xi32, #tpu.memory_space<vmem>>)
      tpu.yield
    }) : () -> ()
    "tpu.region"() ({
      %run_scoped3A_84 = tpu.sem_alloc : memref<!tpu.dma_semaphore, #tpu.memory_space<semaphore_mem>>
      %dma_start3A_85 = arith.constant 0 : i32
      %dma_start3A_86 = tpu.memref_slice %arg4[%add3A_42, %dma_start3A_85] : memref<2560x125xi32, #tpu.memory_space<hbm>> -> memref<40x125xi32, #tpu.memory_space<hbm>>
      %dma_start3A_87 = arith.constant 0 : i32
      %dma_start3A_88 = tpu.memref_slice %arg4[%add3A_42, %dma_start3A_87] : memref<2560x125xi32, #tpu.memory_space<hbm>> -> memref<40x125xi32, #tpu.memory_space<hbm>>
      tpu.enqueue_dma source(%dma_start3A_88 : memref<40x125xi32, #tpu.memory_space<hbm>>) target(%arg8 : memref<40x125xi32, #tpu.memory_space<vmem>>) target_semaphore(%run_scoped3A_84 : memref<!tpu.dma_semaphore, #tpu.memory_space<semaphore_mem>>)
      %dma_wait3A_89 = arith.constant 0 : i32
      %dma_wait3A_90 = tpu.memref_slice %arg4[%add3A_42, %dma_wait3A_89] : memref<2560x125xi32, #tpu.memory_space<hbm>> -> memref<40x125xi32, #tpu.memory_space<hbm>>
      %dma_wait3A_91 = arith.constant 0 : i32
      %dma_wait3A_92 = tpu.memref_slice %arg4[%add3A_42, %dma_wait3A_91] : memref<2560x125xi32, #tpu.memory_space<hbm>> -> memref<40x125xi32, #tpu.memory_space<hbm>>
      tpu.wait_dma2 semaphore(%run_scoped3A_84 : memref<!tpu.dma_semaphore, #tpu.memory_space<semaphore_mem>>) src(%dma_wait3A_92 : memref<40x125xi32, #tpu.memory_space<hbm>>) dst(%arg8 : memref<40x125xi32, #tpu.memory_space<vmem>>)
      tpu.yield
    }) : () -> ()
    %dma_start3A_43 = arith.constant 0 : i32
    %dma_start3A_44 = arith.constant 0 : i32
    %dma_start3A_45 = tpu.memref_slice %arg7[%dma_start3A_43, %dma_start3A_44] : memref<40x125xi32, #tpu.memory_space<vmem>> -> memref<1x125xi32, #tpu.memory_space<vmem>>
    %dma_start3A_46 = tpu.memref_squeeze %dma_start3A_45 : memref<1x125xi32, #tpu.memory_space<vmem>> -> memref<125xi32, #tpu.memory_space<vmem>>
    %dma_start3A_47 = arith.constant 0 : i32
    %dma_start3A_48 = arith.constant 0 : i32
    %dma_start3A_49 = tpu.memref_slice %arg2[%dma_start3A_47, %dma_start3A_48] : memref<10000x128xf32, #tpu.memory_space<hbm>> -> memref<10000x128xf32, #tpu.memory_space<hbm>>
    tpu.enqueue_indirect_dma source(%dma_start3A_49 : memref<10000x128xf32, #tpu.memory_space<hbm>>) target(%arg9 : memref<125x128xf32, #tpu.memory_space<vmem>>) offsets(%dma_start3A_46 : memref<125xi32, #tpu.memory_space<vmem>>) semaphore(%arg12 : memref<!tpu.dma_semaphore, #tpu.memory_space<semaphore_mem>>)
    %dma_start3A_50 = arith.constant 1 : i32
    %dma_start3A_51 = arith.constant 0 : i32
    %dma_start3A_52 = tpu.memref_slice %arg7[%dma_start3A_50, %dma_start3A_51] : memref<40x125xi32, #tpu.memory_space<vmem>> -> memref<1x125xi32, #tpu.memory_space<vmem>>
    %dma_start3A_53 = tpu.memref_squeeze %dma_start3A_52 : memref<1x125xi32, #tpu.memory_space<vmem>> -> memref<125xi32, #tpu.memory_space<vmem>>
    %dma_start3A_54 = arith.constant 0 : i32
    %dma_start3A_55 = arith.constant 0 : i32
    %dma_start3A_56 = tpu.memref_slice %arg2[%dma_start3A_54, %dma_start3A_55] : memref<10000x128xf32, #tpu.memory_space<hbm>> -> memref<10000x128xf32, #tpu.memory_space<hbm>>
    tpu.enqueue_indirect_dma source(%dma_start3A_56 : memref<10000x128xf32, #tpu.memory_space<hbm>>) target(%arg10 : memref<125x128xf32, #tpu.memory_space<vmem>>) offsets(%dma_start3A_53 : memref<125xi32, #tpu.memory_space<vmem>>) semaphore(%arg13 : memref<!tpu.dma_semaphore, #tpu.memory_space<semaphore_mem>>)
    %scan3A_57 = arith.constant 0 : i32
    %scan3A_58 = arith.constant 0 : i32
    %scan3A_59 = arith.constant 19 : i32
    %scan3A_60 = arith.addi %scan3A_58, %scan3A_59 : i32
    %scan3A_61 = arith.constant 1 : i32
    scf.for %scan3A_84 = %scan3A_58 to %scan3A_60 step %scan3A_61  : i32 {
      %mul3A_85 = arith.constant 2 : i32
      %mul3A_86 = arith.muli %mul3A_85, %scan3A_84 : i32
      %add3A_87 = arith.constant 0 : i32
      %add3A_88 = arith.addi %mul3A_86, %add3A_87 : i32
      %dma_wait3A_89 = arith.constant 0 : i32
      %dma_wait3A_90 = tpu.memref_slice %arg7[%add3A_88, %dma_wait3A_89] : memref<40x125xi32, #tpu.memory_space<vmem>> -> memref<1x125xi32, #tpu.memory_space<vmem>>
      %dma_wait3A_91 = tpu.memref_squeeze %dma_wait3A_90 : memref<1x125xi32, #tpu.memory_space<vmem>> -> memref<125xi32, #tpu.memory_space<vmem>>
      %dma_wait3A_92 = arith.constant 0 : i32
      %dma_wait3A_93 = arith.constant 0 : i32
      %dma_wait3A_94 = tpu.memref_slice %arg2[%dma_wait3A_92, %dma_wait3A_93] : memref<10000x128xf32, #tpu.memory_space<hbm>> -> memref<10000x128xf32, #tpu.memory_space<hbm>>
      tpu.wait_indirect_dma semaphore(%arg12 : memref<!tpu.dma_semaphore, #tpu.memory_space<semaphore_mem>>) src(%dma_wait3A_94 : memref<10000x128xf32, #tpu.memory_space<hbm>>) dst(%arg9 : memref<125x128xf32, #tpu.memory_space<vmem>>)
      "tpu.region"() ({
        %run_scoped3A_121 = tpu.sem_alloc : memref<!tpu.dma_semaphore, #tpu.memory_space<semaphore_mem>>
        %dma_start3A_122 = arith.constant 0 : i32
        %dma_start3A_123 = tpu.memref_slice %arg8[%add3A_88, %dma_start3A_122] : memref<40x125xi32, #tpu.memory_space<vmem>> -> memref<1x125xi32, #tpu.memory_space<vmem>>
        %dma_start3A_124 = tpu.memref_squeeze %dma_start3A_123 : memref<1x125xi32, #tpu.memory_space<vmem>> -> memref<125xi32, #tpu.memory_space<vmem>>
        %dma_start3A_125 = arith.constant 0 : i32
        %dma_start3A_126 = arith.constant 0 : i32
        %dma_start3A_127 = tpu.memref_slice %arg11[%dma_start3A_125, %dma_start3A_126] : memref<10240x128xf32, #tpu.memory_space<vmem_shared>> -> memref<10240x128xf32, #tpu.memory_space<vmem_shared>>
        tpu.enqueue_indirect_dma source(%arg9 : memref<125x128xf32, #tpu.memory_space<vmem>>) target(%dma_start3A_127 : memref<10240x128xf32, #tpu.memory_space<vmem_shared>>) offsets(%dma_start3A_124 : memref<125xi32, #tpu.memory_space<vmem>>) semaphore(%run_scoped3A_121 : memref<!tpu.dma_semaphore, #tpu.memory_space<semaphore_mem>>) {add = true}
        %dma_wait3A_128 = arith.constant 0 : i32
        %dma_wait3A_129 = tpu.memref_slice %arg8[%add3A_88, %dma_wait3A_128] : memref<40x125xi32, #tpu.memory_space<vmem>> -> memref<1x125xi32, #tpu.memory_space<vmem>>
        %dma_wait3A_130 = tpu.memref_squeeze %dma_wait3A_129 : memref<1x125xi32, #tpu.memory_space<vmem>> -> memref<125xi32, #tpu.memory_space<vmem>>
        %dma_wait3A_131 = arith.constant 0 : i32
        %dma_wait3A_132 = arith.constant 0 : i32
        %dma_wait3A_133 = tpu.memref_slice %arg11[%dma_wait3A_131, %dma_wait3A_132] : memref<10240x128xf32, #tpu.memory_space<vmem_shared>> -> memref<10240x128xf32, #tpu.memory_space<vmem_shared>>
        tpu.wait_indirect_dma semaphore(%run_scoped3A_121 : memref<!tpu.dma_semaphore, #tpu.memory_space<semaphore_mem>>) src(%arg9 : memref<125x128xf32, #tpu.memory_space<vmem>>) dst(%dma_wait3A_133 : memref<10240x128xf32, #tpu.memory_space<vmem_shared>>)
        tpu.yield
      }) : () -> ()
      %add3A_95 = arith.constant 2 : i32
      %add3A_96 = arith.addi %add3A_88, %add3A_95 : i32
      %dma_start3A_97 = arith.constant 0 : i32
      %dma_start3A_98 = tpu.memref_slice %arg7[%add3A_96, %dma_start3A_97] : memref<40x125xi32, #tpu.memory_space<vmem>> -> memref<1x125xi32, #tpu.memory_space<vmem>>
      %dma_start3A_99 = tpu.memref_squeeze %dma_start3A_98 : memref<1x125xi32, #tpu.memory_space<vmem>> -> memref<125xi32, #tpu.memory_space<vmem>>
      %dma_start3A_100 = arith.constant 0 : i32
      %dma_start3A_101 = arith.constant 0 : i32
      %dma_start3A_102 = tpu.memref_slice %arg2[%dma_start3A_100, %dma_start3A_101] : memref<10000x128xf32, #tpu.memory_space<hbm>> -> memref<10000x128xf32, #tpu.memory_space<hbm>>
      tpu.enqueue_indirect_dma source(%dma_start3A_102 : memref<10000x128xf32, #tpu.memory_space<hbm>>) target(%arg9 : memref<125x128xf32, #tpu.memory_space<vmem>>) offsets(%dma_start3A_99 : memref<125xi32, #tpu.memory_space<vmem>>) semaphore(%arg12 : memref<!tpu.dma_semaphore, #tpu.memory_space<semaphore_mem>>)
      %mul3A_103 = arith.constant 2 : i32
      %mul3A_104 = arith.muli %mul3A_103, %scan3A_84 : i32
      %add3A_105 = arith.constant 1 : i32
      %add3A_106 = arith.addi %mul3A_104, %add3A_105 : i32
      %dma_wait3A_107 = arith.constant 0 : i32
      %dma_wait3A_108 = tpu.memref_slice %arg7[%add3A_106, %dma_wait3A_107] : memref<40x125xi32, #tpu.memory_space<vmem>> -> memref<1x125xi32, #tpu.memory_space<vmem>>
      %dma_wait3A_109 = tpu.memref_squeeze %dma_wait3A_108 : memref<1x125xi32, #tpu.memory_space<vmem>> -> memref<125xi32, #tpu.memory_space<vmem>>
      %dma_wait3A_110 = arith.constant 0 : i32
      %dma_wait3A_111 = arith.constant 0 : i32
      %dma_wait3A_112 = tpu.memref_slice %arg2[%dma_wait3A_110, %dma_wait3A_111] : memref<10000x128xf32, #tpu.memory_space<hbm>> -> memref<10000x128xf32, #tpu.memory_space<hbm>>
      tpu.wait_indirect_dma semaphore(%arg13 : memref<!tpu.dma_semaphore, #tpu.memory_space<semaphore_mem>>) src(%dma_wait3A_112 : memref<10000x128xf32, #tpu.memory_space<hbm>>) dst(%arg10 : memref<125x128xf32, #tpu.memory_space<vmem>>)
      "tpu.region"() ({
        %run_scoped3A_121 = tpu.sem_alloc : memref<!tpu.dma_semaphore, #tpu.memory_space<semaphore_mem>>
        %dma_start3A_122 = arith.constant 0 : i32
        %dma_start3A_123 = tpu.memref_slice %arg8[%add3A_106, %dma_start3A_122] : memref<40x125xi32, #tpu.memory_space<vmem>> -> memref<1x125xi32, #tpu.memory_space<vmem>>
        %dma_start3A_124 = tpu.memref_squeeze %dma_start3A_123 : memref<1x125xi32, #tpu.memory_space<vmem>> -> memref<125xi32, #tpu.memory_space<vmem>>
        %dma_start3A_125 = arith.constant 0 : i32
        %dma_start3A_126 = arith.constant 0 : i32
        %dma_start3A_127 = tpu.memref_slice %arg11[%dma_start3A_125, %dma_start3A_126] : memref<10240x128xf32, #tpu.memory_space<vmem_shared>> -> memref<10240x128xf32, #tpu.memory_space<vmem_shared>>
        tpu.enqueue_indirect_dma source(%arg10 : memref<125x128xf32, #tpu.memory_space<vmem>>) target(%dma_start3A_127 : memref<10240x128xf32, #tpu.memory_space<vmem_shared>>) offsets(%dma_start3A_124 : memref<125xi32, #tpu.memory_space<vmem>>) semaphore(%run_scoped3A_121 : memref<!tpu.dma_semaphore, #tpu.memory_space<semaphore_mem>>) {add = true}
        %dma_wait3A_128 = arith.constant 0 : i32
        %dma_wait3A_129 = tpu.memref_slice %arg8[%add3A_106, %dma_wait3A_128] : memref<40x125xi32, #tpu.memory_space<vmem>> -> memref<1x125xi32, #tpu.memory_space<vmem>>
        %dma_wait3A_130 = tpu.memref_squeeze %dma_wait3A_129 : memref<1x125xi32, #tpu.memory_space<vmem>> -> memref<125xi32, #tpu.memory_space<vmem>>
        %dma_wait3A_131 = arith.constant 0 : i32
        %dma_wait3A_132 = arith.constant 0 : i32
        %dma_wait3A_133 = tpu.memref_slice %arg11[%dma_wait3A_131, %dma_wait3A_132] : memref<10240x128xf32, #tpu.memory_space<vmem_shared>> -> memref<10240x128xf32, #tpu.memory_space<vmem_shared>>
        tpu.wait_indirect_dma semaphore(%run_scoped3A_121 : memref<!tpu.dma_semaphore, #tpu.memory_space<semaphore_mem>>) src(%arg10 : memref<125x128xf32, #tpu.memory_space<vmem>>) dst(%dma_wait3A_133 : memref<10240x128xf32, #tpu.memory_space<vmem_shared>>)
        tpu.yield
      }) : () -> ()
      %add3A_113 = arith.constant 2 : i32
      %add3A_114 = arith.addi %add3A_106, %add3A_113 : i32
      %dma_start3A_115 = arith.constant 0 : i32
      %dma_start3A_116 = tpu.memref_slice %arg7[%add3A_114, %dma_start3A_115] : memref<40x125xi32, #tpu.memory_space<vmem>> -> memref<1x125xi32, #tpu.memory_space<vmem>>
      %dma_start3A_117 = tpu.memref_squeeze %dma_start3A_116 : memref<1x125xi32, #tpu.memory_space<vmem>> -> memref<125xi32, #tpu.memory_space<vmem>>
      %dma_start3A_118 = arith.constant 0 : i32
      %dma_start3A_119 = arith.constant 0 : i32
      %dma_start3A_120 = tpu.memref_slice %arg2[%dma_start3A_118, %dma_start3A_119] : memref<10000x128xf32, #tpu.memory_space<hbm>> -> memref<10000x128xf32, #tpu.memory_space<hbm>>
      tpu.enqueue_indirect_dma source(%dma_start3A_120 : memref<10000x128xf32, #tpu.memory_space<hbm>>) target(%arg10 : memref<125x128xf32, #tpu.memory_space<vmem>>) offsets(%dma_start3A_117 : memref<125xi32, #tpu.memory_space<vmem>>) semaphore(%arg13 : memref<!tpu.dma_semaphore, #tpu.memory_space<semaphore_mem>>)
    }
    %scan3A_62 = arith.constant 19 : i32
    %dma_wait3A_63 = arith.constant 38 : i32
    %dma_wait3A_64 = arith.constant 0 : i32
    %dma_wait3A_65 = tpu.memref_slice %arg7[%dma_wait3A_63, %dma_wait3A_64] : memref<40x125xi32, #tpu.memory_space<vmem>> -> memref<1x125xi32, #tpu.memory_space<vmem>>
    %dma_wait3A_66 = tpu.memref_squeeze %dma_wait3A_65 : memref<1x125xi32, #tpu.memory_space<vmem>> -> memref<125xi32, #tpu.memory_space<vmem>>
    %dma_wait3A_67 = arith.constant 0 : i32
    %dma_wait3A_68 = arith.constant 0 : i32
    %dma_wait3A_69 = tpu.memref_slice %arg2[%dma_wait3A_67, %dma_wait3A_68] : memref<10000x128xf32, #tpu.memory_space<hbm>> -> memref<10000x128xf32, #tpu.memory_space<hbm>>
    tpu.wait_indirect_dma semaphore(%arg12 : memref<!tpu.dma_semaphore, #tpu.memory_space<semaphore_mem>>) src(%dma_wait3A_69 : memref<10000x128xf32, #tpu.memory_space<hbm>>) dst(%arg9 : memref<125x128xf32, #tpu.memory_space<vmem>>)
    %run_scoped3A_70 = arith.constant 38 : i32
    "tpu.region"() ({
      %run_scoped3A_84 = tpu.sem_alloc : memref<!tpu.dma_semaphore, #tpu.memory_space<semaphore_mem>>
      %dma_start3A_85 = arith.constant 0 : i32
      %dma_start3A_86 = tpu.memref_slice %arg8[%run_scoped3A_70, %dma_start3A_85] : memref<40x125xi32, #tpu.memory_space<vmem>> -> memref<1x125xi32, #tpu.memory_space<vmem>>
      %dma_start3A_87 = tpu.memref_squeeze %dma_start3A_86 : memref<1x125xi32, #tpu.memory_space<vmem>> -> memref<125xi32, #tpu.memory_space<vmem>>
      %dma_start3A_88 = arith.constant 0 : i32
      %dma_start3A_89 = arith.constant 0 : i32
      %dma_start3A_90 = tpu.memref_slice %arg11[%dma_start3A_88, %dma_start3A_89] : memref<10240x128xf32, #tpu.memory_space<vmem_shared>> -> memref<10240x128xf32, #tpu.memory_space<vmem_shared>>
      tpu.enqueue_indirect_dma source(%arg9 : memref<125x128xf32, #tpu.memory_space<vmem>>) target(%dma_start3A_90 : memref<10240x128xf32, #tpu.memory_space<vmem_shared>>) offsets(%dma_start3A_87 : memref<125xi32, #tpu.memory_space<vmem>>) semaphore(%run_scoped3A_84 : memref<!tpu.dma_semaphore, #tpu.memory_space<semaphore_mem>>) {add = true}
      %dma_wait3A_91 = arith.constant 0 : i32
      %dma_wait3A_92 = tpu.memref_slice %arg8[%run_scoped3A_70, %dma_wait3A_91] : memref<40x125xi32, #tpu.memory_space<vmem>> -> memref<1x125xi32, #tpu.memory_space<vmem>>
      %dma_wait3A_93 = tpu.memref_squeeze %dma_wait3A_92 : memref<1x125xi32, #tpu.memory_space<vmem>> -> memref<125xi32, #tpu.memory_space<vmem>>
      %dma_wait3A_94 = arith.constant 0 : i32
      %dma_wait3A_95 = arith.constant 0 : i32
      %dma_wait3A_96 = tpu.memref_slice %arg11[%dma_wait3A_94, %dma_wait3A_95] : memref<10240x128xf32, #tpu.memory_space<vmem_shared>> -> memref<10240x128xf32, #tpu.memory_space<vmem_shared>>
      tpu.wait_indirect_dma semaphore(%run_scoped3A_84 : memref<!tpu.dma_semaphore, #tpu.memory_space<semaphore_mem>>) src(%arg9 : memref<125x128xf32, #tpu.memory_space<vmem>>) dst(%dma_wait3A_96 : memref<10240x128xf32, #tpu.memory_space<vmem_shared>>)
      tpu.yield
    }) : () -> ()
    %dma_wait3A_71 = arith.constant 39 : i32
    %dma_wait3A_72 = arith.constant 0 : i32
    %dma_wait3A_73 = tpu.memref_slice %arg7[%dma_wait3A_71, %dma_wait3A_72] : memref<40x125xi32, #tpu.memory_space<vmem>> -> memref<1x125xi32, #tpu.memory_space<vmem>>
    %dma_wait3A_74 = tpu.memref_squeeze %dma_wait3A_73 : memref<1x125xi32, #tpu.memory_space<vmem>> -> memref<125xi32, #tpu.memory_space<vmem>>
    %dma_wait3A_75 = arith.constant 0 : i32
    %dma_wait3A_76 = arith.constant 0 : i32
    %dma_wait3A_77 = tpu.memref_slice %arg2[%dma_wait3A_75, %dma_wait3A_76] : memref<10000x128xf32, #tpu.memory_space<hbm>> -> memref<10000x128xf32, #tpu.memory_space<hbm>>
    tpu.wait_indirect_dma semaphore(%arg13 : memref<!tpu.dma_semaphore, #tpu.memory_space<semaphore_mem>>) src(%dma_wait3A_77 : memref<10000x128xf32, #tpu.memory_space<hbm>>) dst(%arg10 : memref<125x128xf32, #tpu.memory_space<vmem>>)
    %run_scoped3A_78 = arith.constant 39 : i32
    "tpu.region"() ({
      %run_scoped3A_84 = tpu.sem_alloc : memref<!tpu.dma_semaphore, #tpu.memory_space<semaphore_mem>>
      %dma_start3A_85 = arith.constant 0 : i32
      %dma_start3A_86 = tpu.memref_slice %arg8[%run_scoped3A_78, %dma_start3A_85] : memref<40x125xi32, #tpu.memory_space<vmem>> -> memref<1x125xi32, #tpu.memory_space<vmem>>
      %dma_start3A_87 = tpu.memref_squeeze %dma_start3A_86 : memref<1x125xi32, #tpu.memory_space<vmem>> -> memref<125xi32, #tpu.memory_space<vmem>>
      %dma_start3A_88 = arith.constant 0 : i32
      %dma_start3A_89 = arith.constant 0 : i32
      %dma_start3A_90 = tpu.memref_slice %arg11[%dma_start3A_88, %dma_start3A_89] : memref<10240x128xf32, #tpu.memory_space<vmem_shared>> -> memref<10240x128xf32, #tpu.memory_space<vmem_shared>>
      tpu.enqueue_indirect_dma source(%arg10 : memref<125x128xf32, #tpu.memory_space<vmem>>) target(%dma_start3A_90 : memref<10240x128xf32, #tpu.memory_space<vmem_shared>>) offsets(%dma_start3A_87 : memref<125xi32, #tpu.memory_space<vmem>>) semaphore(%run_scoped3A_84 : memref<!tpu.dma_semaphore, #tpu.memory_space<semaphore_mem>>) {add = true}
      %dma_wait3A_91 = arith.constant 0 : i32
      %dma_wait3A_92 = tpu.memref_slice %arg8[%run_scoped3A_78, %dma_wait3A_91] : memref<40x125xi32, #tpu.memory_space<vmem>> -> memref<1x125xi32, #tpu.memory_space<vmem>>
      %dma_wait3A_93 = tpu.memref_squeeze %dma_wait3A_92 : memref<1x125xi32, #tpu.memory_space<vmem>> -> memref<125xi32, #tpu.memory_space<vmem>>
      %dma_wait3A_94 = arith.constant 0 : i32
      %dma_wait3A_95 = arith.constant 0 : i32
      %dma_wait3A_96 = tpu.memref_slice %arg11[%dma_wait3A_94, %dma_wait3A_95] : memref<10240x128xf32, #tpu.memory_space<vmem_shared>> -> memref<10240x128xf32, #tpu.memory_space<vmem_shared>>
      tpu.wait_indirect_dma semaphore(%run_scoped3A_84 : memref<!tpu.dma_semaphore, #tpu.memory_space<semaphore_mem>>) src(%arg10 : memref<125x128xf32, #tpu.memory_space<vmem>>) dst(%dma_wait3A_96 : memref<10240x128xf32, #tpu.memory_space<vmem_shared>>)
      tpu.yield
    }) : () -> ()
    %barrier3A_79 = arith.constant 0 : index
    tpu.barrier barrier_id(%barrier3A_79)
    %mul3A_80 = arith.constant 640 : i32
    %mul3A_81 = arith.muli %arg1, %mul3A_80 : i32
    %mul3A_82 = arith.constant 640 : i32
    %mul3A_83 = arith.muli %arg1, %mul3A_82 : i32
    "tpu.region"() ({
      %run_scoped3A_84 = tpu.sem_alloc : memref<!tpu.dma_semaphore, #tpu.memory_space<semaphore_mem>>
      %dma_start3A_85 = arith.constant 0 : i32
      %dma_start3A_86 = tpu.memref_slice %arg6[%arg0, %mul3A_83, %dma_start3A_85] : memref<2x10240x128xf32, #tpu.memory_space<hbm>> -> memref<1x640x128xf32, #tpu.memory_space<hbm>>
      %dma_start3A_87 = tpu.memref_squeeze %dma_start3A_86 : memref<1x640x128xf32, #tpu.memory_space<hbm>> -> memref<640x128xf32, #tpu.memory_space<hbm>>
      %dma_start3A_88 = arith.constant 0 : i32
      %dma_start3A_89 = tpu.memref_slice %arg11[%mul3A_81, %dma_start3A_88] : memref<10240x128xf32, #tpu.memory_space<vmem_shared>> -> memref<640x128xf32, #tpu.memory_space<vmem_shared>>
      tpu.enqueue_dma source(%dma_start3A_89 : memref<640x128xf32, #tpu.memory_space<vmem_shared>>) target(%dma_start3A_87 : memref<640x128xf32, #tpu.memory_space<hbm>>) target_semaphore(%run_scoped3A_84 : memref<!tpu.dma_semaphore, #tpu.memory_space<semaphore_mem>>)
      %dma_wait3A_90 = arith.constant 0 : i32
      %dma_wait3A_91 = tpu.memref_slice %arg6[%arg0, %mul3A_83, %dma_wait3A_90] : memref<2x10240x128xf32, #tpu.memory_space<hbm>> -> memref<1x640x128xf32, #tpu.memory_space<hbm>>
      %dma_wait3A_92 = tpu.memref_squeeze %dma_wait3A_91 : memref<1x640x128xf32, #tpu.memory_space<hbm>> -> memref<640x128xf32, #tpu.memory_space<hbm>>
      %dma_wait3A_93 = arith.constant 0 : i32
      %dma_wait3A_94 = tpu.memref_slice %arg11[%mul3A_81, %dma_wait3A_93] : memref<10240x128xf32, #tpu.memory_space<vmem_shared>> -> memref<640x128xf32, #tpu.memory_space<vmem_shared>>
      tpu.wait_dma2 semaphore(%run_scoped3A_84 : memref<!tpu.dma_semaphore, #tpu.memory_space<semaphore_mem>>) src(%dma_wait3A_94 : memref<640x128xf32, #tpu.memory_space<vmem_shared>>) dst(%dma_wait3A_92 : memref<640x128xf32, #tpu.memory_space<hbm>>)
      tpu.yield
    }) : () -> ()
    return
  }
}

#map = affine_map<(d0, d1) -> (0, 0)>
#map1 = affine_map<(d0, d1) -> (0, 0, 0)>
module attributes {stable_mosaic.version = 14 : i64} {
  func.func @_deg_body(%arg0: i32, %arg1: i32, %arg2: memref<2560x125xi32, #tpu.memory_space<hbm>>, %arg3: memref<125x128xf32, #tpu.memory_space<hbm>>, %arg4: memref<640x128xf32, #tpu.memory_space<hbm>>, %arg5: memref<2x10240x128xf32, #tpu.memory_space<hbm>>, %arg6: memref<80x125xi32, #tpu.memory_space<vmem>>, %arg7: memref<125x128xf32, #tpu.memory_space<vmem>>, %arg8: memref<10240x128xf32, #tpu.memory_space<vmem_shared>>, %arg9: memref<!tpu.dma_semaphore, #tpu.memory_space<semaphore_mem>>, %arg10: memref<!tpu.dma_semaphore, #tpu.memory_space<semaphore_mem>>, %arg11: memref<!tpu.dma_semaphore, #tpu.memory_space<semaphore_mem>>, %arg12: memref<!tpu.dma_semaphore, #tpu.memory_space<semaphore_mem>>) attributes {dimension_semantics = [#tpu.dimension_semantics<core_parallel>, #tpu.dimension_semantics<subcore_parallel>], iteration_bounds = array<i64: 2, 16>, scalar_prefetch = 0 : i64, scratch_operands = 7 : i64, tpu.core_type = #tpu.core_type<sc_vector_subcore>, window_params = [{transform_indices = #map}, {transform_indices = #map}, {transform_indices = #map}, {transform_indices = #map1}]} {
    %mul3A = arith.constant 16 : i32
    %mul3A_0 = arith.muli %arg0, %mul3A : i32
    %add3A = arith.addi %mul3A_0, %arg1 : i32
    %mul3A_1 = arith.constant 640 : i32
    %mul3A_2 = arith.muli %arg1, %mul3A_1 : i32
    "tpu.region"() ({
      %run_scoped3A = tpu.sem_alloc : memref<!tpu.dma_semaphore, #tpu.memory_space<semaphore_mem>>
      %dma_start3A = arith.constant 0 : i32
      %dma_start3A_15 = tpu.memref_slice %arg8[%mul3A_2, %dma_start3A] : memref<10240x128xf32, #tpu.memory_space<vmem_shared>> -> memref<640x128xf32, #tpu.memory_space<vmem_shared>>
      tpu.enqueue_dma source(%arg4 : memref<640x128xf32, #tpu.memory_space<hbm>>) target(%dma_start3A_15 : memref<640x128xf32, #tpu.memory_space<vmem_shared>>) target_semaphore(%run_scoped3A : memref<!tpu.dma_semaphore, #tpu.memory_space<semaphore_mem>>)
      %dma_wait3A = arith.constant 0 : i32
      %dma_wait3A_16 = tpu.memref_slice %arg8[%mul3A_2, %dma_wait3A] : memref<10240x128xf32, #tpu.memory_space<vmem_shared>> -> memref<640x128xf32, #tpu.memory_space<vmem_shared>>
      tpu.wait_dma2 semaphore(%run_scoped3A : memref<!tpu.dma_semaphore, #tpu.memory_space<semaphore_mem>>) src(%arg4 : memref<640x128xf32, #tpu.memory_space<hbm>>) dst(%dma_wait3A_16 : memref<640x128xf32, #tpu.memory_space<vmem_shared>>)
      tpu.yield
    }) : () -> ()
    "tpu.region"() ({
      %run_scoped3A = tpu.sem_alloc : memref<!tpu.dma_semaphore, #tpu.memory_space<semaphore_mem>>
      tpu.enqueue_dma source(%arg3 : memref<125x128xf32, #tpu.memory_space<hbm>>) target(%arg7 : memref<125x128xf32, #tpu.memory_space<vmem>>) target_semaphore(%run_scoped3A : memref<!tpu.dma_semaphore, #tpu.memory_space<semaphore_mem>>)
      tpu.wait_dma2 semaphore(%run_scoped3A : memref<!tpu.dma_semaphore, #tpu.memory_space<semaphore_mem>>) src(%arg3 : memref<125x128xf32, #tpu.memory_space<hbm>>) dst(%arg7 : memref<125x128xf32, #tpu.memory_space<vmem>>)
      tpu.yield
    }) : () -> ()
    %mul3A_3 = arith.constant 80 : i32
    %mul3A_4 = arith.muli %add3A, %mul3A_3 : i32
    "tpu.region"() ({
      %run_scoped3A = tpu.sem_alloc : memref<!tpu.dma_semaphore, #tpu.memory_space<semaphore_mem>>
      %dma_start3A = arith.constant 0 : i32
      %dma_start3A_15 = tpu.memref_slice %arg2[%mul3A_4, %dma_start3A] : memref<2560x125xi32, #tpu.memory_space<hbm>> -> memref<80x125xi32, #tpu.memory_space<hbm>>
      %dma_start3A_16 = arith.constant 0 : i32
      %dma_start3A_17 = tpu.memref_slice %arg2[%mul3A_4, %dma_start3A_16] : memref<2560x125xi32, #tpu.memory_space<hbm>> -> memref<80x125xi32, #tpu.memory_space<hbm>>
      tpu.enqueue_dma source(%dma_start3A_17 : memref<80x125xi32, #tpu.memory_space<hbm>>) target(%arg6 : memref<80x125xi32, #tpu.memory_space<vmem>>) target_semaphore(%run_scoped3A : memref<!tpu.dma_semaphore, #tpu.memory_space<semaphore_mem>>)
      %dma_wait3A = arith.constant 0 : i32
      %dma_wait3A_18 = tpu.memref_slice %arg2[%mul3A_4, %dma_wait3A] : memref<2560x125xi32, #tpu.memory_space<hbm>> -> memref<80x125xi32, #tpu.memory_space<hbm>>
      %dma_wait3A_19 = arith.constant 0 : i32
      %dma_wait3A_20 = tpu.memref_slice %arg2[%mul3A_4, %dma_wait3A_19] : memref<2560x125xi32, #tpu.memory_space<hbm>> -> memref<80x125xi32, #tpu.memory_space<hbm>>
      tpu.wait_dma2 semaphore(%run_scoped3A : memref<!tpu.dma_semaphore, #tpu.memory_space<semaphore_mem>>) src(%dma_wait3A_20 : memref<80x125xi32, #tpu.memory_space<hbm>>) dst(%arg6 : memref<80x125xi32, #tpu.memory_space<vmem>>)
      tpu.yield
    }) : () -> ()
    %barrier3A = arith.constant 0 : index
    tpu.barrier barrier_id(%barrier3A)
    %scan3A = arith.constant 0 : i32
    %scan3A_5 = arith.constant 0 : i32
    %scan3A_6 = arith.constant 20 : i32
    %scan3A_7 = arith.addi %scan3A_5, %scan3A_6 : i32
    %scan3A_8 = arith.constant 1 : i32
    scf.for %scan3A_15 = %scan3A_5 to %scan3A_7 step %scan3A_8  : i32 {
      %mul3A_16 = arith.constant 4 : i32
      %mul3A_17 = arith.muli %mul3A_16, %scan3A_15 : i32
      %add3A_18 = arith.constant 0 : i32
      %add3A_19 = arith.addi %mul3A_17, %add3A_18 : i32
      %dma_start3A = arith.constant 0 : i32
      %dma_start3A_20 = tpu.memref_slice %arg6[%add3A_19, %dma_start3A] : memref<80x125xi32, #tpu.memory_space<vmem>> -> memref<1x125xi32, #tpu.memory_space<vmem>>
      %dma_start3A_21 = tpu.memref_squeeze %dma_start3A_20 : memref<1x125xi32, #tpu.memory_space<vmem>> -> memref<125xi32, #tpu.memory_space<vmem>>
      %dma_start3A_22 = arith.constant 0 : i32
      %dma_start3A_23 = arith.constant 0 : i32
      %dma_start3A_24 = tpu.memref_slice %arg8[%dma_start3A_22, %dma_start3A_23] : memref<10240x128xf32, #tpu.memory_space<vmem_shared>> -> memref<10240x128xf32, #tpu.memory_space<vmem_shared>>
      tpu.enqueue_indirect_dma source(%arg7 : memref<125x128xf32, #tpu.memory_space<vmem>>) target(%dma_start3A_24 : memref<10240x128xf32, #tpu.memory_space<vmem_shared>>) offsets(%dma_start3A_21 : memref<125xi32, #tpu.memory_space<vmem>>) semaphore(%arg9 : memref<!tpu.dma_semaphore, #tpu.memory_space<semaphore_mem>>) {add = true}
      %mul3A_25 = arith.constant 4 : i32
      %mul3A_26 = arith.muli %mul3A_25, %scan3A_15 : i32
      %add3A_27 = arith.constant 1 : i32
      %add3A_28 = arith.addi %mul3A_26, %add3A_27 : i32
      %dma_start3A_29 = arith.constant 0 : i32
      %dma_start3A_30 = tpu.memref_slice %arg6[%add3A_28, %dma_start3A_29] : memref<80x125xi32, #tpu.memory_space<vmem>> -> memref<1x125xi32, #tpu.memory_space<vmem>>
      %dma_start3A_31 = tpu.memref_squeeze %dma_start3A_30 : memref<1x125xi32, #tpu.memory_space<vmem>> -> memref<125xi32, #tpu.memory_space<vmem>>
      %dma_start3A_32 = arith.constant 0 : i32
      %dma_start3A_33 = arith.constant 0 : i32
      %dma_start3A_34 = tpu.memref_slice %arg8[%dma_start3A_32, %dma_start3A_33] : memref<10240x128xf32, #tpu.memory_space<vmem_shared>> -> memref<10240x128xf32, #tpu.memory_space<vmem_shared>>
      tpu.enqueue_indirect_dma source(%arg7 : memref<125x128xf32, #tpu.memory_space<vmem>>) target(%dma_start3A_34 : memref<10240x128xf32, #tpu.memory_space<vmem_shared>>) offsets(%dma_start3A_31 : memref<125xi32, #tpu.memory_space<vmem>>) semaphore(%arg10 : memref<!tpu.dma_semaphore, #tpu.memory_space<semaphore_mem>>) {add = true}
      %mul3A_35 = arith.constant 4 : i32
      %mul3A_36 = arith.muli %mul3A_35, %scan3A_15 : i32
      %add3A_37 = arith.constant 2 : i32
      %add3A_38 = arith.addi %mul3A_36, %add3A_37 : i32
      %dma_start3A_39 = arith.constant 0 : i32
      %dma_start3A_40 = tpu.memref_slice %arg6[%add3A_38, %dma_start3A_39] : memref<80x125xi32, #tpu.memory_space<vmem>> -> memref<1x125xi32, #tpu.memory_space<vmem>>
      %dma_start3A_41 = tpu.memref_squeeze %dma_start3A_40 : memref<1x125xi32, #tpu.memory_space<vmem>> -> memref<125xi32, #tpu.memory_space<vmem>>
      %dma_start3A_42 = arith.constant 0 : i32
      %dma_start3A_43 = arith.constant 0 : i32
      %dma_start3A_44 = tpu.memref_slice %arg8[%dma_start3A_42, %dma_start3A_43] : memref<10240x128xf32, #tpu.memory_space<vmem_shared>> -> memref<10240x128xf32, #tpu.memory_space<vmem_shared>>
      tpu.enqueue_indirect_dma source(%arg7 : memref<125x128xf32, #tpu.memory_space<vmem>>) target(%dma_start3A_44 : memref<10240x128xf32, #tpu.memory_space<vmem_shared>>) offsets(%dma_start3A_41 : memref<125xi32, #tpu.memory_space<vmem>>) semaphore(%arg11 : memref<!tpu.dma_semaphore, #tpu.memory_space<semaphore_mem>>) {add = true}
      %mul3A_45 = arith.constant 4 : i32
      %mul3A_46 = arith.muli %mul3A_45, %scan3A_15 : i32
      %add3A_47 = arith.constant 3 : i32
      %add3A_48 = arith.addi %mul3A_46, %add3A_47 : i32
      %dma_start3A_49 = arith.constant 0 : i32
      %dma_start3A_50 = tpu.memref_slice %arg6[%add3A_48, %dma_start3A_49] : memref<80x125xi32, #tpu.memory_space<vmem>> -> memref<1x125xi32, #tpu.memory_space<vmem>>
      %dma_start3A_51 = tpu.memref_squeeze %dma_start3A_50 : memref<1x125xi32, #tpu.memory_space<vmem>> -> memref<125xi32, #tpu.memory_space<vmem>>
      %dma_start3A_52 = arith.constant 0 : i32
      %dma_start3A_53 = arith.constant 0 : i32
      %dma_start3A_54 = tpu.memref_slice %arg8[%dma_start3A_52, %dma_start3A_53] : memref<10240x128xf32, #tpu.memory_space<vmem_shared>> -> memref<10240x128xf32, #tpu.memory_space<vmem_shared>>
      tpu.enqueue_indirect_dma source(%arg7 : memref<125x128xf32, #tpu.memory_space<vmem>>) target(%dma_start3A_54 : memref<10240x128xf32, #tpu.memory_space<vmem_shared>>) offsets(%dma_start3A_51 : memref<125xi32, #tpu.memory_space<vmem>>) semaphore(%arg12 : memref<!tpu.dma_semaphore, #tpu.memory_space<semaphore_mem>>) {add = true}
      %mul3A_55 = arith.constant 4 : i32
      %mul3A_56 = arith.muli %mul3A_55, %scan3A_15 : i32
      %add3A_57 = arith.constant 0 : i32
      %add3A_58 = arith.addi %mul3A_56, %add3A_57 : i32
      %dma_wait3A = arith.constant 0 : i32
      %dma_wait3A_59 = tpu.memref_slice %arg6[%add3A_58, %dma_wait3A] : memref<80x125xi32, #tpu.memory_space<vmem>> -> memref<1x125xi32, #tpu.memory_space<vmem>>
      %dma_wait3A_60 = tpu.memref_squeeze %dma_wait3A_59 : memref<1x125xi32, #tpu.memory_space<vmem>> -> memref<125xi32, #tpu.memory_space<vmem>>
      %dma_wait3A_61 = arith.constant 0 : i32
      %dma_wait3A_62 = arith.constant 0 : i32
      %dma_wait3A_63 = tpu.memref_slice %arg8[%dma_wait3A_61, %dma_wait3A_62] : memref<10240x128xf32, #tpu.memory_space<vmem_shared>> -> memref<10240x128xf32, #tpu.memory_space<vmem_shared>>
      tpu.wait_indirect_dma semaphore(%arg9 : memref<!tpu.dma_semaphore, #tpu.memory_space<semaphore_mem>>) src(%arg7 : memref<125x128xf32, #tpu.memory_space<vmem>>) dst(%dma_wait3A_63 : memref<10240x128xf32, #tpu.memory_space<vmem_shared>>)
      %mul3A_64 = arith.constant 4 : i32
      %mul3A_65 = arith.muli %mul3A_64, %scan3A_15 : i32
      %add3A_66 = arith.constant 1 : i32
      %add3A_67 = arith.addi %mul3A_65, %add3A_66 : i32
      %dma_wait3A_68 = arith.constant 0 : i32
      %dma_wait3A_69 = tpu.memref_slice %arg6[%add3A_67, %dma_wait3A_68] : memref<80x125xi32, #tpu.memory_space<vmem>> -> memref<1x125xi32, #tpu.memory_space<vmem>>
      %dma_wait3A_70 = tpu.memref_squeeze %dma_wait3A_69 : memref<1x125xi32, #tpu.memory_space<vmem>> -> memref<125xi32, #tpu.memory_space<vmem>>
      %dma_wait3A_71 = arith.constant 0 : i32
      %dma_wait3A_72 = arith.constant 0 : i32
      %dma_wait3A_73 = tpu.memref_slice %arg8[%dma_wait3A_71, %dma_wait3A_72] : memref<10240x128xf32, #tpu.memory_space<vmem_shared>> -> memref<10240x128xf32, #tpu.memory_space<vmem_shared>>
      tpu.wait_indirect_dma semaphore(%arg10 : memref<!tpu.dma_semaphore, #tpu.memory_space<semaphore_mem>>) src(%arg7 : memref<125x128xf32, #tpu.memory_space<vmem>>) dst(%dma_wait3A_73 : memref<10240x128xf32, #tpu.memory_space<vmem_shared>>)
      %mul3A_74 = arith.constant 4 : i32
      %mul3A_75 = arith.muli %mul3A_74, %scan3A_15 : i32
      %add3A_76 = arith.constant 2 : i32
      %add3A_77 = arith.addi %mul3A_75, %add3A_76 : i32
      %dma_wait3A_78 = arith.constant 0 : i32
      %dma_wait3A_79 = tpu.memref_slice %arg6[%add3A_77, %dma_wait3A_78] : memref<80x125xi32, #tpu.memory_space<vmem>> -> memref<1x125xi32, #tpu.memory_space<vmem>>
      %dma_wait3A_80 = tpu.memref_squeeze %dma_wait3A_79 : memref<1x125xi32, #tpu.memory_space<vmem>> -> memref<125xi32, #tpu.memory_space<vmem>>
      %dma_wait3A_81 = arith.constant 0 : i32
      %dma_wait3A_82 = arith.constant 0 : i32
      %dma_wait3A_83 = tpu.memref_slice %arg8[%dma_wait3A_81, %dma_wait3A_82] : memref<10240x128xf32, #tpu.memory_space<vmem_shared>> -> memref<10240x128xf32, #tpu.memory_space<vmem_shared>>
      tpu.wait_indirect_dma semaphore(%arg11 : memref<!tpu.dma_semaphore, #tpu.memory_space<semaphore_mem>>) src(%arg7 : memref<125x128xf32, #tpu.memory_space<vmem>>) dst(%dma_wait3A_83 : memref<10240x128xf32, #tpu.memory_space<vmem_shared>>)
      %mul3A_84 = arith.constant 4 : i32
      %mul3A_85 = arith.muli %mul3A_84, %scan3A_15 : i32
      %add3A_86 = arith.constant 3 : i32
      %add3A_87 = arith.addi %mul3A_85, %add3A_86 : i32
      %dma_wait3A_88 = arith.constant 0 : i32
      %dma_wait3A_89 = tpu.memref_slice %arg6[%add3A_87, %dma_wait3A_88] : memref<80x125xi32, #tpu.memory_space<vmem>> -> memref<1x125xi32, #tpu.memory_space<vmem>>
      %dma_wait3A_90 = tpu.memref_squeeze %dma_wait3A_89 : memref<1x125xi32, #tpu.memory_space<vmem>> -> memref<125xi32, #tpu.memory_space<vmem>>
      %dma_wait3A_91 = arith.constant 0 : i32
      %dma_wait3A_92 = arith.constant 0 : i32
      %dma_wait3A_93 = tpu.memref_slice %arg8[%dma_wait3A_91, %dma_wait3A_92] : memref<10240x128xf32, #tpu.memory_space<vmem_shared>> -> memref<10240x128xf32, #tpu.memory_space<vmem_shared>>
      tpu.wait_indirect_dma semaphore(%arg12 : memref<!tpu.dma_semaphore, #tpu.memory_space<semaphore_mem>>) src(%arg7 : memref<125x128xf32, #tpu.memory_space<vmem>>) dst(%dma_wait3A_93 : memref<10240x128xf32, #tpu.memory_space<vmem_shared>>)
    }
    %scan3A_9 = arith.constant 20 : i32
    %barrier3A_10 = arith.constant 0 : index
    tpu.barrier barrier_id(%barrier3A_10)
    %mul3A_11 = arith.constant 640 : i32
    %mul3A_12 = arith.muli %arg1, %mul3A_11 : i32
    %mul3A_13 = arith.constant 640 : i32
    %mul3A_14 = arith.muli %arg1, %mul3A_13 : i32
    "tpu.region"() ({
      %run_scoped3A = tpu.sem_alloc : memref<!tpu.dma_semaphore, #tpu.memory_space<semaphore_mem>>
      %dma_start3A = arith.constant 0 : i32
      %dma_start3A_15 = tpu.memref_slice %arg5[%arg0, %mul3A_14, %dma_start3A] : memref<2x10240x128xf32, #tpu.memory_space<hbm>> -> memref<1x640x128xf32, #tpu.memory_space<hbm>>
      %dma_start3A_16 = tpu.memref_squeeze %dma_start3A_15 : memref<1x640x128xf32, #tpu.memory_space<hbm>> -> memref<640x128xf32, #tpu.memory_space<hbm>>
      %dma_start3A_17 = arith.constant 0 : i32
      %dma_start3A_18 = tpu.memref_slice %arg8[%mul3A_12, %dma_start3A_17] : memref<10240x128xf32, #tpu.memory_space<vmem_shared>> -> memref<640x128xf32, #tpu.memory_space<vmem_shared>>
      tpu.enqueue_dma source(%dma_start3A_18 : memref<640x128xf32, #tpu.memory_space<vmem_shared>>) target(%dma_start3A_16 : memref<640x128xf32, #tpu.memory_space<hbm>>) target_semaphore(%run_scoped3A : memref<!tpu.dma_semaphore, #tpu.memory_space<semaphore_mem>>)
      %dma_wait3A = arith.constant 0 : i32
      %dma_wait3A_19 = tpu.memref_slice %arg5[%arg0, %mul3A_14, %dma_wait3A] : memref<2x10240x128xf32, #tpu.memory_space<hbm>> -> memref<1x640x128xf32, #tpu.memory_space<hbm>>
      %dma_wait3A_20 = tpu.memref_squeeze %dma_wait3A_19 : memref<1x640x128xf32, #tpu.memory_space<hbm>> -> memref<640x128xf32, #tpu.memory_space<hbm>>
      %dma_wait3A_21 = arith.constant 0 : i32
      %dma_wait3A_22 = tpu.memref_slice %arg8[%mul3A_12, %dma_wait3A_21] : memref<10240x128xf32, #tpu.memory_space<vmem_shared>> -> memref<640x128xf32, #tpu.memory_space<vmem_shared>>
      tpu.wait_dma2 semaphore(%run_scoped3A : memref<!tpu.dma_semaphore, #tpu.memory_space<semaphore_mem>>) src(%dma_wait3A_22 : memref<640x128xf32, #tpu.memory_space<vmem_shared>>) dst(%dma_wait3A_20 : memref<640x128xf32, #tpu.memory_space<hbm>>)
      tpu.yield
    }) : () -> ()
    return
  }
}

#map = affine_map<(d0, d1) -> (0, 0)>
#map1 = affine_map<(d0, d1) -> (0, 0, 0)>
module attributes {stable_mosaic.version = 14 : i64} {
  func.func @_scatter_body(%arg0: i32, %arg1: i32, %arg2: memref<10000x128xf32, #tpu.memory_space<hbm>>, %arg3: memref<2560x125xi32, #tpu.memory_space<hbm>>, %arg4: memref<2560x125xi32, #tpu.memory_space<hbm>>, %arg5: memref<640x128xf32, #tpu.memory_space<hbm>>, %arg6: memref<2x10240x128xf32, #tpu.memory_space<hbm>>, %arg7: memref<40x125xi32, #tpu.memory_space<vmem>>, %arg8: memref<40x125xi32, #tpu.memory_space<vmem>>, %arg9: memref<125x128xf32, #tpu.memory_space<vmem>>, %arg10: memref<125x128xf32, #tpu.memory_space<vmem>>, %arg11: memref<10240x128xf32, #tpu.memory_space<vmem_shared>>, %arg12: memref<!tpu.dma_semaphore, #tpu.memory_space<semaphore_mem>>, %arg13: memref<!tpu.dma_semaphore, #tpu.memory_space<semaphore_mem>>) attributes {dimension_semantics = [#tpu.dimension_semantics<core_parallel>, #tpu.dimension_semantics<subcore_parallel>], iteration_bounds = array<i64: 2, 16>, scalar_prefetch = 0 : i64, scratch_operands = 7 : i64, tpu.core_type = #tpu.core_type<sc_vector_subcore>, window_params = [{transform_indices = #map}, {transform_indices = #map}, {transform_indices = #map}, {transform_indices = #map}, {transform_indices = #map1}]} {
    %mul3A = arith.constant 16 : i32
    %mul3A_0 = arith.muli %arg0, %mul3A : i32
    %add3A = arith.addi %mul3A_0, %arg1 : i32
    %mul3A_1 = arith.constant 640 : i32
    %mul3A_2 = arith.muli %arg1, %mul3A_1 : i32
    "tpu.region"() ({
      %run_scoped3A_84 = tpu.sem_alloc : memref<!tpu.dma_semaphore, #tpu.memory_space<semaphore_mem>>
      %dma_start3A_85 = arith.constant 0 : i32
      %dma_start3A_86 = tpu.memref_slice %arg11[%mul3A_2, %dma_start3A_85] : memref<10240x128xf32, #tpu.memory_space<vmem_shared>> -> memref<640x128xf32, #tpu.memory_space<vmem_shared>>
      tpu.enqueue_dma source(%arg5 : memref<640x128xf32, #tpu.memory_space<hbm>>) target(%dma_start3A_86 : memref<640x128xf32, #tpu.memory_space<vmem_shared>>) target_semaphore(%run_scoped3A_84 : memref<!tpu.dma_semaphore, #tpu.memory_space<semaphore_mem>>)
      %dma_wait3A_87 = arith.constant 0 : i32
      %dma_wait3A_88 = tpu.memref_slice %arg11[%mul3A_2, %dma_wait3A_87] : memref<10240x128xf32, #tpu.memory_space<vmem_shared>> -> memref<640x128xf32, #tpu.memory_space<vmem_shared>>
      tpu.wait_dma2 semaphore(%run_scoped3A_84 : memref<!tpu.dma_semaphore, #tpu.memory_space<semaphore_mem>>) src(%arg5 : memref<640x128xf32, #tpu.memory_space<hbm>>) dst(%dma_wait3A_88 : memref<640x128xf32, #tpu.memory_space<vmem_shared>>)
      tpu.yield
    }) : () -> ()
    %barrier3A = arith.constant 0 : index
    tpu.barrier barrier_id(%barrier3A)
    %mul3A_3 = arith.constant 80 : i32
    %mul3A_4 = arith.muli %add3A, %mul3A_3 : i32
    %add3A_5 = arith.constant 0 : i32
    %add3A_6 = arith.addi %mul3A_4, %add3A_5 : i32
    "tpu.region"() ({
      %run_scoped3A_84 = tpu.sem_alloc : memref<!tpu.dma_semaphore, #tpu.memory_space<semaphore_mem>>
      %dma_start3A_85 = arith.constant 0 : i32
      %dma_start3A_86 = tpu.memref_slice %arg3[%add3A_6, %dma_start3A_85] : memref<2560x125xi32, #tpu.memory_space<hbm>> -> memref<40x125xi32, #tpu.memory_space<hbm>>
      %dma_start3A_87 = arith.constant 0 : i32
      %dma_start3A_88 = tpu.memref_slice %arg3[%add3A_6, %dma_start3A_87] : memref<2560x125xi32, #tpu.memory_space<hbm>> -> memref<40x125xi32, #tpu.memory_space<hbm>>
      tpu.enqueue_dma source(%dma_start3A_88 : memref<40x125xi32, #tpu.memory_space<hbm>>) target(%arg7 : memref<40x125xi32, #tpu.memory_space<vmem>>) target_semaphore(%run_scoped3A_84 : memref<!tpu.dma_semaphore, #tpu.memory_space<semaphore_mem>>)
      %dma_wait3A_89 = arith.constant 0 : i32
      %dma_wait3A_90 = tpu.memref_slice %arg3[%add3A_6, %dma_wait3A_89] : memref<2560x125xi32, #tpu.memory_space<hbm>> -> memref<40x125xi32, #tpu.memory_space<hbm>>
      %dma_wait3A_91 = arith.constant 0 : i32
      %dma_wait3A_92 = tpu.memref_slice %arg3[%add3A_6, %dma_wait3A_91] : memref<2560x125xi32, #tpu.memory_space<hbm>> -> memref<40x125xi32, #tpu.memory_space<hbm>>
      tpu.wait_dma2 semaphore(%run_scoped3A_84 : memref<!tpu.dma_semaphore, #tpu.memory_space<semaphore_mem>>) src(%dma_wait3A_92 : memref<40x125xi32, #tpu.memory_space<hbm>>) dst(%arg7 : memref<40x125xi32, #tpu.memory_space<vmem>>)
      tpu.yield
    }) : () -> ()
    "tpu.region"() ({
      %run_scoped3A_84 = tpu.sem_alloc : memref<!tpu.dma_semaphore, #tpu.memory_space<semaphore_mem>>
      %dma_start3A_85 = arith.constant 0 : i32
      %dma_start3A_86 = tpu.memref_slice %arg4[%add3A_6, %dma_start3A_85] : memref<2560x125xi32, #tpu.memory_space<hbm>> -> memref<40x125xi32, #tpu.memory_space<hbm>>
      %dma_start3A_87 = arith.constant 0 : i32
      %dma_start3A_88 = tpu.memref_slice %arg4[%add3A_6, %dma_start3A_87] : memref<2560x125xi32, #tpu.memory_space<hbm>> -> memref<40x125xi32, #tpu.memory_space<hbm>>
      tpu.enqueue_dma source(%dma_start3A_88 : memref<40x125xi32, #tpu.memory_space<hbm>>) target(%arg8 : memref<40x125xi32, #tpu.memory_space<vmem>>) target_semaphore(%run_scoped3A_84 : memref<!tpu.dma_semaphore, #tpu.memory_space<semaphore_mem>>)
      %dma_wait3A_89 = arith.constant 0 : i32
      %dma_wait3A_90 = tpu.memref_slice %arg4[%add3A_6, %dma_wait3A_89] : memref<2560x125xi32, #tpu.memory_space<hbm>> -> memref<40x125xi32, #tpu.memory_space<hbm>>
      %dma_wait3A_91 = arith.constant 0 : i32
      %dma_wait3A_92 = tpu.memref_slice %arg4[%add3A_6, %dma_wait3A_91] : memref<2560x125xi32, #tpu.memory_space<hbm>> -> memref<40x125xi32, #tpu.memory_space<hbm>>
      tpu.wait_dma2 semaphore(%run_scoped3A_84 : memref<!tpu.dma_semaphore, #tpu.memory_space<semaphore_mem>>) src(%dma_wait3A_92 : memref<40x125xi32, #tpu.memory_space<hbm>>) dst(%arg8 : memref<40x125xi32, #tpu.memory_space<vmem>>)
      tpu.yield
    }) : () -> ()
    %dma_start3A = arith.constant 0 : i32
    %dma_start3A_7 = arith.constant 0 : i32
    %dma_start3A_8 = tpu.memref_slice %arg7[%dma_start3A, %dma_start3A_7] : memref<40x125xi32, #tpu.memory_space<vmem>> -> memref<1x125xi32, #tpu.memory_space<vmem>>
    %dma_start3A_9 = tpu.memref_squeeze %dma_start3A_8 : memref<1x125xi32, #tpu.memory_space<vmem>> -> memref<125xi32, #tpu.memory_space<vmem>>
    %dma_start3A_10 = arith.constant 0 : i32
    %dma_start3A_11 = arith.constant 0 : i32
    %dma_start3A_12 = tpu.memref_slice %arg2[%dma_start3A_10, %dma_start3A_11] : memref<10000x128xf32, #tpu.memory_space<hbm>> -> memref<10000x128xf32, #tpu.memory_space<hbm>>
    tpu.enqueue_indirect_dma source(%dma_start3A_12 : memref<10000x128xf32, #tpu.memory_space<hbm>>) target(%arg9 : memref<125x128xf32, #tpu.memory_space<vmem>>) offsets(%dma_start3A_9 : memref<125xi32, #tpu.memory_space<vmem>>) semaphore(%arg12 : memref<!tpu.dma_semaphore, #tpu.memory_space<semaphore_mem>>)
    %dma_start3A_13 = arith.constant 1 : i32
    %dma_start3A_14 = arith.constant 0 : i32
    %dma_start3A_15 = tpu.memref_slice %arg7[%dma_start3A_13, %dma_start3A_14] : memref<40x125xi32, #tpu.memory_space<vmem>> -> memref<1x125xi32, #tpu.memory_space<vmem>>
    %dma_start3A_16 = tpu.memref_squeeze %dma_start3A_15 : memref<1x125xi32, #tpu.memory_space<vmem>> -> memref<125xi32, #tpu.memory_space<vmem>>
    %dma_start3A_17 = arith.constant 0 : i32
    %dma_start3A_18 = arith.constant 0 : i32
    %dma_start3A_19 = tpu.memref_slice %arg2[%dma_start3A_17, %dma_start3A_18] : memref<10000x128xf32, #tpu.memory_space<hbm>> -> memref<10000x128xf32, #tpu.memory_space<hbm>>
    tpu.enqueue_indirect_dma source(%dma_start3A_19 : memref<10000x128xf32, #tpu.memory_space<hbm>>) target(%arg10 : memref<125x128xf32, #tpu.memory_space<vmem>>) offsets(%dma_start3A_16 : memref<125xi32, #tpu.memory_space<vmem>>) semaphore(%arg13 : memref<!tpu.dma_semaphore, #tpu.memory_space<semaphore_mem>>)
    %scan3A = arith.constant 0 : i32
    %scan3A_20 = arith.constant 0 : i32
    %scan3A_21 = arith.constant 19 : i32
    %scan3A_22 = arith.addi %scan3A_20, %scan3A_21 : i32
    %scan3A_23 = arith.constant 1 : i32
    scf.for %scan3A_84 = %scan3A_20 to %scan3A_22 step %scan3A_23  : i32 {
      %mul3A_85 = arith.constant 2 : i32
      %mul3A_86 = arith.muli %mul3A_85, %scan3A_84 : i32
      %add3A_87 = arith.constant 0 : i32
      %add3A_88 = arith.addi %mul3A_86, %add3A_87 : i32
      %dma_wait3A_89 = arith.constant 0 : i32
      %dma_wait3A_90 = tpu.memref_slice %arg7[%add3A_88, %dma_wait3A_89] : memref<40x125xi32, #tpu.memory_space<vmem>> -> memref<1x125xi32, #tpu.memory_space<vmem>>
      %dma_wait3A_91 = tpu.memref_squeeze %dma_wait3A_90 : memref<1x125xi32, #tpu.memory_space<vmem>> -> memref<125xi32, #tpu.memory_space<vmem>>
      %dma_wait3A_92 = arith.constant 0 : i32
      %dma_wait3A_93 = arith.constant 0 : i32
      %dma_wait3A_94 = tpu.memref_slice %arg2[%dma_wait3A_92, %dma_wait3A_93] : memref<10000x128xf32, #tpu.memory_space<hbm>> -> memref<10000x128xf32, #tpu.memory_space<hbm>>
      tpu.wait_indirect_dma semaphore(%arg12 : memref<!tpu.dma_semaphore, #tpu.memory_space<semaphore_mem>>) src(%dma_wait3A_94 : memref<10000x128xf32, #tpu.memory_space<hbm>>) dst(%arg9 : memref<125x128xf32, #tpu.memory_space<vmem>>)
      "tpu.region"() ({
        %run_scoped3A_121 = tpu.sem_alloc : memref<!tpu.dma_semaphore, #tpu.memory_space<semaphore_mem>>
        %dma_start3A_122 = arith.constant 0 : i32
        %dma_start3A_123 = tpu.memref_slice %arg8[%add3A_88, %dma_start3A_122] : memref<40x125xi32, #tpu.memory_space<vmem>> -> memref<1x125xi32, #tpu.memory_space<vmem>>
        %dma_start3A_124 = tpu.memref_squeeze %dma_start3A_123 : memref<1x125xi32, #tpu.memory_space<vmem>> -> memref<125xi32, #tpu.memory_space<vmem>>
        %dma_start3A_125 = arith.constant 0 : i32
        %dma_start3A_126 = arith.constant 0 : i32
        %dma_start3A_127 = tpu.memref_slice %arg11[%dma_start3A_125, %dma_start3A_126] : memref<10240x128xf32, #tpu.memory_space<vmem_shared>> -> memref<10240x128xf32, #tpu.memory_space<vmem_shared>>
        tpu.enqueue_indirect_dma source(%arg9 : memref<125x128xf32, #tpu.memory_space<vmem>>) target(%dma_start3A_127 : memref<10240x128xf32, #tpu.memory_space<vmem_shared>>) offsets(%dma_start3A_124 : memref<125xi32, #tpu.memory_space<vmem>>) semaphore(%run_scoped3A_121 : memref<!tpu.dma_semaphore, #tpu.memory_space<semaphore_mem>>) {add = true}
        %dma_wait3A_128 = arith.constant 0 : i32
        %dma_wait3A_129 = tpu.memref_slice %arg8[%add3A_88, %dma_wait3A_128] : memref<40x125xi32, #tpu.memory_space<vmem>> -> memref<1x125xi32, #tpu.memory_space<vmem>>
        %dma_wait3A_130 = tpu.memref_squeeze %dma_wait3A_129 : memref<1x125xi32, #tpu.memory_space<vmem>> -> memref<125xi32, #tpu.memory_space<vmem>>
        %dma_wait3A_131 = arith.constant 0 : i32
        %dma_wait3A_132 = arith.constant 0 : i32
        %dma_wait3A_133 = tpu.memref_slice %arg11[%dma_wait3A_131, %dma_wait3A_132] : memref<10240x128xf32, #tpu.memory_space<vmem_shared>> -> memref<10240x128xf32, #tpu.memory_space<vmem_shared>>
        tpu.wait_indirect_dma semaphore(%run_scoped3A_121 : memref<!tpu.dma_semaphore, #tpu.memory_space<semaphore_mem>>) src(%arg9 : memref<125x128xf32, #tpu.memory_space<vmem>>) dst(%dma_wait3A_133 : memref<10240x128xf32, #tpu.memory_space<vmem_shared>>)
        tpu.yield
      }) : () -> ()
      %add3A_95 = arith.constant 2 : i32
      %add3A_96 = arith.addi %add3A_88, %add3A_95 : i32
      %dma_start3A_97 = arith.constant 0 : i32
      %dma_start3A_98 = tpu.memref_slice %arg7[%add3A_96, %dma_start3A_97] : memref<40x125xi32, #tpu.memory_space<vmem>> -> memref<1x125xi32, #tpu.memory_space<vmem>>
      %dma_start3A_99 = tpu.memref_squeeze %dma_start3A_98 : memref<1x125xi32, #tpu.memory_space<vmem>> -> memref<125xi32, #tpu.memory_space<vmem>>
      %dma_start3A_100 = arith.constant 0 : i32
      %dma_start3A_101 = arith.constant 0 : i32
      %dma_start3A_102 = tpu.memref_slice %arg2[%dma_start3A_100, %dma_start3A_101] : memref<10000x128xf32, #tpu.memory_space<hbm>> -> memref<10000x128xf32, #tpu.memory_space<hbm>>
      tpu.enqueue_indirect_dma source(%dma_start3A_102 : memref<10000x128xf32, #tpu.memory_space<hbm>>) target(%arg9 : memref<125x128xf32, #tpu.memory_space<vmem>>) offsets(%dma_start3A_99 : memref<125xi32, #tpu.memory_space<vmem>>) semaphore(%arg12 : memref<!tpu.dma_semaphore, #tpu.memory_space<semaphore_mem>>)
      %mul3A_103 = arith.constant 2 : i32
      %mul3A_104 = arith.muli %mul3A_103, %scan3A_84 : i32
      %add3A_105 = arith.constant 1 : i32
      %add3A_106 = arith.addi %mul3A_104, %add3A_105 : i32
      %dma_wait3A_107 = arith.constant 0 : i32
      %dma_wait3A_108 = tpu.memref_slice %arg7[%add3A_106, %dma_wait3A_107] : memref<40x125xi32, #tpu.memory_space<vmem>> -> memref<1x125xi32, #tpu.memory_space<vmem>>
      %dma_wait3A_109 = tpu.memref_squeeze %dma_wait3A_108 : memref<1x125xi32, #tpu.memory_space<vmem>> -> memref<125xi32, #tpu.memory_space<vmem>>
      %dma_wait3A_110 = arith.constant 0 : i32
      %dma_wait3A_111 = arith.constant 0 : i32
      %dma_wait3A_112 = tpu.memref_slice %arg2[%dma_wait3A_110, %dma_wait3A_111] : memref<10000x128xf32, #tpu.memory_space<hbm>> -> memref<10000x128xf32, #tpu.memory_space<hbm>>
      tpu.wait_indirect_dma semaphore(%arg13 : memref<!tpu.dma_semaphore, #tpu.memory_space<semaphore_mem>>) src(%dma_wait3A_112 : memref<10000x128xf32, #tpu.memory_space<hbm>>) dst(%arg10 : memref<125x128xf32, #tpu.memory_space<vmem>>)
      "tpu.region"() ({
        %run_scoped3A_121 = tpu.sem_alloc : memref<!tpu.dma_semaphore, #tpu.memory_space<semaphore_mem>>
        %dma_start3A_122 = arith.constant 0 : i32
        %dma_start3A_123 = tpu.memref_slice %arg8[%add3A_106, %dma_start3A_122] : memref<40x125xi32, #tpu.memory_space<vmem>> -> memref<1x125xi32, #tpu.memory_space<vmem>>
        %dma_start3A_124 = tpu.memref_squeeze %dma_start3A_123 : memref<1x125xi32, #tpu.memory_space<vmem>> -> memref<125xi32, #tpu.memory_space<vmem>>
        %dma_start3A_125 = arith.constant 0 : i32
        %dma_start3A_126 = arith.constant 0 : i32
        %dma_start3A_127 = tpu.memref_slice %arg11[%dma_start3A_125, %dma_start3A_126] : memref<10240x128xf32, #tpu.memory_space<vmem_shared>> -> memref<10240x128xf32, #tpu.memory_space<vmem_shared>>
        tpu.enqueue_indirect_dma source(%arg10 : memref<125x128xf32, #tpu.memory_space<vmem>>) target(%dma_start3A_127 : memref<10240x128xf32, #tpu.memory_space<vmem_shared>>) offsets(%dma_start3A_124 : memref<125xi32, #tpu.memory_space<vmem>>) semaphore(%run_scoped3A_121 : memref<!tpu.dma_semaphore, #tpu.memory_space<semaphore_mem>>) {add = true}
        %dma_wait3A_128 = arith.constant 0 : i32
        %dma_wait3A_129 = tpu.memref_slice %arg8[%add3A_106, %dma_wait3A_128] : memref<40x125xi32, #tpu.memory_space<vmem>> -> memref<1x125xi32, #tpu.memory_space<vmem>>
        %dma_wait3A_130 = tpu.memref_squeeze %dma_wait3A_129 : memref<1x125xi32, #tpu.memory_space<vmem>> -> memref<125xi32, #tpu.memory_space<vmem>>
        %dma_wait3A_131 = arith.constant 0 : i32
        %dma_wait3A_132 = arith.constant 0 : i32
        %dma_wait3A_133 = tpu.memref_slice %arg11[%dma_wait3A_131, %dma_wait3A_132] : memref<10240x128xf32, #tpu.memory_space<vmem_shared>> -> memref<10240x128xf32, #tpu.memory_space<vmem_shared>>
        tpu.wait_indirect_dma semaphore(%run_scoped3A_121 : memref<!tpu.dma_semaphore, #tpu.memory_space<semaphore_mem>>) src(%arg10 : memref<125x128xf32, #tpu.memory_space<vmem>>) dst(%dma_wait3A_133 : memref<10240x128xf32, #tpu.memory_space<vmem_shared>>)
        tpu.yield
      }) : () -> ()
      %add3A_113 = arith.constant 2 : i32
      %add3A_114 = arith.addi %add3A_106, %add3A_113 : i32
      %dma_start3A_115 = arith.constant 0 : i32
      %dma_start3A_116 = tpu.memref_slice %arg7[%add3A_114, %dma_start3A_115] : memref<40x125xi32, #tpu.memory_space<vmem>> -> memref<1x125xi32, #tpu.memory_space<vmem>>
      %dma_start3A_117 = tpu.memref_squeeze %dma_start3A_116 : memref<1x125xi32, #tpu.memory_space<vmem>> -> memref<125xi32, #tpu.memory_space<vmem>>
      %dma_start3A_118 = arith.constant 0 : i32
      %dma_start3A_119 = arith.constant 0 : i32
      %dma_start3A_120 = tpu.memref_slice %arg2[%dma_start3A_118, %dma_start3A_119] : memref<10000x128xf32, #tpu.memory_space<hbm>> -> memref<10000x128xf32, #tpu.memory_space<hbm>>
      tpu.enqueue_indirect_dma source(%dma_start3A_120 : memref<10000x128xf32, #tpu.memory_space<hbm>>) target(%arg10 : memref<125x128xf32, #tpu.memory_space<vmem>>) offsets(%dma_start3A_117 : memref<125xi32, #tpu.memory_space<vmem>>) semaphore(%arg13 : memref<!tpu.dma_semaphore, #tpu.memory_space<semaphore_mem>>)
    }
    %scan3A_24 = arith.constant 19 : i32
    %dma_wait3A = arith.constant 38 : i32
    %dma_wait3A_25 = arith.constant 0 : i32
    %dma_wait3A_26 = tpu.memref_slice %arg7[%dma_wait3A, %dma_wait3A_25] : memref<40x125xi32, #tpu.memory_space<vmem>> -> memref<1x125xi32, #tpu.memory_space<vmem>>
    %dma_wait3A_27 = tpu.memref_squeeze %dma_wait3A_26 : memref<1x125xi32, #tpu.memory_space<vmem>> -> memref<125xi32, #tpu.memory_space<vmem>>
    %dma_wait3A_28 = arith.constant 0 : i32
    %dma_wait3A_29 = arith.constant 0 : i32
    %dma_wait3A_30 = tpu.memref_slice %arg2[%dma_wait3A_28, %dma_wait3A_29] : memref<10000x128xf32, #tpu.memory_space<hbm>> -> memref<10000x128xf32, #tpu.memory_space<hbm>>
    tpu.wait_indirect_dma semaphore(%arg12 : memref<!tpu.dma_semaphore, #tpu.memory_space<semaphore_mem>>) src(%dma_wait3A_30 : memref<10000x128xf32, #tpu.memory_space<hbm>>) dst(%arg9 : memref<125x128xf32, #tpu.memory_space<vmem>>)
    %run_scoped3A = arith.constant 38 : i32
    "tpu.region"() ({
      %run_scoped3A_84 = tpu.sem_alloc : memref<!tpu.dma_semaphore, #tpu.memory_space<semaphore_mem>>
      %dma_start3A_85 = arith.constant 0 : i32
      %dma_start3A_86 = tpu.memref_slice %arg8[%run_scoped3A, %dma_start3A_85] : memref<40x125xi32, #tpu.memory_space<vmem>> -> memref<1x125xi32, #tpu.memory_space<vmem>>
      %dma_start3A_87 = tpu.memref_squeeze %dma_start3A_86 : memref<1x125xi32, #tpu.memory_space<vmem>> -> memref<125xi32, #tpu.memory_space<vmem>>
      %dma_start3A_88 = arith.constant 0 : i32
      %dma_start3A_89 = arith.constant 0 : i32
      %dma_start3A_90 = tpu.memref_slice %arg11[%dma_start3A_88, %dma_start3A_89] : memref<10240x128xf32, #tpu.memory_space<vmem_shared>> -> memref<10240x128xf32, #tpu.memory_space<vmem_shared>>
      tpu.enqueue_indirect_dma source(%arg9 : memref<125x128xf32, #tpu.memory_space<vmem>>) target(%dma_start3A_90 : memref<10240x128xf32, #tpu.memory_space<vmem_shared>>) offsets(%dma_start3A_87 : memref<125xi32, #tpu.memory_space<vmem>>) semaphore(%run_scoped3A_84 : memref<!tpu.dma_semaphore, #tpu.memory_space<semaphore_mem>>) {add = true}
      %dma_wait3A_91 = arith.constant 0 : i32
      %dma_wait3A_92 = tpu.memref_slice %arg8[%run_scoped3A, %dma_wait3A_91] : memref<40x125xi32, #tpu.memory_space<vmem>> -> memref<1x125xi32, #tpu.memory_space<vmem>>
      %dma_wait3A_93 = tpu.memref_squeeze %dma_wait3A_92 : memref<1x125xi32, #tpu.memory_space<vmem>> -> memref<125xi32, #tpu.memory_space<vmem>>
      %dma_wait3A_94 = arith.constant 0 : i32
      %dma_wait3A_95 = arith.constant 0 : i32
      %dma_wait3A_96 = tpu.memref_slice %arg11[%dma_wait3A_94, %dma_wait3A_95] : memref<10240x128xf32, #tpu.memory_space<vmem_shared>> -> memref<10240x128xf32, #tpu.memory_space<vmem_shared>>
      tpu.wait_indirect_dma semaphore(%run_scoped3A_84 : memref<!tpu.dma_semaphore, #tpu.memory_space<semaphore_mem>>) src(%arg9 : memref<125x128xf32, #tpu.memory_space<vmem>>) dst(%dma_wait3A_96 : memref<10240x128xf32, #tpu.memory_space<vmem_shared>>)
      tpu.yield
    }) : () -> ()
    %dma_wait3A_31 = arith.constant 39 : i32
    %dma_wait3A_32 = arith.constant 0 : i32
    %dma_wait3A_33 = tpu.memref_slice %arg7[%dma_wait3A_31, %dma_wait3A_32] : memref<40x125xi32, #tpu.memory_space<vmem>> -> memref<1x125xi32, #tpu.memory_space<vmem>>
    %dma_wait3A_34 = tpu.memref_squeeze %dma_wait3A_33 : memref<1x125xi32, #tpu.memory_space<vmem>> -> memref<125xi32, #tpu.memory_space<vmem>>
    %dma_wait3A_35 = arith.constant 0 : i32
    %dma_wait3A_36 = arith.constant 0 : i32
    %dma_wait3A_37 = tpu.memref_slice %arg2[%dma_wait3A_35, %dma_wait3A_36] : memref<10000x128xf32, #tpu.memory_space<hbm>> -> memref<10000x128xf32, #tpu.memory_space<hbm>>
    tpu.wait_indirect_dma semaphore(%arg13 : memref<!tpu.dma_semaphore, #tpu.memory_space<semaphore_mem>>) src(%dma_wait3A_37 : memref<10000x128xf32, #tpu.memory_space<hbm>>) dst(%arg10 : memref<125x128xf32, #tpu.memory_space<vmem>>)
    %run_scoped3A_38 = arith.constant 39 : i32
    "tpu.region"() ({
      %run_scoped3A_84 = tpu.sem_alloc : memref<!tpu.dma_semaphore, #tpu.memory_space<semaphore_mem>>
      %dma_start3A_85 = arith.constant 0 : i32
      %dma_start3A_86 = tpu.memref_slice %arg8[%run_scoped3A_38, %dma_start3A_85] : memref<40x125xi32, #tpu.memory_space<vmem>> -> memref<1x125xi32, #tpu.memory_space<vmem>>
      %dma_start3A_87 = tpu.memref_squeeze %dma_start3A_86 : memref<1x125xi32, #tpu.memory_space<vmem>> -> memref<125xi32, #tpu.memory_space<vmem>>
      %dma_start3A_88 = arith.constant 0 : i32
      %dma_start3A_89 = arith.constant 0 : i32
      %dma_start3A_90 = tpu.memref_slice %arg11[%dma_start3A_88, %dma_start3A_89] : memref<10240x128xf32, #tpu.memory_space<vmem_shared>> -> memref<10240x128xf32, #tpu.memory_space<vmem_shared>>
      tpu.enqueue_indirect_dma source(%arg10 : memref<125x128xf32, #tpu.memory_space<vmem>>) target(%dma_start3A_90 : memref<10240x128xf32, #tpu.memory_space<vmem_shared>>) offsets(%dma_start3A_87 : memref<125xi32, #tpu.memory_space<vmem>>) semaphore(%run_scoped3A_84 : memref<!tpu.dma_semaphore, #tpu.memory_space<semaphore_mem>>) {add = true}
      %dma_wait3A_91 = arith.constant 0 : i32
      %dma_wait3A_92 = tpu.memref_slice %arg8[%run_scoped3A_38, %dma_wait3A_91] : memref<40x125xi32, #tpu.memory_space<vmem>> -> memref<1x125xi32, #tpu.memory_space<vmem>>
      %dma_wait3A_93 = tpu.memref_squeeze %dma_wait3A_92 : memref<1x125xi32, #tpu.memory_space<vmem>> -> memref<125xi32, #tpu.memory_space<vmem>>
      %dma_wait3A_94 = arith.constant 0 : i32
      %dma_wait3A_95 = arith.constant 0 : i32
      %dma_wait3A_96 = tpu.memref_slice %arg11[%dma_wait3A_94, %dma_wait3A_95] : memref<10240x128xf32, #tpu.memory_space<vmem_shared>> -> memref<10240x128xf32, #tpu.memory_space<vmem_shared>>
      tpu.wait_indirect_dma semaphore(%run_scoped3A_84 : memref<!tpu.dma_semaphore, #tpu.memory_space<semaphore_mem>>) src(%arg10 : memref<125x128xf32, #tpu.memory_space<vmem>>) dst(%dma_wait3A_96 : memref<10240x128xf32, #tpu.memory_space<vmem_shared>>)
      tpu.yield
    }) : () -> ()
    %mul3A_39 = arith.constant 80 : i32
    %mul3A_40 = arith.muli %add3A, %mul3A_39 : i32
    %add3A_41 = arith.constant 40 : i32
    %add3A_42 = arith.addi %mul3A_40, %add3A_41 : i32
    "tpu.region"() ({
      %run_scoped3A_84 = tpu.sem_alloc : memref<!tpu.dma_semaphore, #tpu.memory_space<semaphore_mem>>
      %dma_start3A_85 = arith.constant 0 : i32
      %dma_start3A_86 = tpu.memref_slice %arg3[%add3A_42, %dma_start3A_85] : memref<2560x125xi32, #tpu.memory_space<hbm>> -> memref<40x125xi32, #tpu.memory_space<hbm>>
      %dma_start3A_87 = arith.constant 0 : i32
      %dma_start3A_88 = tpu.memref_slice %arg3[%add3A_42, %dma_start3A_87] : memref<2560x125xi32, #tpu.memory_space<hbm>> -> memref<40x125xi32, #tpu.memory_space<hbm>>
      tpu.enqueue_dma source(%dma_start3A_88 : memref<40x125xi32, #tpu.memory_space<hbm>>) target(%arg7 : memref<40x125xi32, #tpu.memory_space<vmem>>) target_semaphore(%run_scoped3A_84 : memref<!tpu.dma_semaphore, #tpu.memory_space<semaphore_mem>>)
      %dma_wait3A_89 = arith.constant 0 : i32
      %dma_wait3A_90 = tpu.memref_slice %arg3[%add3A_42, %dma_wait3A_89] : memref<2560x125xi32, #tpu.memory_space<hbm>> -> memref<40x125xi32, #tpu.memory_space<hbm>>
      %dma_wait3A_91 = arith.constant 0 : i32
      %dma_wait3A_92 = tpu.memref_slice %arg3[%add3A_42, %dma_wait3A_91] : memref<2560x125xi32, #tpu.memory_space<hbm>> -> memref<40x125xi32, #tpu.memory_space<hbm>>
      tpu.wait_dma2 semaphore(%run_scoped3A_84 : memref<!tpu.dma_semaphore, #tpu.memory_space<semaphore_mem>>) src(%dma_wait3A_92 : memref<40x125xi32, #tpu.memory_space<hbm>>) dst(%arg7 : memref<40x125xi32, #tpu.memory_space<vmem>>)
      tpu.yield
    }) : () -> ()
    "tpu.region"() ({
      %run_scoped3A_84 = tpu.sem_alloc : memref<!tpu.dma_semaphore, #tpu.memory_space<semaphore_mem>>
      %dma_start3A_85 = arith.constant 0 : i32
      %dma_start3A_86 = tpu.memref_slice %arg4[%add3A_42, %dma_start3A_85] : memref<2560x125xi32, #tpu.memory_space<hbm>> -> memref<40x125xi32, #tpu.memory_space<hbm>>
      %dma_start3A_87 = arith.constant 0 : i32
      %dma_start3A_88 = tpu.memref_slice %arg4[%add3A_42, %dma_start3A_87] : memref<2560x125xi32, #tpu.memory_space<hbm>> -> memref<40x125xi32, #tpu.memory_space<hbm>>
      tpu.enqueue_dma source(%dma_start3A_88 : memref<40x125xi32, #tpu.memory_space<hbm>>) target(%arg8 : memref<40x125xi32, #tpu.memory_space<vmem>>) target_semaphore(%run_scoped3A_84 : memref<!tpu.dma_semaphore, #tpu.memory_space<semaphore_mem>>)
      %dma_wait3A_89 = arith.constant 0 : i32
      %dma_wait3A_90 = tpu.memref_slice %arg4[%add3A_42, %dma_wait3A_89] : memref<2560x125xi32, #tpu.memory_space<hbm>> -> memref<40x125xi32, #tpu.memory_space<hbm>>
      %dma_wait3A_91 = arith.constant 0 : i32
      %dma_wait3A_92 = tpu.memref_slice %arg4[%add3A_42, %dma_wait3A_91] : memref<2560x125xi32, #tpu.memory_space<hbm>> -> memref<40x125xi32, #tpu.memory_space<hbm>>
      tpu.wait_dma2 semaphore(%run_scoped3A_84 : memref<!tpu.dma_semaphore, #tpu.memory_space<semaphore_mem>>) src(%dma_wait3A_92 : memref<40x125xi32, #tpu.memory_space<hbm>>) dst(%arg8 : memref<40x125xi32, #tpu.memory_space<vmem>>)
      tpu.yield
    }) : () -> ()
    %dma_start3A_43 = arith.constant 0 : i32
    %dma_start3A_44 = arith.constant 0 : i32
    %dma_start3A_45 = tpu.memref_slice %arg7[%dma_start3A_43, %dma_start3A_44] : memref<40x125xi32, #tpu.memory_space<vmem>> -> memref<1x125xi32, #tpu.memory_space<vmem>>
    %dma_start3A_46 = tpu.memref_squeeze %dma_start3A_45 : memref<1x125xi32, #tpu.memory_space<vmem>> -> memref<125xi32, #tpu.memory_space<vmem>>
    %dma_start3A_47 = arith.constant 0 : i32
    %dma_start3A_48 = arith.constant 0 : i32
    %dma_start3A_49 = tpu.memref_slice %arg2[%dma_start3A_47, %dma_start3A_48] : memref<10000x128xf32, #tpu.memory_space<hbm>> -> memref<10000x128xf32, #tpu.memory_space<hbm>>
    tpu.enqueue_indirect_dma source(%dma_start3A_49 : memref<10000x128xf32, #tpu.memory_space<hbm>>) target(%arg9 : memref<125x128xf32, #tpu.memory_space<vmem>>) offsets(%dma_start3A_46 : memref<125xi32, #tpu.memory_space<vmem>>) semaphore(%arg12 : memref<!tpu.dma_semaphore, #tpu.memory_space<semaphore_mem>>)
    %dma_start3A_50 = arith.constant 1 : i32
    %dma_start3A_51 = arith.constant 0 : i32
    %dma_start3A_52 = tpu.memref_slice %arg7[%dma_start3A_50, %dma_start3A_51] : memref<40x125xi32, #tpu.memory_space<vmem>> -> memref<1x125xi32, #tpu.memory_space<vmem>>
    %dma_start3A_53 = tpu.memref_squeeze %dma_start3A_52 : memref<1x125xi32, #tpu.memory_space<vmem>> -> memref<125xi32, #tpu.memory_space<vmem>>
    %dma_start3A_54 = arith.constant 0 : i32
    %dma_start3A_55 = arith.constant 0 : i32
    %dma_start3A_56 = tpu.memref_slice %arg2[%dma_start3A_54, %dma_start3A_55] : memref<10000x128xf32, #tpu.memory_space<hbm>> -> memref<10000x128xf32, #tpu.memory_space<hbm>>
    tpu.enqueue_indirect_dma source(%dma_start3A_56 : memref<10000x128xf32, #tpu.memory_space<hbm>>) target(%arg10 : memref<125x128xf32, #tpu.memory_space<vmem>>) offsets(%dma_start3A_53 : memref<125xi32, #tpu.memory_space<vmem>>) semaphore(%arg13 : memref<!tpu.dma_semaphore, #tpu.memory_space<semaphore_mem>>)
    %scan3A_57 = arith.constant 0 : i32
    %scan3A_58 = arith.constant 0 : i32
    %scan3A_59 = arith.constant 19 : i32
    %scan3A_60 = arith.addi %scan3A_58, %scan3A_59 : i32
    %scan3A_61 = arith.constant 1 : i32
    scf.for %scan3A_84 = %scan3A_58 to %scan3A_60 step %scan3A_61  : i32 {
      %mul3A_85 = arith.constant 2 : i32
      %mul3A_86 = arith.muli %mul3A_85, %scan3A_84 : i32
      %add3A_87 = arith.constant 0 : i32
      %add3A_88 = arith.addi %mul3A_86, %add3A_87 : i32
      %dma_wait3A_89 = arith.constant 0 : i32
      %dma_wait3A_90 = tpu.memref_slice %arg7[%add3A_88, %dma_wait3A_89] : memref<40x125xi32, #tpu.memory_space<vmem>> -> memref<1x125xi32, #tpu.memory_space<vmem>>
      %dma_wait3A_91 = tpu.memref_squeeze %dma_wait3A_90 : memref<1x125xi32, #tpu.memory_space<vmem>> -> memref<125xi32, #tpu.memory_space<vmem>>
      %dma_wait3A_92 = arith.constant 0 : i32
      %dma_wait3A_93 = arith.constant 0 : i32
      %dma_wait3A_94 = tpu.memref_slice %arg2[%dma_wait3A_92, %dma_wait3A_93] : memref<10000x128xf32, #tpu.memory_space<hbm>> -> memref<10000x128xf32, #tpu.memory_space<hbm>>
      tpu.wait_indirect_dma semaphore(%arg12 : memref<!tpu.dma_semaphore, #tpu.memory_space<semaphore_mem>>) src(%dma_wait3A_94 : memref<10000x128xf32, #tpu.memory_space<hbm>>) dst(%arg9 : memref<125x128xf32, #tpu.memory_space<vmem>>)
      "tpu.region"() ({
        %run_scoped3A_121 = tpu.sem_alloc : memref<!tpu.dma_semaphore, #tpu.memory_space<semaphore_mem>>
        %dma_start3A_122 = arith.constant 0 : i32
        %dma_start3A_123 = tpu.memref_slice %arg8[%add3A_88, %dma_start3A_122] : memref<40x125xi32, #tpu.memory_space<vmem>> -> memref<1x125xi32, #tpu.memory_space<vmem>>
        %dma_start3A_124 = tpu.memref_squeeze %dma_start3A_123 : memref<1x125xi32, #tpu.memory_space<vmem>> -> memref<125xi32, #tpu.memory_space<vmem>>
        %dma_start3A_125 = arith.constant 0 : i32
        %dma_start3A_126 = arith.constant 0 : i32
        %dma_start3A_127 = tpu.memref_slice %arg11[%dma_start3A_125, %dma_start3A_126] : memref<10240x128xf32, #tpu.memory_space<vmem_shared>> -> memref<10240x128xf32, #tpu.memory_space<vmem_shared>>
        tpu.enqueue_indirect_dma source(%arg9 : memref<125x128xf32, #tpu.memory_space<vmem>>) target(%dma_start3A_127 : memref<10240x128xf32, #tpu.memory_space<vmem_shared>>) offsets(%dma_start3A_124 : memref<125xi32, #tpu.memory_space<vmem>>) semaphore(%run_scoped3A_121 : memref<!tpu.dma_semaphore, #tpu.memory_space<semaphore_mem>>) {add = true}
        %dma_wait3A_128 = arith.constant 0 : i32
        %dma_wait3A_129 = tpu.memref_slice %arg8[%add3A_88, %dma_wait3A_128] : memref<40x125xi32, #tpu.memory_space<vmem>> -> memref<1x125xi32, #tpu.memory_space<vmem>>
        %dma_wait3A_130 = tpu.memref_squeeze %dma_wait3A_129 : memref<1x125xi32, #tpu.memory_space<vmem>> -> memref<125xi32, #tpu.memory_space<vmem>>
        %dma_wait3A_131 = arith.constant 0 : i32
        %dma_wait3A_132 = arith.constant 0 : i32
        %dma_wait3A_133 = tpu.memref_slice %arg11[%dma_wait3A_131, %dma_wait3A_132] : memref<10240x128xf32, #tpu.memory_space<vmem_shared>> -> memref<10240x128xf32, #tpu.memory_space<vmem_shared>>
        tpu.wait_indirect_dma semaphore(%run_scoped3A_121 : memref<!tpu.dma_semaphore, #tpu.memory_space<semaphore_mem>>) src(%arg9 : memref<125x128xf32, #tpu.memory_space<vmem>>) dst(%dma_wait3A_133 : memref<10240x128xf32, #tpu.memory_space<vmem_shared>>)
        tpu.yield
      }) : () -> ()
      %add3A_95 = arith.constant 2 : i32
      %add3A_96 = arith.addi %add3A_88, %add3A_95 : i32
      %dma_start3A_97 = arith.constant 0 : i32
      %dma_start3A_98 = tpu.memref_slice %arg7[%add3A_96, %dma_start3A_97] : memref<40x125xi32, #tpu.memory_space<vmem>> -> memref<1x125xi32, #tpu.memory_space<vmem>>
      %dma_start3A_99 = tpu.memref_squeeze %dma_start3A_98 : memref<1x125xi32, #tpu.memory_space<vmem>> -> memref<125xi32, #tpu.memory_space<vmem>>
      %dma_start3A_100 = arith.constant 0 : i32
      %dma_start3A_101 = arith.constant 0 : i32
      %dma_start3A_102 = tpu.memref_slice %arg2[%dma_start3A_100, %dma_start3A_101] : memref<10000x128xf32, #tpu.memory_space<hbm>> -> memref<10000x128xf32, #tpu.memory_space<hbm>>
      tpu.enqueue_indirect_dma source(%dma_start3A_102 : memref<10000x128xf32, #tpu.memory_space<hbm>>) target(%arg9 : memref<125x128xf32, #tpu.memory_space<vmem>>) offsets(%dma_start3A_99 : memref<125xi32, #tpu.memory_space<vmem>>) semaphore(%arg12 : memref<!tpu.dma_semaphore, #tpu.memory_space<semaphore_mem>>)
      %mul3A_103 = arith.constant 2 : i32
      %mul3A_104 = arith.muli %mul3A_103, %scan3A_84 : i32
      %add3A_105 = arith.constant 1 : i32
      %add3A_106 = arith.addi %mul3A_104, %add3A_105 : i32
      %dma_wait3A_107 = arith.constant 0 : i32
      %dma_wait3A_108 = tpu.memref_slice %arg7[%add3A_106, %dma_wait3A_107] : memref<40x125xi32, #tpu.memory_space<vmem>> -> memref<1x125xi32, #tpu.memory_space<vmem>>
      %dma_wait3A_109 = tpu.memref_squeeze %dma_wait3A_108 : memref<1x125xi32, #tpu.memory_space<vmem>> -> memref<125xi32, #tpu.memory_space<vmem>>
      %dma_wait3A_110 = arith.constant 0 : i32
      %dma_wait3A_111 = arith.constant 0 : i32
      %dma_wait3A_112 = tpu.memref_slice %arg2[%dma_wait3A_110, %dma_wait3A_111] : memref<10000x128xf32, #tpu.memory_space<hbm>> -> memref<10000x128xf32, #tpu.memory_space<hbm>>
      tpu.wait_indirect_dma semaphore(%arg13 : memref<!tpu.dma_semaphore, #tpu.memory_space<semaphore_mem>>) src(%dma_wait3A_112 : memref<10000x128xf32, #tpu.memory_space<hbm>>) dst(%arg10 : memref<125x128xf32, #tpu.memory_space<vmem>>)
      "tpu.region"() ({
        %run_scoped3A_121 = tpu.sem_alloc : memref<!tpu.dma_semaphore, #tpu.memory_space<semaphore_mem>>
        %dma_start3A_122 = arith.constant 0 : i32
        %dma_start3A_123 = tpu.memref_slice %arg8[%add3A_106, %dma_start3A_122] : memref<40x125xi32, #tpu.memory_space<vmem>> -> memref<1x125xi32, #tpu.memory_space<vmem>>
        %dma_start3A_124 = tpu.memref_squeeze %dma_start3A_123 : memref<1x125xi32, #tpu.memory_space<vmem>> -> memref<125xi32, #tpu.memory_space<vmem>>
        %dma_start3A_125 = arith.constant 0 : i32
        %dma_start3A_126 = arith.constant 0 : i32
        %dma_start3A_127 = tpu.memref_slice %arg11[%dma_start3A_125, %dma_start3A_126] : memref<10240x128xf32, #tpu.memory_space<vmem_shared>> -> memref<10240x128xf32, #tpu.memory_space<vmem_shared>>
        tpu.enqueue_indirect_dma source(%arg10 : memref<125x128xf32, #tpu.memory_space<vmem>>) target(%dma_start3A_127 : memref<10240x128xf32, #tpu.memory_space<vmem_shared>>) offsets(%dma_start3A_124 : memref<125xi32, #tpu.memory_space<vmem>>) semaphore(%run_scoped3A_121 : memref<!tpu.dma_semaphore, #tpu.memory_space<semaphore_mem>>) {add = true}
        %dma_wait3A_128 = arith.constant 0 : i32
        %dma_wait3A_129 = tpu.memref_slice %arg8[%add3A_106, %dma_wait3A_128] : memref<40x125xi32, #tpu.memory_space<vmem>> -> memref<1x125xi32, #tpu.memory_space<vmem>>
        %dma_wait3A_130 = tpu.memref_squeeze %dma_wait3A_129 : memref<1x125xi32, #tpu.memory_space<vmem>> -> memref<125xi32, #tpu.memory_space<vmem>>
        %dma_wait3A_131 = arith.constant 0 : i32
        %dma_wait3A_132 = arith.constant 0 : i32
        %dma_wait3A_133 = tpu.memref_slice %arg11[%dma_wait3A_131, %dma_wait3A_132] : memref<10240x128xf32, #tpu.memory_space<vmem_shared>> -> memref<10240x128xf32, #tpu.memory_space<vmem_shared>>
        tpu.wait_indirect_dma semaphore(%run_scoped3A_121 : memref<!tpu.dma_semaphore, #tpu.memory_space<semaphore_mem>>) src(%arg10 : memref<125x128xf32, #tpu.memory_space<vmem>>) dst(%dma_wait3A_133 : memref<10240x128xf32, #tpu.memory_space<vmem_shared>>)
        tpu.yield
      }) : () -> ()
      %add3A_113 = arith.constant 2 : i32
      %add3A_114 = arith.addi %add3A_106, %add3A_113 : i32
      %dma_start3A_115 = arith.constant 0 : i32
      %dma_start3A_116 = tpu.memref_slice %arg7[%add3A_114, %dma_start3A_115] : memref<40x125xi32, #tpu.memory_space<vmem>> -> memref<1x125xi32, #tpu.memory_space<vmem>>
      %dma_start3A_117 = tpu.memref_squeeze %dma_start3A_116 : memref<1x125xi32, #tpu.memory_space<vmem>> -> memref<125xi32, #tpu.memory_space<vmem>>
      %dma_start3A_118 = arith.constant 0 : i32
      %dma_start3A_119 = arith.constant 0 : i32
      %dma_start3A_120 = tpu.memref_slice %arg2[%dma_start3A_118, %dma_start3A_119] : memref<10000x128xf32, #tpu.memory_space<hbm>> -> memref<10000x128xf32, #tpu.memory_space<hbm>>
      tpu.enqueue_indirect_dma source(%dma_start3A_120 : memref<10000x128xf32, #tpu.memory_space<hbm>>) target(%arg10 : memref<125x128xf32, #tpu.memory_space<vmem>>) offsets(%dma_start3A_117 : memref<125xi32, #tpu.memory_space<vmem>>) semaphore(%arg13 : memref<!tpu.dma_semaphore, #tpu.memory_space<semaphore_mem>>)
    }
    %scan3A_62 = arith.constant 19 : i32
    %dma_wait3A_63 = arith.constant 38 : i32
    %dma_wait3A_64 = arith.constant 0 : i32
    %dma_wait3A_65 = tpu.memref_slice %arg7[%dma_wait3A_63, %dma_wait3A_64] : memref<40x125xi32, #tpu.memory_space<vmem>> -> memref<1x125xi32, #tpu.memory_space<vmem>>
    %dma_wait3A_66 = tpu.memref_squeeze %dma_wait3A_65 : memref<1x125xi32, #tpu.memory_space<vmem>> -> memref<125xi32, #tpu.memory_space<vmem>>
    %dma_wait3A_67 = arith.constant 0 : i32
    %dma_wait3A_68 = arith.constant 0 : i32
    %dma_wait3A_69 = tpu.memref_slice %arg2[%dma_wait3A_67, %dma_wait3A_68] : memref<10000x128xf32, #tpu.memory_space<hbm>> -> memref<10000x128xf32, #tpu.memory_space<hbm>>
    tpu.wait_indirect_dma semaphore(%arg12 : memref<!tpu.dma_semaphore, #tpu.memory_space<semaphore_mem>>) src(%dma_wait3A_69 : memref<10000x128xf32, #tpu.memory_space<hbm>>) dst(%arg9 : memref<125x128xf32, #tpu.memory_space<vmem>>)
    %run_scoped3A_70 = arith.constant 38 : i32
    "tpu.region"() ({
      %run_scoped3A_84 = tpu.sem_alloc : memref<!tpu.dma_semaphore, #tpu.memory_space<semaphore_mem>>
      %dma_start3A_85 = arith.constant 0 : i32
      %dma_start3A_86 = tpu.memref_slice %arg8[%run_scoped3A_70, %dma_start3A_85] : memref<40x125xi32, #tpu.memory_space<vmem>> -> memref<1x125xi32, #tpu.memory_space<vmem>>
      %dma_start3A_87 = tpu.memref_squeeze %dma_start3A_86 : memref<1x125xi32, #tpu.memory_space<vmem>> -> memref<125xi32, #tpu.memory_space<vmem>>
      %dma_start3A_88 = arith.constant 0 : i32
      %dma_start3A_89 = arith.constant 0 : i32
      %dma_start3A_90 = tpu.memref_slice %arg11[%dma_start3A_88, %dma_start3A_89] : memref<10240x128xf32, #tpu.memory_space<vmem_shared>> -> memref<10240x128xf32, #tpu.memory_space<vmem_shared>>
      tpu.enqueue_indirect_dma source(%arg9 : memref<125x128xf32, #tpu.memory_space<vmem>>) target(%dma_start3A_90 : memref<10240x128xf32, #tpu.memory_space<vmem_shared>>) offsets(%dma_start3A_87 : memref<125xi32, #tpu.memory_space<vmem>>) semaphore(%run_scoped3A_84 : memref<!tpu.dma_semaphore, #tpu.memory_space<semaphore_mem>>) {add = true}
      %dma_wait3A_91 = arith.constant 0 : i32
      %dma_wait3A_92 = tpu.memref_slice %arg8[%run_scoped3A_70, %dma_wait3A_91] : memref<40x125xi32, #tpu.memory_space<vmem>> -> memref<1x125xi32, #tpu.memory_space<vmem>>
      %dma_wait3A_93 = tpu.memref_squeeze %dma_wait3A_92 : memref<1x125xi32, #tpu.memory_space<vmem>> -> memref<125xi32, #tpu.memory_space<vmem>>
      %dma_wait3A_94 = arith.constant 0 : i32
      %dma_wait3A_95 = arith.constant 0 : i32
      %dma_wait3A_96 = tpu.memref_slice %arg11[%dma_wait3A_94, %dma_wait3A_95] : memref<10240x128xf32, #tpu.memory_space<vmem_shared>> -> memref<10240x128xf32, #tpu.memory_space<vmem_shared>>
      tpu.wait_indirect_dma semaphore(%run_scoped3A_84 : memref<!tpu.dma_semaphore, #tpu.memory_space<semaphore_mem>>) src(%arg9 : memref<125x128xf32, #tpu.memory_space<vmem>>) dst(%dma_wait3A_96 : memref<10240x128xf32, #tpu.memory_space<vmem_shared>>)
      tpu.yield
    }) : () -> ()
    %dma_wait3A_71 = arith.constant 39 : i32
    %dma_wait3A_72 = arith.constant 0 : i32
    %dma_wait3A_73 = tpu.memref_slice %arg7[%dma_wait3A_71, %dma_wait3A_72] : memref<40x125xi32, #tpu.memory_space<vmem>> -> memref<1x125xi32, #tpu.memory_space<vmem>>
    %dma_wait3A_74 = tpu.memref_squeeze %dma_wait3A_73 : memref<1x125xi32, #tpu.memory_space<vmem>> -> memref<125xi32, #tpu.memory_space<vmem>>
    %dma_wait3A_75 = arith.constant 0 : i32
    %dma_wait3A_76 = arith.constant 0 : i32
    %dma_wait3A_77 = tpu.memref_slice %arg2[%dma_wait3A_75, %dma_wait3A_76] : memref<10000x128xf32, #tpu.memory_space<hbm>> -> memref<10000x128xf32, #tpu.memory_space<hbm>>
    tpu.wait_indirect_dma semaphore(%arg13 : memref<!tpu.dma_semaphore, #tpu.memory_space<semaphore_mem>>) src(%dma_wait3A_77 : memref<10000x128xf32, #tpu.memory_space<hbm>>) dst(%arg10 : memref<125x128xf32, #tpu.memory_space<vmem>>)
    %run_scoped3A_78 = arith.constant 39 : i32
    "tpu.region"() ({
      %run_scoped3A_84 = tpu.sem_alloc : memref<!tpu.dma_semaphore, #tpu.memory_space<semaphore_mem>>
      %dma_start3A_85 = arith.constant 0 : i32
      %dma_start3A_86 = tpu.memref_slice %arg8[%run_scoped3A_78, %dma_start3A_85] : memref<40x125xi32, #tpu.memory_space<vmem>> -> memref<1x125xi32, #tpu.memory_space<vmem>>
      %dma_start3A_87 = tpu.memref_squeeze %dma_start3A_86 : memref<1x125xi32, #tpu.memory_space<vmem>> -> memref<125xi32, #tpu.memory_space<vmem>>
      %dma_start3A_88 = arith.constant 0 : i32
      %dma_start3A_89 = arith.constant 0 : i32
      %dma_start3A_90 = tpu.memref_slice %arg11[%dma_start3A_88, %dma_start3A_89] : memref<10240x128xf32, #tpu.memory_space<vmem_shared>> -> memref<10240x128xf32, #tpu.memory_space<vmem_shared>>
      tpu.enqueue_indirect_dma source(%arg10 : memref<125x128xf32, #tpu.memory_space<vmem>>) target(%dma_start3A_90 : memref<10240x128xf32, #tpu.memory_space<vmem_shared>>) offsets(%dma_start3A_87 : memref<125xi32, #tpu.memory_space<vmem>>) semaphore(%run_scoped3A_84 : memref<!tpu.dma_semaphore, #tpu.memory_space<semaphore_mem>>) {add = true}
      %dma_wait3A_91 = arith.constant 0 : i32
      %dma_wait3A_92 = tpu.memref_slice %arg8[%run_scoped3A_78, %dma_wait3A_91] : memref<40x125xi32, #tpu.memory_space<vmem>> -> memref<1x125xi32, #tpu.memory_space<vmem>>
      %dma_wait3A_93 = tpu.memref_squeeze %dma_wait3A_92 : memref<1x125xi32, #tpu.memory_space<vmem>> -> memref<125xi32, #tpu.memory_space<vmem>>
      %dma_wait3A_94 = arith.constant 0 : i32
      %dma_wait3A_95 = arith.constant 0 : i32
      %dma_wait3A_96 = tpu.memref_slice %arg11[%dma_wait3A_94, %dma_wait3A_95] : memref<10240x128xf32, #tpu.memory_space<vmem_shared>> -> memref<10240x128xf32, #tpu.memory_space<vmem_shared>>
      tpu.wait_indirect_dma semaphore(%run_scoped3A_84 : memref<!tpu.dma_semaphore, #tpu.memory_space<semaphore_mem>>) src(%arg10 : memref<125x128xf32, #tpu.memory_space<vmem>>) dst(%dma_wait3A_96 : memref<10240x128xf32, #tpu.memory_space<vmem_shared>>)
      tpu.yield
    }) : () -> ()
    %barrier3A_79 = arith.constant 0 : index
    tpu.barrier barrier_id(%barrier3A_79)
    %mul3A_80 = arith.constant 640 : i32
    %mul3A_81 = arith.muli %arg1, %mul3A_80 : i32
    %mul3A_82 = arith.constant 640 : i32
    %mul3A_83 = arith.muli %arg1, %mul3A_82 : i32
    "tpu.region"() ({
      %run_scoped3A_84 = tpu.sem_alloc : memref<!tpu.dma_semaphore, #tpu.memory_space<semaphore_mem>>
      %dma_start3A_85 = arith.constant 0 : i32
      %dma_start3A_86 = tpu.memref_slice %arg6[%arg0, %mul3A_83, %dma_start3A_85] : memref<2x10240x128xf32, #tpu.memory_space<hbm>> -> memref<1x640x128xf32, #tpu.memory_space<hbm>>
      %dma_start3A_87 = tpu.memref_squeeze %dma_start3A_86 : memref<1x640x128xf32, #tpu.memory_space<hbm>> -> memref<640x128xf32, #tpu.memory_space<hbm>>
      %dma_start3A_88 = arith.constant 0 : i32
      %dma_start3A_89 = tpu.memref_slice %arg11[%mul3A_81, %dma_start3A_88] : memref<10240x128xf32, #tpu.memory_space<vmem_shared>> -> memref<640x128xf32, #tpu.memory_space<vmem_shared>>
      tpu.enqueue_dma source(%dma_start3A_89 : memref<640x128xf32, #tpu.memory_space<vmem_shared>>) target(%dma_start3A_87 : memref<640x128xf32, #tpu.memory_space<hbm>>) target_semaphore(%run_scoped3A_84 : memref<!tpu.dma_semaphore, #tpu.memory_space<semaphore_mem>>)
      %dma_wait3A_90 = arith.constant 0 : i32
      %dma_wait3A_91 = tpu.memref_slice %arg6[%arg0, %mul3A_83, %dma_wait3A_90] : memref<2x10240x128xf32, #tpu.memory_space<hbm>> -> memref<1x640x128xf32, #tpu.memory_space<hbm>>
      %dma_wait3A_92 = tpu.memref_squeeze %dma_wait3A_91 : memref<1x640x128xf32, #tpu.memory_space<hbm>> -> memref<640x128xf32, #tpu.memory_space<hbm>>
      %dma_wait3A_93 = arith.constant 0 : i32
      %dma_wait3A_94 = tpu.memref_slice %arg11[%mul3A_81, %dma_wait3A_93] : memref<10240x128xf32, #tpu.memory_space<vmem_shared>> -> memref<640x128xf32, #tpu.memory_space<vmem_shared>>
      tpu.wait_dma2 semaphore(%run_scoped3A_84 : memref<!tpu.dma_semaphore, #tpu.memory_space<semaphore_mem>>) src(%dma_wait3A_94 : memref<640x128xf32, #tpu.memory_space<vmem_shared>>) dst(%dma_wait3A_92 : memref<640x128xf32, #tpu.memory_space<hbm>>)
      tpu.yield
    }) : () -> ()
    return
  }
}

#map = affine_map<(d0, d1) -> (0, 0)>
#map1 = affine_map<(d0, d1) -> (0, 0, 0)>
module attributes {stable_mosaic.version = 14 : i64} {
  func.func @_scatter_body(%arg0: i32, %arg1: i32, %arg2: memref<10000x128xf32, #tpu.memory_space<hbm>>, %arg3: memref<2560x125xi32, #tpu.memory_space<hbm>>, %arg4: memref<2560x125xi32, #tpu.memory_space<hbm>>, %arg5: memref<640x128xf32, #tpu.memory_space<hbm>>, %arg6: memref<2x10240x128xf32, #tpu.memory_space<hbm>>, %arg7: memref<40x125xi32, #tpu.memory_space<vmem>>, %arg8: memref<40x125xi32, #tpu.memory_space<vmem>>, %arg9: memref<125x128xf32, #tpu.memory_space<vmem>>, %arg10: memref<125x128xf32, #tpu.memory_space<vmem>>, %arg11: memref<10240x128xf32, #tpu.memory_space<vmem_shared>>, %arg12: memref<!tpu.dma_semaphore, #tpu.memory_space<semaphore_mem>>, %arg13: memref<!tpu.dma_semaphore, #tpu.memory_space<semaphore_mem>>) attributes {dimension_semantics = [#tpu.dimension_semantics<core_parallel>, #tpu.dimension_semantics<subcore_parallel>], iteration_bounds = array<i64: 2, 16>, scalar_prefetch = 0 : i64, scratch_operands = 7 : i64, tpu.core_type = #tpu.core_type<sc_vector_subcore>, window_params = [{transform_indices = #map}, {transform_indices = #map}, {transform_indices = #map}, {transform_indices = #map}, {transform_indices = #map1}]} {
    %mul3A = arith.constant 16 : i32
    %mul3A_0 = arith.muli %arg0, %mul3A : i32
    %add3A = arith.addi %mul3A_0, %arg1 : i32
    %mul3A_1 = arith.constant 640 : i32
    %mul3A_2 = arith.muli %arg1, %mul3A_1 : i32
    "tpu.region"() ({
      %run_scoped3A_84 = tpu.sem_alloc : memref<!tpu.dma_semaphore, #tpu.memory_space<semaphore_mem>>
      %dma_start3A_85 = arith.constant 0 : i32
      %dma_start3A_86 = tpu.memref_slice %arg11[%mul3A_2, %dma_start3A_85] : memref<10240x128xf32, #tpu.memory_space<vmem_shared>> -> memref<640x128xf32, #tpu.memory_space<vmem_shared>>
      tpu.enqueue_dma source(%arg5 : memref<640x128xf32, #tpu.memory_space<hbm>>) target(%dma_start3A_86 : memref<640x128xf32, #tpu.memory_space<vmem_shared>>) target_semaphore(%run_scoped3A_84 : memref<!tpu.dma_semaphore, #tpu.memory_space<semaphore_mem>>)
      %dma_wait3A_87 = arith.constant 0 : i32
      %dma_wait3A_88 = tpu.memref_slice %arg11[%mul3A_2, %dma_wait3A_87] : memref<10240x128xf32, #tpu.memory_space<vmem_shared>> -> memref<640x128xf32, #tpu.memory_space<vmem_shared>>
      tpu.wait_dma2 semaphore(%run_scoped3A_84 : memref<!tpu.dma_semaphore, #tpu.memory_space<semaphore_mem>>) src(%arg5 : memref<640x128xf32, #tpu.memory_space<hbm>>) dst(%dma_wait3A_88 : memref<640x128xf32, #tpu.memory_space<vmem_shared>>)
      tpu.yield
    }) : () -> ()
    %barrier3A = arith.constant 0 : index
    tpu.barrier barrier_id(%barrier3A)
    %mul3A_3 = arith.constant 80 : i32
    %mul3A_4 = arith.muli %add3A, %mul3A_3 : i32
    %add3A_5 = arith.constant 0 : i32
    %add3A_6 = arith.addi %mul3A_4, %add3A_5 : i32
    "tpu.region"() ({
      %run_scoped3A_84 = tpu.sem_alloc : memref<!tpu.dma_semaphore, #tpu.memory_space<semaphore_mem>>
      %dma_start3A_85 = arith.constant 0 : i32
      %dma_start3A_86 = tpu.memref_slice %arg3[%add3A_6, %dma_start3A_85] : memref<2560x125xi32, #tpu.memory_space<hbm>> -> memref<40x125xi32, #tpu.memory_space<hbm>>
      %dma_start3A_87 = arith.constant 0 : i32
      %dma_start3A_88 = tpu.memref_slice %arg3[%add3A_6, %dma_start3A_87] : memref<2560x125xi32, #tpu.memory_space<hbm>> -> memref<40x125xi32, #tpu.memory_space<hbm>>
      tpu.enqueue_dma source(%dma_start3A_88 : memref<40x125xi32, #tpu.memory_space<hbm>>) target(%arg7 : memref<40x125xi32, #tpu.memory_space<vmem>>) target_semaphore(%run_scoped3A_84 : memref<!tpu.dma_semaphore, #tpu.memory_space<semaphore_mem>>)
      %dma_wait3A_89 = arith.constant 0 : i32
      %dma_wait3A_90 = tpu.memref_slice %arg3[%add3A_6, %dma_wait3A_89] : memref<2560x125xi32, #tpu.memory_space<hbm>> -> memref<40x125xi32, #tpu.memory_space<hbm>>
      %dma_wait3A_91 = arith.constant 0 : i32
      %dma_wait3A_92 = tpu.memref_slice %arg3[%add3A_6, %dma_wait3A_91] : memref<2560x125xi32, #tpu.memory_space<hbm>> -> memref<40x125xi32, #tpu.memory_space<hbm>>
      tpu.wait_dma2 semaphore(%run_scoped3A_84 : memref<!tpu.dma_semaphore, #tpu.memory_space<semaphore_mem>>) src(%dma_wait3A_92 : memref<40x125xi32, #tpu.memory_space<hbm>>) dst(%arg7 : memref<40x125xi32, #tpu.memory_space<vmem>>)
      tpu.yield
    }) : () -> ()
    "tpu.region"() ({
      %run_scoped3A_84 = tpu.sem_alloc : memref<!tpu.dma_semaphore, #tpu.memory_space<semaphore_mem>>
      %dma_start3A_85 = arith.constant 0 : i32
      %dma_start3A_86 = tpu.memref_slice %arg4[%add3A_6, %dma_start3A_85] : memref<2560x125xi32, #tpu.memory_space<hbm>> -> memref<40x125xi32, #tpu.memory_space<hbm>>
      %dma_start3A_87 = arith.constant 0 : i32
      %dma_start3A_88 = tpu.memref_slice %arg4[%add3A_6, %dma_start3A_87] : memref<2560x125xi32, #tpu.memory_space<hbm>> -> memref<40x125xi32, #tpu.memory_space<hbm>>
      tpu.enqueue_dma source(%dma_start3A_88 : memref<40x125xi32, #tpu.memory_space<hbm>>) target(%arg8 : memref<40x125xi32, #tpu.memory_space<vmem>>) target_semaphore(%run_scoped3A_84 : memref<!tpu.dma_semaphore, #tpu.memory_space<semaphore_mem>>)
      %dma_wait3A_89 = arith.constant 0 : i32
      %dma_wait3A_90 = tpu.memref_slice %arg4[%add3A_6, %dma_wait3A_89] : memref<2560x125xi32, #tpu.memory_space<hbm>> -> memref<40x125xi32, #tpu.memory_space<hbm>>
      %dma_wait3A_91 = arith.constant 0 : i32
      %dma_wait3A_92 = tpu.memref_slice %arg4[%add3A_6, %dma_wait3A_91] : memref<2560x125xi32, #tpu.memory_space<hbm>> -> memref<40x125xi32, #tpu.memory_space<hbm>>
      tpu.wait_dma2 semaphore(%run_scoped3A_84 : memref<!tpu.dma_semaphore, #tpu.memory_space<semaphore_mem>>) src(%dma_wait3A_92 : memref<40x125xi32, #tpu.memory_space<hbm>>) dst(%arg8 : memref<40x125xi32, #tpu.memory_space<vmem>>)
      tpu.yield
    }) : () -> ()
    %dma_start3A = arith.constant 0 : i32
    %dma_start3A_7 = arith.constant 0 : i32
    %dma_start3A_8 = tpu.memref_slice %arg7[%dma_start3A, %dma_start3A_7] : memref<40x125xi32, #tpu.memory_space<vmem>> -> memref<1x125xi32, #tpu.memory_space<vmem>>
    %dma_start3A_9 = tpu.memref_squeeze %dma_start3A_8 : memref<1x125xi32, #tpu.memory_space<vmem>> -> memref<125xi32, #tpu.memory_space<vmem>>
    %dma_start3A_10 = arith.constant 0 : i32
    %dma_start3A_11 = arith.constant 0 : i32
    %dma_start3A_12 = tpu.memref_slice %arg2[%dma_start3A_10, %dma_start3A_11] : memref<10000x128xf32, #tpu.memory_space<hbm>> -> memref<10000x128xf32, #tpu.memory_space<hbm>>
    tpu.enqueue_indirect_dma source(%dma_start3A_12 : memref<10000x128xf32, #tpu.memory_space<hbm>>) target(%arg9 : memref<125x128xf32, #tpu.memory_space<vmem>>) offsets(%dma_start3A_9 : memref<125xi32, #tpu.memory_space<vmem>>) semaphore(%arg12 : memref<!tpu.dma_semaphore, #tpu.memory_space<semaphore_mem>>)
    %dma_start3A_13 = arith.constant 1 : i32
    %dma_start3A_14 = arith.constant 0 : i32
    %dma_start3A_15 = tpu.memref_slice %arg7[%dma_start3A_13, %dma_start3A_14] : memref<40x125xi32, #tpu.memory_space<vmem>> -> memref<1x125xi32, #tpu.memory_space<vmem>>
    %dma_start3A_16 = tpu.memref_squeeze %dma_start3A_15 : memref<1x125xi32, #tpu.memory_space<vmem>> -> memref<125xi32, #tpu.memory_space<vmem>>
    %dma_start3A_17 = arith.constant 0 : i32
    %dma_start3A_18 = arith.constant 0 : i32
    %dma_start3A_19 = tpu.memref_slice %arg2[%dma_start3A_17, %dma_start3A_18] : memref<10000x128xf32, #tpu.memory_space<hbm>> -> memref<10000x128xf32, #tpu.memory_space<hbm>>
    tpu.enqueue_indirect_dma source(%dma_start3A_19 : memref<10000x128xf32, #tpu.memory_space<hbm>>) target(%arg10 : memref<125x128xf32, #tpu.memory_space<vmem>>) offsets(%dma_start3A_16 : memref<125xi32, #tpu.memory_space<vmem>>) semaphore(%arg13 : memref<!tpu.dma_semaphore, #tpu.memory_space<semaphore_mem>>)
    %scan3A = arith.constant 0 : i32
    %scan3A_20 = arith.constant 0 : i32
    %scan3A_21 = arith.constant 19 : i32
    %scan3A_22 = arith.addi %scan3A_20, %scan3A_21 : i32
    %scan3A_23 = arith.constant 1 : i32
    scf.for %scan3A_84 = %scan3A_20 to %scan3A_22 step %scan3A_23  : i32 {
      %mul3A_85 = arith.constant 2 : i32
      %mul3A_86 = arith.muli %mul3A_85, %scan3A_84 : i32
      %add3A_87 = arith.constant 0 : i32
      %add3A_88 = arith.addi %mul3A_86, %add3A_87 : i32
      %dma_wait3A_89 = arith.constant 0 : i32
      %dma_wait3A_90 = tpu.memref_slice %arg7[%add3A_88, %dma_wait3A_89] : memref<40x125xi32, #tpu.memory_space<vmem>> -> memref<1x125xi32, #tpu.memory_space<vmem>>
      %dma_wait3A_91 = tpu.memref_squeeze %dma_wait3A_90 : memref<1x125xi32, #tpu.memory_space<vmem>> -> memref<125xi32, #tpu.memory_space<vmem>>
      %dma_wait3A_92 = arith.constant 0 : i32
      %dma_wait3A_93 = arith.constant 0 : i32
      %dma_wait3A_94 = tpu.memref_slice %arg2[%dma_wait3A_92, %dma_wait3A_93] : memref<10000x128xf32, #tpu.memory_space<hbm>> -> memref<10000x128xf32, #tpu.memory_space<hbm>>
      tpu.wait_indirect_dma semaphore(%arg12 : memref<!tpu.dma_semaphore, #tpu.memory_space<semaphore_mem>>) src(%dma_wait3A_94 : memref<10000x128xf32, #tpu.memory_space<hbm>>) dst(%arg9 : memref<125x128xf32, #tpu.memory_space<vmem>>)
      "tpu.region"() ({
        %run_scoped3A_121 = tpu.sem_alloc : memref<!tpu.dma_semaphore, #tpu.memory_space<semaphore_mem>>
        %dma_start3A_122 = arith.constant 0 : i32
        %dma_start3A_123 = tpu.memref_slice %arg8[%add3A_88, %dma_start3A_122] : memref<40x125xi32, #tpu.memory_space<vmem>> -> memref<1x125xi32, #tpu.memory_space<vmem>>
        %dma_start3A_124 = tpu.memref_squeeze %dma_start3A_123 : memref<1x125xi32, #tpu.memory_space<vmem>> -> memref<125xi32, #tpu.memory_space<vmem>>
        %dma_start3A_125 = arith.constant 0 : i32
        %dma_start3A_126 = arith.constant 0 : i32
        %dma_start3A_127 = tpu.memref_slice %arg11[%dma_start3A_125, %dma_start3A_126] : memref<10240x128xf32, #tpu.memory_space<vmem_shared>> -> memref<10240x128xf32, #tpu.memory_space<vmem_shared>>
        tpu.enqueue_indirect_dma source(%arg9 : memref<125x128xf32, #tpu.memory_space<vmem>>) target(%dma_start3A_127 : memref<10240x128xf32, #tpu.memory_space<vmem_shared>>) offsets(%dma_start3A_124 : memref<125xi32, #tpu.memory_space<vmem>>) semaphore(%run_scoped3A_121 : memref<!tpu.dma_semaphore, #tpu.memory_space<semaphore_mem>>) {add = true}
        %dma_wait3A_128 = arith.constant 0 : i32
        %dma_wait3A_129 = tpu.memref_slice %arg8[%add3A_88, %dma_wait3A_128] : memref<40x125xi32, #tpu.memory_space<vmem>> -> memref<1x125xi32, #tpu.memory_space<vmem>>
        %dma_wait3A_130 = tpu.memref_squeeze %dma_wait3A_129 : memref<1x125xi32, #tpu.memory_space<vmem>> -> memref<125xi32, #tpu.memory_space<vmem>>
        %dma_wait3A_131 = arith.constant 0 : i32
        %dma_wait3A_132 = arith.constant 0 : i32
        %dma_wait3A_133 = tpu.memref_slice %arg11[%dma_wait3A_131, %dma_wait3A_132] : memref<10240x128xf32, #tpu.memory_space<vmem_shared>> -> memref<10240x128xf32, #tpu.memory_space<vmem_shared>>
        tpu.wait_indirect_dma semaphore(%run_scoped3A_121 : memref<!tpu.dma_semaphore, #tpu.memory_space<semaphore_mem>>) src(%arg9 : memref<125x128xf32, #tpu.memory_space<vmem>>) dst(%dma_wait3A_133 : memref<10240x128xf32, #tpu.memory_space<vmem_shared>>)
        tpu.yield
      }) : () -> ()
      %add3A_95 = arith.constant 2 : i32
      %add3A_96 = arith.addi %add3A_88, %add3A_95 : i32
      %dma_start3A_97 = arith.constant 0 : i32
      %dma_start3A_98 = tpu.memref_slice %arg7[%add3A_96, %dma_start3A_97] : memref<40x125xi32, #tpu.memory_space<vmem>> -> memref<1x125xi32, #tpu.memory_space<vmem>>
      %dma_start3A_99 = tpu.memref_squeeze %dma_start3A_98 : memref<1x125xi32, #tpu.memory_space<vmem>> -> memref<125xi32, #tpu.memory_space<vmem>>
      %dma_start3A_100 = arith.constant 0 : i32
      %dma_start3A_101 = arith.constant 0 : i32
      %dma_start3A_102 = tpu.memref_slice %arg2[%dma_start3A_100, %dma_start3A_101] : memref<10000x128xf32, #tpu.memory_space<hbm>> -> memref<10000x128xf32, #tpu.memory_space<hbm>>
      tpu.enqueue_indirect_dma source(%dma_start3A_102 : memref<10000x128xf32, #tpu.memory_space<hbm>>) target(%arg9 : memref<125x128xf32, #tpu.memory_space<vmem>>) offsets(%dma_start3A_99 : memref<125xi32, #tpu.memory_space<vmem>>) semaphore(%arg12 : memref<!tpu.dma_semaphore, #tpu.memory_space<semaphore_mem>>)
      %mul3A_103 = arith.constant 2 : i32
      %mul3A_104 = arith.muli %mul3A_103, %scan3A_84 : i32
      %add3A_105 = arith.constant 1 : i32
      %add3A_106 = arith.addi %mul3A_104, %add3A_105 : i32
      %dma_wait3A_107 = arith.constant 0 : i32
      %dma_wait3A_108 = tpu.memref_slice %arg7[%add3A_106, %dma_wait3A_107] : memref<40x125xi32, #tpu.memory_space<vmem>> -> memref<1x125xi32, #tpu.memory_space<vmem>>
      %dma_wait3A_109 = tpu.memref_squeeze %dma_wait3A_108 : memref<1x125xi32, #tpu.memory_space<vmem>> -> memref<125xi32, #tpu.memory_space<vmem>>
      %dma_wait3A_110 = arith.constant 0 : i32
      %dma_wait3A_111 = arith.constant 0 : i32
      %dma_wait3A_112 = tpu.memref_slice %arg2[%dma_wait3A_110, %dma_wait3A_111] : memref<10000x128xf32, #tpu.memory_space<hbm>> -> memref<10000x128xf32, #tpu.memory_space<hbm>>
      tpu.wait_indirect_dma semaphore(%arg13 : memref<!tpu.dma_semaphore, #tpu.memory_space<semaphore_mem>>) src(%dma_wait3A_112 : memref<10000x128xf32, #tpu.memory_space<hbm>>) dst(%arg10 : memref<125x128xf32, #tpu.memory_space<vmem>>)
      "tpu.region"() ({
        %run_scoped3A_121 = tpu.sem_alloc : memref<!tpu.dma_semaphore, #tpu.memory_space<semaphore_mem>>
        %dma_start3A_122 = arith.constant 0 : i32
        %dma_start3A_123 = tpu.memref_slice %arg8[%add3A_106, %dma_start3A_122] : memref<40x125xi32, #tpu.memory_space<vmem>> -> memref<1x125xi32, #tpu.memory_space<vmem>>
        %dma_start3A_124 = tpu.memref_squeeze %dma_start3A_123 : memref<1x125xi32, #tpu.memory_space<vmem>> -> memref<125xi32, #tpu.memory_space<vmem>>
        %dma_start3A_125 = arith.constant 0 : i32
        %dma_start3A_126 = arith.constant 0 : i32
        %dma_start3A_127 = tpu.memref_slice %arg11[%dma_start3A_125, %dma_start3A_126] : memref<10240x128xf32, #tpu.memory_space<vmem_shared>> -> memref<10240x128xf32, #tpu.memory_space<vmem_shared>>
        tpu.enqueue_indirect_dma source(%arg10 : memref<125x128xf32, #tpu.memory_space<vmem>>) target(%dma_start3A_127 : memref<10240x128xf32, #tpu.memory_space<vmem_shared>>) offsets(%dma_start3A_124 : memref<125xi32, #tpu.memory_space<vmem>>) semaphore(%run_scoped3A_121 : memref<!tpu.dma_semaphore, #tpu.memory_space<semaphore_mem>>) {add = true}
        %dma_wait3A_128 = arith.constant 0 : i32
        %dma_wait3A_129 = tpu.memref_slice %arg8[%add3A_106, %dma_wait3A_128] : memref<40x125xi32, #tpu.memory_space<vmem>> -> memref<1x125xi32, #tpu.memory_space<vmem>>
        %dma_wait3A_130 = tpu.memref_squeeze %dma_wait3A_129 : memref<1x125xi32, #tpu.memory_space<vmem>> -> memref<125xi32, #tpu.memory_space<vmem>>
        %dma_wait3A_131 = arith.constant 0 : i32
        %dma_wait3A_132 = arith.constant 0 : i32
        %dma_wait3A_133 = tpu.memref_slice %arg11[%dma_wait3A_131, %dma_wait3A_132] : memref<10240x128xf32, #tpu.memory_space<vmem_shared>> -> memref<10240x128xf32, #tpu.memory_space<vmem_shared>>
        tpu.wait_indirect_dma semaphore(%run_scoped3A_121 : memref<!tpu.dma_semaphore, #tpu.memory_space<semaphore_mem>>) src(%arg10 : memref<125x128xf32, #tpu.memory_space<vmem>>) dst(%dma_wait3A_133 : memref<10240x128xf32, #tpu.memory_space<vmem_shared>>)
        tpu.yield
      }) : () -> ()
      %add3A_113 = arith.constant 2 : i32
      %add3A_114 = arith.addi %add3A_106, %add3A_113 : i32
      %dma_start3A_115 = arith.constant 0 : i32
      %dma_start3A_116 = tpu.memref_slice %arg7[%add3A_114, %dma_start3A_115] : memref<40x125xi32, #tpu.memory_space<vmem>> -> memref<1x125xi32, #tpu.memory_space<vmem>>
      %dma_start3A_117 = tpu.memref_squeeze %dma_start3A_116 : memref<1x125xi32, #tpu.memory_space<vmem>> -> memref<125xi32, #tpu.memory_space<vmem>>
      %dma_start3A_118 = arith.constant 0 : i32
      %dma_start3A_119 = arith.constant 0 : i32
      %dma_start3A_120 = tpu.memref_slice %arg2[%dma_start3A_118, %dma_start3A_119] : memref<10000x128xf32, #tpu.memory_space<hbm>> -> memref<10000x128xf32, #tpu.memory_space<hbm>>
      tpu.enqueue_indirect_dma source(%dma_start3A_120 : memref<10000x128xf32, #tpu.memory_space<hbm>>) target(%arg10 : memref<125x128xf32, #tpu.memory_space<vmem>>) offsets(%dma_start3A_117 : memref<125xi32, #tpu.memory_space<vmem>>) semaphore(%arg13 : memref<!tpu.dma_semaphore, #tpu.memory_space<semaphore_mem>>)
    }
    %scan3A_24 = arith.constant 19 : i32
    %dma_wait3A = arith.constant 38 : i32
    %dma_wait3A_25 = arith.constant 0 : i32
    %dma_wait3A_26 = tpu.memref_slice %arg7[%dma_wait3A, %dma_wait3A_25] : memref<40x125xi32, #tpu.memory_space<vmem>> -> memref<1x125xi32, #tpu.memory_space<vmem>>
    %dma_wait3A_27 = tpu.memref_squeeze %dma_wait3A_26 : memref<1x125xi32, #tpu.memory_space<vmem>> -> memref<125xi32, #tpu.memory_space<vmem>>
    %dma_wait3A_28 = arith.constant 0 : i32
    %dma_wait3A_29 = arith.constant 0 : i32
    %dma_wait3A_30 = tpu.memref_slice %arg2[%dma_wait3A_28, %dma_wait3A_29] : memref<10000x128xf32, #tpu.memory_space<hbm>> -> memref<10000x128xf32, #tpu.memory_space<hbm>>
    tpu.wait_indirect_dma semaphore(%arg12 : memref<!tpu.dma_semaphore, #tpu.memory_space<semaphore_mem>>) src(%dma_wait3A_30 : memref<10000x128xf32, #tpu.memory_space<hbm>>) dst(%arg9 : memref<125x128xf32, #tpu.memory_space<vmem>>)
    %run_scoped3A = arith.constant 38 : i32
    "tpu.region"() ({
      %run_scoped3A_84 = tpu.sem_alloc : memref<!tpu.dma_semaphore, #tpu.memory_space<semaphore_mem>>
      %dma_start3A_85 = arith.constant 0 : i32
      %dma_start3A_86 = tpu.memref_slice %arg8[%run_scoped3A, %dma_start3A_85] : memref<40x125xi32, #tpu.memory_space<vmem>> -> memref<1x125xi32, #tpu.memory_space<vmem>>
      %dma_start3A_87 = tpu.memref_squeeze %dma_start3A_86 : memref<1x125xi32, #tpu.memory_space<vmem>> -> memref<125xi32, #tpu.memory_space<vmem>>
      %dma_start3A_88 = arith.constant 0 : i32
      %dma_start3A_89 = arith.constant 0 : i32
      %dma_start3A_90 = tpu.memref_slice %arg11[%dma_start3A_88, %dma_start3A_89] : memref<10240x128xf32, #tpu.memory_space<vmem_shared>> -> memref<10240x128xf32, #tpu.memory_space<vmem_shared>>
      tpu.enqueue_indirect_dma source(%arg9 : memref<125x128xf32, #tpu.memory_space<vmem>>) target(%dma_start3A_90 : memref<10240x128xf32, #tpu.memory_space<vmem_shared>>) offsets(%dma_start3A_87 : memref<125xi32, #tpu.memory_space<vmem>>) semaphore(%run_scoped3A_84 : memref<!tpu.dma_semaphore, #tpu.memory_space<semaphore_mem>>) {add = true}
      %dma_wait3A_91 = arith.constant 0 : i32
      %dma_wait3A_92 = tpu.memref_slice %arg8[%run_scoped3A, %dma_wait3A_91] : memref<40x125xi32, #tpu.memory_space<vmem>> -> memref<1x125xi32, #tpu.memory_space<vmem>>
      %dma_wait3A_93 = tpu.memref_squeeze %dma_wait3A_92 : memref<1x125xi32, #tpu.memory_space<vmem>> -> memref<125xi32, #tpu.memory_space<vmem>>
      %dma_wait3A_94 = arith.constant 0 : i32
      %dma_wait3A_95 = arith.constant 0 : i32
      %dma_wait3A_96 = tpu.memref_slice %arg11[%dma_wait3A_94, %dma_wait3A_95] : memref<10240x128xf32, #tpu.memory_space<vmem_shared>> -> memref<10240x128xf32, #tpu.memory_space<vmem_shared>>
      tpu.wait_indirect_dma semaphore(%run_scoped3A_84 : memref<!tpu.dma_semaphore, #tpu.memory_space<semaphore_mem>>) src(%arg9 : memref<125x128xf32, #tpu.memory_space<vmem>>) dst(%dma_wait3A_96 : memref<10240x128xf32, #tpu.memory_space<vmem_shared>>)
      tpu.yield
    }) : () -> ()
    %dma_wait3A_31 = arith.constant 39 : i32
    %dma_wait3A_32 = arith.constant 0 : i32
    %dma_wait3A_33 = tpu.memref_slice %arg7[%dma_wait3A_31, %dma_wait3A_32] : memref<40x125xi32, #tpu.memory_space<vmem>> -> memref<1x125xi32, #tpu.memory_space<vmem>>
    %dma_wait3A_34 = tpu.memref_squeeze %dma_wait3A_33 : memref<1x125xi32, #tpu.memory_space<vmem>> -> memref<125xi32, #tpu.memory_space<vmem>>
    %dma_wait3A_35 = arith.constant 0 : i32
    %dma_wait3A_36 = arith.constant 0 : i32
    %dma_wait3A_37 = tpu.memref_slice %arg2[%dma_wait3A_35, %dma_wait3A_36] : memref<10000x128xf32, #tpu.memory_space<hbm>> -> memref<10000x128xf32, #tpu.memory_space<hbm>>
    tpu.wait_indirect_dma semaphore(%arg13 : memref<!tpu.dma_semaphore, #tpu.memory_space<semaphore_mem>>) src(%dma_wait3A_37 : memref<10000x128xf32, #tpu.memory_space<hbm>>) dst(%arg10 : memref<125x128xf32, #tpu.memory_space<vmem>>)
    %run_scoped3A_38 = arith.constant 39 : i32
    "tpu.region"() ({
      %run_scoped3A_84 = tpu.sem_alloc : memref<!tpu.dma_semaphore, #tpu.memory_space<semaphore_mem>>
      %dma_start3A_85 = arith.constant 0 : i32
      %dma_start3A_86 = tpu.memref_slice %arg8[%run_scoped3A_38, %dma_start3A_85] : memref<40x125xi32, #tpu.memory_space<vmem>> -> memref<1x125xi32, #tpu.memory_space<vmem>>
      %dma_start3A_87 = tpu.memref_squeeze %dma_start3A_86 : memref<1x125xi32, #tpu.memory_space<vmem>> -> memref<125xi32, #tpu.memory_space<vmem>>
      %dma_start3A_88 = arith.constant 0 : i32
      %dma_start3A_89 = arith.constant 0 : i32
      %dma_start3A_90 = tpu.memref_slice %arg11[%dma_start3A_88, %dma_start3A_89] : memref<10240x128xf32, #tpu.memory_space<vmem_shared>> -> memref<10240x128xf32, #tpu.memory_space<vmem_shared>>
      tpu.enqueue_indirect_dma source(%arg10 : memref<125x128xf32, #tpu.memory_space<vmem>>) target(%dma_start3A_90 : memref<10240x128xf32, #tpu.memory_space<vmem_shared>>) offsets(%dma_start3A_87 : memref<125xi32, #tpu.memory_space<vmem>>) semaphore(%run_scoped3A_84 : memref<!tpu.dma_semaphore, #tpu.memory_space<semaphore_mem>>) {add = true}
      %dma_wait3A_91 = arith.constant 0 : i32
      %dma_wait3A_92 = tpu.memref_slice %arg8[%run_scoped3A_38, %dma_wait3A_91] : memref<40x125xi32, #tpu.memory_space<vmem>> -> memref<1x125xi32, #tpu.memory_space<vmem>>
      %dma_wait3A_93 = tpu.memref_squeeze %dma_wait3A_92 : memref<1x125xi32, #tpu.memory_space<vmem>> -> memref<125xi32, #tpu.memory_space<vmem>>
      %dma_wait3A_94 = arith.constant 0 : i32
      %dma_wait3A_95 = arith.constant 0 : i32
      %dma_wait3A_96 = tpu.memref_slice %arg11[%dma_wait3A_94, %dma_wait3A_95] : memref<10240x128xf32, #tpu.memory_space<vmem_shared>> -> memref<10240x128xf32, #tpu.memory_space<vmem_shared>>
      tpu.wait_indirect_dma semaphore(%run_scoped3A_84 : memref<!tpu.dma_semaphore, #tpu.memory_space<semaphore_mem>>) src(%arg10 : memref<125x128xf32, #tpu.memory_space<vmem>>) dst(%dma_wait3A_96 : memref<10240x128xf32, #tpu.memory_space<vmem_shared>>)
      tpu.yield
    }) : () -> ()
    %mul3A_39 = arith.constant 80 : i32
    %mul3A_40 = arith.muli %add3A, %mul3A_39 : i32
    %add3A_41 = arith.constant 40 : i32
    %add3A_42 = arith.addi %mul3A_40, %add3A_41 : i32
    "tpu.region"() ({
      %run_scoped3A_84 = tpu.sem_alloc : memref<!tpu.dma_semaphore, #tpu.memory_space<semaphore_mem>>
      %dma_start3A_85 = arith.constant 0 : i32
      %dma_start3A_86 = tpu.memref_slice %arg3[%add3A_42, %dma_start3A_85] : memref<2560x125xi32, #tpu.memory_space<hbm>> -> memref<40x125xi32, #tpu.memory_space<hbm>>
      %dma_start3A_87 = arith.constant 0 : i32
      %dma_start3A_88 = tpu.memref_slice %arg3[%add3A_42, %dma_start3A_87] : memref<2560x125xi32, #tpu.memory_space<hbm>> -> memref<40x125xi32, #tpu.memory_space<hbm>>
      tpu.enqueue_dma source(%dma_start3A_88 : memref<40x125xi32, #tpu.memory_space<hbm>>) target(%arg7 : memref<40x125xi32, #tpu.memory_space<vmem>>) target_semaphore(%run_scoped3A_84 : memref<!tpu.dma_semaphore, #tpu.memory_space<semaphore_mem>>)
      %dma_wait3A_89 = arith.constant 0 : i32
      %dma_wait3A_90 = tpu.memref_slice %arg3[%add3A_42, %dma_wait3A_89] : memref<2560x125xi32, #tpu.memory_space<hbm>> -> memref<40x125xi32, #tpu.memory_space<hbm>>
      %dma_wait3A_91 = arith.constant 0 : i32
      %dma_wait3A_92 = tpu.memref_slice %arg3[%add3A_42, %dma_wait3A_91] : memref<2560x125xi32, #tpu.memory_space<hbm>> -> memref<40x125xi32, #tpu.memory_space<hbm>>
      tpu.wait_dma2 semaphore(%run_scoped3A_84 : memref<!tpu.dma_semaphore, #tpu.memory_space<semaphore_mem>>) src(%dma_wait3A_92 : memref<40x125xi32, #tpu.memory_space<hbm>>) dst(%arg7 : memref<40x125xi32, #tpu.memory_space<vmem>>)
      tpu.yield
    }) : () -> ()
    "tpu.region"() ({
      %run_scoped3A_84 = tpu.sem_alloc : memref<!tpu.dma_semaphore, #tpu.memory_space<semaphore_mem>>
      %dma_start3A_85 = arith.constant 0 : i32
      %dma_start3A_86 = tpu.memref_slice %arg4[%add3A_42, %dma_start3A_85] : memref<2560x125xi32, #tpu.memory_space<hbm>> -> memref<40x125xi32, #tpu.memory_space<hbm>>
      %dma_start3A_87 = arith.constant 0 : i32
      %dma_start3A_88 = tpu.memref_slice %arg4[%add3A_42, %dma_start3A_87] : memref<2560x125xi32, #tpu.memory_space<hbm>> -> memref<40x125xi32, #tpu.memory_space<hbm>>
      tpu.enqueue_dma source(%dma_start3A_88 : memref<40x125xi32, #tpu.memory_space<hbm>>) target(%arg8 : memref<40x125xi32, #tpu.memory_space<vmem>>) target_semaphore(%run_scoped3A_84 : memref<!tpu.dma_semaphore, #tpu.memory_space<semaphore_mem>>)
      %dma_wait3A_89 = arith.constant 0 : i32
      %dma_wait3A_90 = tpu.memref_slice %arg4[%add3A_42, %dma_wait3A_89] : memref<2560x125xi32, #tpu.memory_space<hbm>> -> memref<40x125xi32, #tpu.memory_space<hbm>>
      %dma_wait3A_91 = arith.constant 0 : i32
      %dma_wait3A_92 = tpu.memref_slice %arg4[%add3A_42, %dma_wait3A_91] : memref<2560x125xi32, #tpu.memory_space<hbm>> -> memref<40x125xi32, #tpu.memory_space<hbm>>
      tpu.wait_dma2 semaphore(%run_scoped3A_84 : memref<!tpu.dma_semaphore, #tpu.memory_space<semaphore_mem>>) src(%dma_wait3A_92 : memref<40x125xi32, #tpu.memory_space<hbm>>) dst(%arg8 : memref<40x125xi32, #tpu.memory_space<vmem>>)
      tpu.yield
    }) : () -> ()
    %dma_start3A_43 = arith.constant 0 : i32
    %dma_start3A_44 = arith.constant 0 : i32
    %dma_start3A_45 = tpu.memref_slice %arg7[%dma_start3A_43, %dma_start3A_44] : memref<40x125xi32, #tpu.memory_space<vmem>> -> memref<1x125xi32, #tpu.memory_space<vmem>>
    %dma_start3A_46 = tpu.memref_squeeze %dma_start3A_45 : memref<1x125xi32, #tpu.memory_space<vmem>> -> memref<125xi32, #tpu.memory_space<vmem>>
    %dma_start3A_47 = arith.constant 0 : i32
    %dma_start3A_48 = arith.constant 0 : i32
    %dma_start3A_49 = tpu.memref_slice %arg2[%dma_start3A_47, %dma_start3A_48] : memref<10000x128xf32, #tpu.memory_space<hbm>> -> memref<10000x128xf32, #tpu.memory_space<hbm>>
    tpu.enqueue_indirect_dma source(%dma_start3A_49 : memref<10000x128xf32, #tpu.memory_space<hbm>>) target(%arg9 : memref<125x128xf32, #tpu.memory_space<vmem>>) offsets(%dma_start3A_46 : memref<125xi32, #tpu.memory_space<vmem>>) semaphore(%arg12 : memref<!tpu.dma_semaphore, #tpu.memory_space<semaphore_mem>>)
    %dma_start3A_50 = arith.constant 1 : i32
    %dma_start3A_51 = arith.constant 0 : i32
    %dma_start3A_52 = tpu.memref_slice %arg7[%dma_start3A_50, %dma_start3A_51] : memref<40x125xi32, #tpu.memory_space<vmem>> -> memref<1x125xi32, #tpu.memory_space<vmem>>
    %dma_start3A_53 = tpu.memref_squeeze %dma_start3A_52 : memref<1x125xi32, #tpu.memory_space<vmem>> -> memref<125xi32, #tpu.memory_space<vmem>>
    %dma_start3A_54 = arith.constant 0 : i32
    %dma_start3A_55 = arith.constant 0 : i32
    %dma_start3A_56 = tpu.memref_slice %arg2[%dma_start3A_54, %dma_start3A_55] : memref<10000x128xf32, #tpu.memory_space<hbm>> -> memref<10000x128xf32, #tpu.memory_space<hbm>>
    tpu.enqueue_indirect_dma source(%dma_start3A_56 : memref<10000x128xf32, #tpu.memory_space<hbm>>) target(%arg10 : memref<125x128xf32, #tpu.memory_space<vmem>>) offsets(%dma_start3A_53 : memref<125xi32, #tpu.memory_space<vmem>>) semaphore(%arg13 : memref<!tpu.dma_semaphore, #tpu.memory_space<semaphore_mem>>)
    %scan3A_57 = arith.constant 0 : i32
    %scan3A_58 = arith.constant 0 : i32
    %scan3A_59 = arith.constant 19 : i32
    %scan3A_60 = arith.addi %scan3A_58, %scan3A_59 : i32
    %scan3A_61 = arith.constant 1 : i32
    scf.for %scan3A_84 = %scan3A_58 to %scan3A_60 step %scan3A_61  : i32 {
      %mul3A_85 = arith.constant 2 : i32
      %mul3A_86 = arith.muli %mul3A_85, %scan3A_84 : i32
      %add3A_87 = arith.constant 0 : i32
      %add3A_88 = arith.addi %mul3A_86, %add3A_87 : i32
      %dma_wait3A_89 = arith.constant 0 : i32
      %dma_wait3A_90 = tpu.memref_slice %arg7[%add3A_88, %dma_wait3A_89] : memref<40x125xi32, #tpu.memory_space<vmem>> -> memref<1x125xi32, #tpu.memory_space<vmem>>
      %dma_wait3A_91 = tpu.memref_squeeze %dma_wait3A_90 : memref<1x125xi32, #tpu.memory_space<vmem>> -> memref<125xi32, #tpu.memory_space<vmem>>
      %dma_wait3A_92 = arith.constant 0 : i32
      %dma_wait3A_93 = arith.constant 0 : i32
      %dma_wait3A_94 = tpu.memref_slice %arg2[%dma_wait3A_92, %dma_wait3A_93] : memref<10000x128xf32, #tpu.memory_space<hbm>> -> memref<10000x128xf32, #tpu.memory_space<hbm>>
      tpu.wait_indirect_dma semaphore(%arg12 : memref<!tpu.dma_semaphore, #tpu.memory_space<semaphore_mem>>) src(%dma_wait3A_94 : memref<10000x128xf32, #tpu.memory_space<hbm>>) dst(%arg9 : memref<125x128xf32, #tpu.memory_space<vmem>>)
      "tpu.region"() ({
        %run_scoped3A_121 = tpu.sem_alloc : memref<!tpu.dma_semaphore, #tpu.memory_space<semaphore_mem>>
        %dma_start3A_122 = arith.constant 0 : i32
        %dma_start3A_123 = tpu.memref_slice %arg8[%add3A_88, %dma_start3A_122] : memref<40x125xi32, #tpu.memory_space<vmem>> -> memref<1x125xi32, #tpu.memory_space<vmem>>
        %dma_start3A_124 = tpu.memref_squeeze %dma_start3A_123 : memref<1x125xi32, #tpu.memory_space<vmem>> -> memref<125xi32, #tpu.memory_space<vmem>>
        %dma_start3A_125 = arith.constant 0 : i32
        %dma_start3A_126 = arith.constant 0 : i32
        %dma_start3A_127 = tpu.memref_slice %arg11[%dma_start3A_125, %dma_start3A_126] : memref<10240x128xf32, #tpu.memory_space<vmem_shared>> -> memref<10240x128xf32, #tpu.memory_space<vmem_shared>>
        tpu.enqueue_indirect_dma source(%arg9 : memref<125x128xf32, #tpu.memory_space<vmem>>) target(%dma_start3A_127 : memref<10240x128xf32, #tpu.memory_space<vmem_shared>>) offsets(%dma_start3A_124 : memref<125xi32, #tpu.memory_space<vmem>>) semaphore(%run_scoped3A_121 : memref<!tpu.dma_semaphore, #tpu.memory_space<semaphore_mem>>) {add = true}
        %dma_wait3A_128 = arith.constant 0 : i32
        %dma_wait3A_129 = tpu.memref_slice %arg8[%add3A_88, %dma_wait3A_128] : memref<40x125xi32, #tpu.memory_space<vmem>> -> memref<1x125xi32, #tpu.memory_space<vmem>>
        %dma_wait3A_130 = tpu.memref_squeeze %dma_wait3A_129 : memref<1x125xi32, #tpu.memory_space<vmem>> -> memref<125xi32, #tpu.memory_space<vmem>>
        %dma_wait3A_131 = arith.constant 0 : i32
        %dma_wait3A_132 = arith.constant 0 : i32
        %dma_wait3A_133 = tpu.memref_slice %arg11[%dma_wait3A_131, %dma_wait3A_132] : memref<10240x128xf32, #tpu.memory_space<vmem_shared>> -> memref<10240x128xf32, #tpu.memory_space<vmem_shared>>
        tpu.wait_indirect_dma semaphore(%run_scoped3A_121 : memref<!tpu.dma_semaphore, #tpu.memory_space<semaphore_mem>>) src(%arg9 : memref<125x128xf32, #tpu.memory_space<vmem>>) dst(%dma_wait3A_133 : memref<10240x128xf32, #tpu.memory_space<vmem_shared>>)
        tpu.yield
      }) : () -> ()
      %add3A_95 = arith.constant 2 : i32
      %add3A_96 = arith.addi %add3A_88, %add3A_95 : i32
      %dma_start3A_97 = arith.constant 0 : i32
      %dma_start3A_98 = tpu.memref_slice %arg7[%add3A_96, %dma_start3A_97] : memref<40x125xi32, #tpu.memory_space<vmem>> -> memref<1x125xi32, #tpu.memory_space<vmem>>
      %dma_start3A_99 = tpu.memref_squeeze %dma_start3A_98 : memref<1x125xi32, #tpu.memory_space<vmem>> -> memref<125xi32, #tpu.memory_space<vmem>>
      %dma_start3A_100 = arith.constant 0 : i32
      %dma_start3A_101 = arith.constant 0 : i32
      %dma_start3A_102 = tpu.memref_slice %arg2[%dma_start3A_100, %dma_start3A_101] : memref<10000x128xf32, #tpu.memory_space<hbm>> -> memref<10000x128xf32, #tpu.memory_space<hbm>>
      tpu.enqueue_indirect_dma source(%dma_start3A_102 : memref<10000x128xf32, #tpu.memory_space<hbm>>) target(%arg9 : memref<125x128xf32, #tpu.memory_space<vmem>>) offsets(%dma_start3A_99 : memref<125xi32, #tpu.memory_space<vmem>>) semaphore(%arg12 : memref<!tpu.dma_semaphore, #tpu.memory_space<semaphore_mem>>)
      %mul3A_103 = arith.constant 2 : i32
      %mul3A_104 = arith.muli %mul3A_103, %scan3A_84 : i32
      %add3A_105 = arith.constant 1 : i32
      %add3A_106 = arith.addi %mul3A_104, %add3A_105 : i32
      %dma_wait3A_107 = arith.constant 0 : i32
      %dma_wait3A_108 = tpu.memref_slice %arg7[%add3A_106, %dma_wait3A_107] : memref<40x125xi32, #tpu.memory_space<vmem>> -> memref<1x125xi32, #tpu.memory_space<vmem>>
      %dma_wait3A_109 = tpu.memref_squeeze %dma_wait3A_108 : memref<1x125xi32, #tpu.memory_space<vmem>> -> memref<125xi32, #tpu.memory_space<vmem>>
      %dma_wait3A_110 = arith.constant 0 : i32
      %dma_wait3A_111 = arith.constant 0 : i32
      %dma_wait3A_112 = tpu.memref_slice %arg2[%dma_wait3A_110, %dma_wait3A_111] : memref<10000x128xf32, #tpu.memory_space<hbm>> -> memref<10000x128xf32, #tpu.memory_space<hbm>>
      tpu.wait_indirect_dma semaphore(%arg13 : memref<!tpu.dma_semaphore, #tpu.memory_space<semaphore_mem>>) src(%dma_wait3A_112 : memref<10000x128xf32, #tpu.memory_space<hbm>>) dst(%arg10 : memref<125x128xf32, #tpu.memory_space<vmem>>)
      "tpu.region"() ({
        %run_scoped3A_121 = tpu.sem_alloc : memref<!tpu.dma_semaphore, #tpu.memory_space<semaphore_mem>>
        %dma_start3A_122 = arith.constant 0 : i32
        %dma_start3A_123 = tpu.memref_slice %arg8[%add3A_106, %dma_start3A_122] : memref<40x125xi32, #tpu.memory_space<vmem>> -> memref<1x125xi32, #tpu.memory_space<vmem>>
        %dma_start3A_124 = tpu.memref_squeeze %dma_start3A_123 : memref<1x125xi32, #tpu.memory_space<vmem>> -> memref<125xi32, #tpu.memory_space<vmem>>
        %dma_start3A_125 = arith.constant 0 : i32
        %dma_start3A_126 = arith.constant 0 : i32
        %dma_start3A_127 = tpu.memref_slice %arg11[%dma_start3A_125, %dma_start3A_126] : memref<10240x128xf32, #tpu.memory_space<vmem_shared>> -> memref<10240x128xf32, #tpu.memory_space<vmem_shared>>
        tpu.enqueue_indirect_dma source(%arg10 : memref<125x128xf32, #tpu.memory_space<vmem>>) target(%dma_start3A_127 : memref<10240x128xf32, #tpu.memory_space<vmem_shared>>) offsets(%dma_start3A_124 : memref<125xi32, #tpu.memory_space<vmem>>) semaphore(%run_scoped3A_121 : memref<!tpu.dma_semaphore, #tpu.memory_space<semaphore_mem>>) {add = true}
        %dma_wait3A_128 = arith.constant 0 : i32
        %dma_wait3A_129 = tpu.memref_slice %arg8[%add3A_106, %dma_wait3A_128] : memref<40x125xi32, #tpu.memory_space<vmem>> -> memref<1x125xi32, #tpu.memory_space<vmem>>
        %dma_wait3A_130 = tpu.memref_squeeze %dma_wait3A_129 : memref<1x125xi32, #tpu.memory_space<vmem>> -> memref<125xi32, #tpu.memory_space<vmem>>
        %dma_wait3A_131 = arith.constant 0 : i32
        %dma_wait3A_132 = arith.constant 0 : i32
        %dma_wait3A_133 = tpu.memref_slice %arg11[%dma_wait3A_131, %dma_wait3A_132] : memref<10240x128xf32, #tpu.memory_space<vmem_shared>> -> memref<10240x128xf32, #tpu.memory_space<vmem_shared>>
        tpu.wait_indirect_dma semaphore(%run_scoped3A_121 : memref<!tpu.dma_semaphore, #tpu.memory_space<semaphore_mem>>) src(%arg10 : memref<125x128xf32, #tpu.memory_space<vmem>>) dst(%dma_wait3A_133 : memref<10240x128xf32, #tpu.memory_space<vmem_shared>>)
        tpu.yield
      }) : () -> ()
      %add3A_113 = arith.constant 2 : i32
      %add3A_114 = arith.addi %add3A_106, %add3A_113 : i32
      %dma_start3A_115 = arith.constant 0 : i32
      %dma_start3A_116 = tpu.memref_slice %arg7[%add3A_114, %dma_start3A_115] : memref<40x125xi32, #tpu.memory_space<vmem>> -> memref<1x125xi32, #tpu.memory_space<vmem>>
      %dma_start3A_117 = tpu.memref_squeeze %dma_start3A_116 : memref<1x125xi32, #tpu.memory_space<vmem>> -> memref<125xi32, #tpu.memory_space<vmem>>
      %dma_start3A_118 = arith.constant 0 : i32
      %dma_start3A_119 = arith.constant 0 : i32
      %dma_start3A_120 = tpu.memref_slice %arg2[%dma_start3A_118, %dma_start3A_119] : memref<10000x128xf32, #tpu.memory_space<hbm>> -> memref<10000x128xf32, #tpu.memory_space<hbm>>
      tpu.enqueue_indirect_dma source(%dma_start3A_120 : memref<10000x128xf32, #tpu.memory_space<hbm>>) target(%arg10 : memref<125x128xf32, #tpu.memory_space<vmem>>) offsets(%dma_start3A_117 : memref<125xi32, #tpu.memory_space<vmem>>) semaphore(%arg13 : memref<!tpu.dma_semaphore, #tpu.memory_space<semaphore_mem>>)
    }
    %scan3A_62 = arith.constant 19 : i32
    %dma_wait3A_63 = arith.constant 38 : i32
    %dma_wait3A_64 = arith.constant 0 : i32
    %dma_wait3A_65 = tpu.memref_slice %arg7[%dma_wait3A_63, %dma_wait3A_64] : memref<40x125xi32, #tpu.memory_space<vmem>> -> memref<1x125xi32, #tpu.memory_space<vmem>>
    %dma_wait3A_66 = tpu.memref_squeeze %dma_wait3A_65 : memref<1x125xi32, #tpu.memory_space<vmem>> -> memref<125xi32, #tpu.memory_space<vmem>>
    %dma_wait3A_67 = arith.constant 0 : i32
    %dma_wait3A_68 = arith.constant 0 : i32
    %dma_wait3A_69 = tpu.memref_slice %arg2[%dma_wait3A_67, %dma_wait3A_68] : memref<10000x128xf32, #tpu.memory_space<hbm>> -> memref<10000x128xf32, #tpu.memory_space<hbm>>
    tpu.wait_indirect_dma semaphore(%arg12 : memref<!tpu.dma_semaphore, #tpu.memory_space<semaphore_mem>>) src(%dma_wait3A_69 : memref<10000x128xf32, #tpu.memory_space<hbm>>) dst(%arg9 : memref<125x128xf32, #tpu.memory_space<vmem>>)
    %run_scoped3A_70 = arith.constant 38 : i32
    "tpu.region"() ({
      %run_scoped3A_84 = tpu.sem_alloc : memref<!tpu.dma_semaphore, #tpu.memory_space<semaphore_mem>>
      %dma_start3A_85 = arith.constant 0 : i32
      %dma_start3A_86 = tpu.memref_slice %arg8[%run_scoped3A_70, %dma_start3A_85] : memref<40x125xi32, #tpu.memory_space<vmem>> -> memref<1x125xi32, #tpu.memory_space<vmem>>
      %dma_start3A_87 = tpu.memref_squeeze %dma_start3A_86 : memref<1x125xi32, #tpu.memory_space<vmem>> -> memref<125xi32, #tpu.memory_space<vmem>>
      %dma_start3A_88 = arith.constant 0 : i32
      %dma_start3A_89 = arith.constant 0 : i32
      %dma_start3A_90 = tpu.memref_slice %arg11[%dma_start3A_88, %dma_start3A_89] : memref<10240x128xf32, #tpu.memory_space<vmem_shared>> -> memref<10240x128xf32, #tpu.memory_space<vmem_shared>>
      tpu.enqueue_indirect_dma source(%arg9 : memref<125x128xf32, #tpu.memory_space<vmem>>) target(%dma_start3A_90 : memref<10240x128xf32, #tpu.memory_space<vmem_shared>>) offsets(%dma_start3A_87 : memref<125xi32, #tpu.memory_space<vmem>>) semaphore(%run_scoped3A_84 : memref<!tpu.dma_semaphore, #tpu.memory_space<semaphore_mem>>) {add = true}
      %dma_wait3A_91 = arith.constant 0 : i32
      %dma_wait3A_92 = tpu.memref_slice %arg8[%run_scoped3A_70, %dma_wait3A_91] : memref<40x125xi32, #tpu.memory_space<vmem>> -> memref<1x125xi32, #tpu.memory_space<vmem>>
      %dma_wait3A_93 = tpu.memref_squeeze %dma_wait3A_92 : memref<1x125xi32, #tpu.memory_space<vmem>> -> memref<125xi32, #tpu.memory_space<vmem>>
      %dma_wait3A_94 = arith.constant 0 : i32
      %dma_wait3A_95 = arith.constant 0 : i32
      %dma_wait3A_96 = tpu.memref_slice %arg11[%dma_wait3A_94, %dma_wait3A_95] : memref<10240x128xf32, #tpu.memory_space<vmem_shared>> -> memref<10240x128xf32, #tpu.memory_space<vmem_shared>>
      tpu.wait_indirect_dma semaphore(%run_scoped3A_84 : memref<!tpu.dma_semaphore, #tpu.memory_space<semaphore_mem>>) src(%arg9 : memref<125x128xf32, #tpu.memory_space<vmem>>) dst(%dma_wait3A_96 : memref<10240x128xf32, #tpu.memory_space<vmem_shared>>)
      tpu.yield
    }) : () -> ()
    %dma_wait3A_71 = arith.constant 39 : i32
    %dma_wait3A_72 = arith.constant 0 : i32
    %dma_wait3A_73 = tpu.memref_slice %arg7[%dma_wait3A_71, %dma_wait3A_72] : memref<40x125xi32, #tpu.memory_space<vmem>> -> memref<1x125xi32, #tpu.memory_space<vmem>>
    %dma_wait3A_74 = tpu.memref_squeeze %dma_wait3A_73 : memref<1x125xi32, #tpu.memory_space<vmem>> -> memref<125xi32, #tpu.memory_space<vmem>>
    %dma_wait3A_75 = arith.constant 0 : i32
    %dma_wait3A_76 = arith.constant 0 : i32
    %dma_wait3A_77 = tpu.memref_slice %arg2[%dma_wait3A_75, %dma_wait3A_76] : memref<10000x128xf32, #tpu.memory_space<hbm>> -> memref<10000x128xf32, #tpu.memory_space<hbm>>
    tpu.wait_indirect_dma semaphore(%arg13 : memref<!tpu.dma_semaphore, #tpu.memory_space<semaphore_mem>>) src(%dma_wait3A_77 : memref<10000x128xf32, #tpu.memory_space<hbm>>) dst(%arg10 : memref<125x128xf32, #tpu.memory_space<vmem>>)
    %run_scoped3A_78 = arith.constant 39 : i32
    "tpu.region"() ({
      %run_scoped3A_84 = tpu.sem_alloc : memref<!tpu.dma_semaphore, #tpu.memory_space<semaphore_mem>>
      %dma_start3A_85 = arith.constant 0 : i32
      %dma_start3A_86 = tpu.memref_slice %arg8[%run_scoped3A_78, %dma_start3A_85] : memref<40x125xi32, #tpu.memory_space<vmem>> -> memref<1x125xi32, #tpu.memory_space<vmem>>
      %dma_start3A_87 = tpu.memref_squeeze %dma_start3A_86 : memref<1x125xi32, #tpu.memory_space<vmem>> -> memref<125xi32, #tpu.memory_space<vmem>>
      %dma_start3A_88 = arith.constant 0 : i32
      %dma_start3A_89 = arith.constant 0 : i32
      %dma_start3A_90 = tpu.memref_slice %arg11[%dma_start3A_88, %dma_start3A_89] : memref<10240x128xf32, #tpu.memory_space<vmem_shared>> -> memref<10240x128xf32, #tpu.memory_space<vmem_shared>>
      tpu.enqueue_indirect_dma source(%arg10 : memref<125x128xf32, #tpu.memory_space<vmem>>) target(%dma_start3A_90 : memref<10240x128xf32, #tpu.memory_space<vmem_shared>>) offsets(%dma_start3A_87 : memref<125xi32, #tpu.memory_space<vmem>>) semaphore(%run_scoped3A_84 : memref<!tpu.dma_semaphore, #tpu.memory_space<semaphore_mem>>) {add = true}
      %dma_wait3A_91 = arith.constant 0 : i32
      %dma_wait3A_92 = tpu.memref_slice %arg8[%run_scoped3A_78, %dma_wait3A_91] : memref<40x125xi32, #tpu.memory_space<vmem>> -> memref<1x125xi32, #tpu.memory_space<vmem>>
      %dma_wait3A_93 = tpu.memref_squeeze %dma_wait3A_92 : memref<1x125xi32, #tpu.memory_space<vmem>> -> memref<125xi32, #tpu.memory_space<vmem>>
      %dma_wait3A_94 = arith.constant 0 : i32
      %dma_wait3A_95 = arith.constant 0 : i32
      %dma_wait3A_96 = tpu.memref_slice %arg11[%dma_wait3A_94, %dma_wait3A_95] : memref<10240x128xf32, #tpu.memory_space<vmem_shared>> -> memref<10240x128xf32, #tpu.memory_space<vmem_shared>>
      tpu.wait_indirect_dma semaphore(%run_scoped3A_84 : memref<!tpu.dma_semaphore, #tpu.memory_space<semaphore_mem>>) src(%arg10 : memref<125x128xf32, #tpu.memory_space<vmem>>) dst(%dma_wait3A_96 : memref<10240x128xf32, #tpu.memory_space<vmem_shared>>)
      tpu.yield
    }) : () -> ()
    %barrier3A_79 = arith.constant 0 : index
    tpu.barrier barrier_id(%barrier3A_79)
    %mul3A_80 = arith.constant 640 : i32
    %mul3A_81 = arith.muli %arg1, %mul3A_80 : i32
    %mul3A_82 = arith.constant 640 : i32
    %mul3A_83 = arith.muli %arg1, %mul3A_82 : i32
    "tpu.region"() ({
      %run_scoped3A_84 = tpu.sem_alloc : memref<!tpu.dma_semaphore, #tpu.memory_space<semaphore_mem>>
      %dma_start3A_85 = arith.constant 0 : i32
      %dma_start3A_86 = tpu.memref_slice %arg6[%arg0, %mul3A_83, %dma_start3A_85] : memref<2x10240x128xf32, #tpu.memory_space<hbm>> -> memref<1x640x128xf32, #tpu.memory_space<hbm>>
      %dma_start3A_87 = tpu.memref_squeeze %dma_start3A_86 : memref<1x640x128xf32, #tpu.memory_space<hbm>> -> memref<640x128xf32, #tpu.memory_space<hbm>>
      %dma_start3A_88 = arith.constant 0 : i32
      %dma_start3A_89 = tpu.memref_slice %arg11[%mul3A_81, %dma_start3A_88] : memref<10240x128xf32, #tpu.memory_space<vmem_shared>> -> memref<640x128xf32, #tpu.memory_space<vmem_shared>>
      tpu.enqueue_dma source(%dma_start3A_89 : memref<640x128xf32, #tpu.memory_space<vmem_shared>>) target(%dma_start3A_87 : memref<640x128xf32, #tpu.memory_space<hbm>>) target_semaphore(%run_scoped3A_84 : memref<!tpu.dma_semaphore, #tpu.memory_space<semaphore_mem>>)
      %dma_wait3A_90 = arith.constant 0 : i32
      %dma_wait3A_91 = tpu.memref_slice %arg6[%arg0, %mul3A_83, %dma_wait3A_90] : memref<2x10240x128xf32, #tpu.memory_space<hbm>> -> memref<1x640x128xf32, #tpu.memory_space<hbm>>
      %dma_wait3A_92 = tpu.memref_squeeze %dma_wait3A_91 : memref<1x640x128xf32, #tpu.memory_space<hbm>> -> memref<640x128xf32, #tpu.memory_space<hbm>>
      %dma_wait3A_93 = arith.constant 0 : i32
      %dma_wait3A_94 = tpu.memref_slice %arg11[%mul3A_81, %dma_wait3A_93] : memref<10240x128xf32, #tpu.memory_space<vmem_shared>> -> memref<640x128xf32, #tpu.memory_space<vmem_shared>>
      tpu.wait_dma2 semaphore(%run_scoped3A_84 : memref<!tpu.dma_semaphore, #tpu.memory_space<semaphore_mem>>) src(%dma_wait3A_94 : memref<640x128xf32, #tpu.memory_space<vmem_shared>>) dst(%dma_wait3A_92 : memref<640x128xf32, #tpu.memory_space<hbm>>)
      tpu.yield
    }) : () -> ()
    return
  }
}

module attributes {stable_mosaic.version = 14 : i64} {
  func.func @_p0_body(%arg0: i32, %arg1: memref<1000x1xf32, #tpu.memory_space<vmem>>, %arg2: memref<1000x1xf32, #tpu.memory_space<vmem>>, %arg3: memref<1000x128xf32, #tpu.memory_space<vmem>>, %arg4: memref<1000x1xf32, #tpu.memory_space<vmem>>, %arg5: memref<1000x128xf32, #tpu.memory_space<vmem>>) attributes {dimension_semantics = [#tpu.dimension_semantics<arbitrary>], iteration_bounds = array<i64: 10>, scalar_prefetch = 0 : i64, scratch_operands = 0 : i64, tpu.core_type = #tpu.core_type<tc>, window_params = [{transform_indices = @transform_0, window_bounds = array<i64: 1000, 1>}, {transform_indices = @transform_1, window_bounds = array<i64: 1000, 1>}, {transform_indices = @transform_2, window_bounds = array<i64: 1000, 128>}, {transform_indices = @transform_3, window_bounds = array<i64: 1000, 1>}, {transform_indices = @transform_4, window_bounds = array<i64: 1000, 128>}]} {
    %get3A = arith.constant 0 : index
    %get3A_0 = arith.constant 0 : index
    %get3A_1 = vector.load %arg1[%get3A, %get3A_0] : memref<1000x1xf32, #tpu.memory_space<vmem>>, vector<1000x1xf32>
    %get3A_2 = arith.constant 0 : index
    %get3A_3 = arith.constant 0 : index
    %get3A_4 = vector.load %arg2[%get3A_2, %get3A_3] : memref<1000x1xf32, #tpu.memory_space<vmem>>, vector<1000x1xf32>
    %add3A = arith.addf %get3A_1, %get3A_4 : vector<1000x1xf32>
    %gt3A = arith.constant 0.000000e+00 : f32
    %gt3A_5 = vector.broadcast %gt3A : f32 to vector<1000x1xf32>
    %gt3A_6 = arith.cmpf ogt, %add3A, %gt3A_5 : vector<1000x1xf32>
    %max3A = arith.constant 9.99999996E-13 : f32
    %max3A_7 = vector.broadcast %max3A : f32 to vector<1000x1xf32>
    %max3A_8 = arith.maximumf %add3A, %max3A_7 : vector<1000x1xf32>
    %rsqrt3A = math.rsqrt %max3A_8 : vector<1000x1xf32>
    %jit3A = arith.constant 0.000000e+00 : f32
    %broadcast_in_dim3A = vector.broadcast %jit3A : f32 to vector<1000x1xf32>
    %select_n3A = arith.select %gt3A_6, %rsqrt3A, %broadcast_in_dim3A : vector<1000x1xi1>, vector<1000x1xf32>
    %swap3A = arith.constant 0 : index
    %swap3A_9 = arith.constant 0 : index
    %swap3A_10 = vector.load %arg4[%swap3A, %swap3A_9] : memref<1000x1xf32, #tpu.memory_space<vmem>>, vector<1000x1xf32>
    tpu.vector_store %arg4[%swap3A, %swap3A_9], %select_n3A {strides = array<i32>} : memref<1000x1xf32, #tpu.memory_space<vmem>>, vector<1000x1xf32>,
    %get3A_11 = arith.constant 0 : index
    %get3A_12 = arith.constant 0 : index
    %get3A_13 = vector.load %arg3[%get3A_11, %get3A_12] : memref<1000x128xf32, #tpu.memory_space<vmem>>, vector<1000x128xf32>
    %mul3A = vector.broadcast %select_n3A : vector<1000x1xf32> to vector<1000x128xf32>
    %mul3A_14 = arith.mulf %mul3A, %get3A_13 : vector<1000x128xf32>
    %swap3A_15 = arith.constant 0 : index
    %swap3A_16 = arith.constant 0 : index
    %swap3A_17 = vector.load %arg5[%swap3A_15, %swap3A_16] : memref<1000x128xf32, #tpu.memory_space<vmem>>, vector<1000x128xf32>
    tpu.vector_store %arg5[%swap3A_15, %swap3A_16], %mul3A_14 {strides = array<i32>} : memref<1000x128xf32, #tpu.memory_space<vmem>>, vector<1000x128xf32>,
    return
  }
  func.func @transform_0(%arg0: i32) -> (i32, i32) {
    %c0_i32 = arith.constant 0 : i32
    %c0_i32_0 = arith.constant 0 : i32
    return %arg0, %c0_i32 : i32, i32
  }
  func.func @transform_1(%arg0: i32) -> (i32, i32) {
    %c0_i32 = arith.constant 0 : i32
    %c0_i32_0 = arith.constant 0 : i32
    return %arg0, %c0_i32 : i32, i32
  }
  func.func @transform_2(%arg0: i32) -> (i32, i32) {
    %c0_i32 = arith.constant 0 : i32
    %c0_i32_0 = arith.constant 0 : i32
    return %arg0, %c0_i32 : i32, i32
  }
  func.func @transform_3(%arg0: i32) -> (i32, i32) {
    %c0_i32 = arith.constant 0 : i32
    %c0_i32_0 = arith.constant 0 : i32
    return %arg0, %c0_i32 : i32, i32
  }
  func.func @transform_4(%arg0: i32) -> (i32, i32) {
    %c0_i32 = arith.constant 0 : i32
    %c0_i32_0 = arith.constant 0 : i32
    return %arg0, %c0_i32 : i32, i32
  }
}

module attributes {stable_mosaic.version = 14 : i64} {
  func.func @_p1_body(%arg0: i32, %arg1: memref<1000x128xf32, #tpu.memory_space<vmem>>, %arg2: memref<1000x128xf32, #tpu.memory_space<vmem>>, %arg3: memref<1000x1xf32, #tpu.memory_space<vmem>>, %arg4: memref<1000x128xf32, #tpu.memory_space<vmem>>, %arg5: memref<1000x128xf32, #tpu.memory_space<vmem>>) attributes {dimension_semantics = [#tpu.dimension_semantics<arbitrary>], iteration_bounds = array<i64: 10>, scalar_prefetch = 0 : i64, scratch_operands = 0 : i64, tpu.core_type = #tpu.core_type<tc>, window_params = [{transform_indices = @transform_0, window_bounds = array<i64: 1000, 128>}, {transform_indices = @transform_1, window_bounds = array<i64: 1000, 128>}, {transform_indices = @transform_2, window_bounds = array<i64: 1000, 1>}, {transform_indices = @transform_3, window_bounds = array<i64: 1000, 128>}, {transform_indices = @transform_4, window_bounds = array<i64: 1000, 128>}]} {
    %get3A = arith.constant 0 : index
    %get3A_0 = arith.constant 0 : index
    %get3A_1 = vector.load %arg3[%get3A, %get3A_0] : memref<1000x1xf32, #tpu.memory_space<vmem>>, vector<1000x1xf32>
    %neg3A = arith.constant 0.000000e+00 : f32
    %neg3A_2 = vector.broadcast %neg3A : f32 to vector<1000x1xf32>
    %neg3A_3 = arith.subf %neg3A_2, %get3A_1 : vector<1000x1xf32>
    %get3A_4 = arith.constant 0 : index
    %get3A_5 = arith.constant 0 : index
    %get3A_6 = vector.load %arg1[%get3A_4, %get3A_5] : memref<1000x128xf32, #tpu.memory_space<vmem>>, vector<1000x128xf32>
    %get3A_7 = arith.constant 0 : index
    %get3A_8 = arith.constant 0 : index
    %get3A_9 = vector.load %arg2[%get3A_7, %get3A_8] : memref<1000x128xf32, #tpu.memory_space<vmem>>, vector<1000x128xf32>
    %add3A = arith.addf %get3A_6, %get3A_9 : vector<1000x128xf32>
    %mul3A = vector.broadcast %neg3A_3 : vector<1000x1xf32> to vector<1000x128xf32>
    %mul3A_10 = arith.mulf %mul3A, %add3A : vector<1000x128xf32>
    %swap3A = arith.constant 0 : index
    %swap3A_11 = arith.constant 0 : index
    %swap3A_12 = vector.load %arg4[%swap3A, %swap3A_11] : memref<1000x128xf32, #tpu.memory_space<vmem>>, vector<1000x128xf32>
    tpu.vector_store %arg4[%swap3A, %swap3A_11], %mul3A_10 {strides = array<i32>} : memref<1000x128xf32, #tpu.memory_space<vmem>>, vector<1000x128xf32>,
    %mul3A_13 = vector.broadcast %get3A_1 : vector<1000x1xf32> to vector<1000x128xf32>
    %mul3A_14 = arith.mulf %mul3A_13, %mul3A_10 : vector<1000x128xf32>
    %swap3A_15 = arith.constant 0 : index
    %swap3A_16 = arith.constant 0 : index
    %swap3A_17 = vector.load %arg5[%swap3A_15, %swap3A_16] : memref<1000x128xf32, #tpu.memory_space<vmem>>, vector<1000x128xf32>
    tpu.vector_store %arg5[%swap3A_15, %swap3A_16], %mul3A_14 {strides = array<i32>} : memref<1000x128xf32, #tpu.memory_space<vmem>>, vector<1000x128xf32>,
    return
  }
  func.func @transform_0(%arg0: i32) -> (i32, i32) {
    %c0_i32 = arith.constant 0 : i32
    %c0_i32_0 = arith.constant 0 : i32
    return %arg0, %c0_i32 : i32, i32
  }
  func.func @transform_1(%arg0: i32) -> (i32, i32) {
    %c0_i32 = arith.constant 0 : i32
    %c0_i32_0 = arith.constant 0 : i32
    return %arg0, %c0_i32 : i32, i32
  }
  func.func @transform_2(%arg0: i32) -> (i32, i32) {
    %c0_i32 = arith.constant 0 : i32
    %c0_i32_0 = arith.constant 0 : i32
    return %arg0, %c0_i32 : i32, i32
  }
  func.func @transform_3(%arg0: i32) -> (i32, i32) {
    %c0_i32 = arith.constant 0 : i32
    %c0_i32_0 = arith.constant 0 : i32
    return %arg0, %c0_i32 : i32, i32
  }
  func.func @transform_4(%arg0: i32) -> (i32, i32) {
    %c0_i32 = arith.constant 0 : i32
    %c0_i32_0 = arith.constant 0 : i32
    return %arg0, %c0_i32 : i32, i32
  }
}

module attributes {stable_mosaic.version = 14 : i64} {
  func.func @_p2_body(%arg0: i32, %arg1: memref<1000x128xf32, #tpu.memory_space<vmem>>, %arg2: memref<1000x128xf32, #tpu.memory_space<vmem>>, %arg3: memref<1000x1xf32, #tpu.memory_space<vmem>>, %arg4: memref<1000x128xf32, #tpu.memory_space<vmem>>, %arg5: memref<1000x128xf32, #tpu.memory_space<vmem>>, %arg6: memref<1000x128xf32, #tpu.memory_space<vmem>>) attributes {dimension_semantics = [#tpu.dimension_semantics<arbitrary>], iteration_bounds = array<i64: 10>, scalar_prefetch = 0 : i64, scratch_operands = 0 : i64, tpu.core_type = #tpu.core_type<tc>, window_params = [{transform_indices = @transform_0, window_bounds = array<i64: 1000, 128>}, {transform_indices = @transform_1, window_bounds = array<i64: 1000, 128>}, {transform_indices = @transform_2, window_bounds = array<i64: 1000, 1>}, {transform_indices = @transform_3, window_bounds = array<i64: 1000, 128>}, {transform_indices = @transform_4, window_bounds = array<i64: 1000, 128>}, {transform_indices = @transform_5, window_bounds = array<i64: 1000, 128>}]} {
    %get3A = arith.constant 0 : index
    %get3A_0 = arith.constant 0 : index
    %get3A_1 = vector.load %arg3[%get3A, %get3A_0] : memref<1000x1xf32, #tpu.memory_space<vmem>>, vector<1000x1xf32>
    %mul3A = arith.constant -2.000000e+00 : f32
    %mul3A_2 = vector.broadcast %mul3A : f32 to vector<1000x1xf32>
    %mul3A_3 = arith.mulf %mul3A_2, %get3A_1 : vector<1000x1xf32>
    %get3A_4 = arith.constant 0 : index
    %get3A_5 = arith.constant 0 : index
    %get3A_6 = vector.load %arg1[%get3A_4, %get3A_5] : memref<1000x128xf32, #tpu.memory_space<vmem>>, vector<1000x128xf32>
    %get3A_7 = arith.constant 0 : index
    %get3A_8 = arith.constant 0 : index
    %get3A_9 = vector.load %arg2[%get3A_7, %get3A_8] : memref<1000x128xf32, #tpu.memory_space<vmem>>, vector<1000x128xf32>
    %add3A = arith.addf %get3A_6, %get3A_9 : vector<1000x128xf32>
    %mul3A_10 = vector.broadcast %mul3A_3 : vector<1000x1xf32> to vector<1000x128xf32>
    %mul3A_11 = arith.mulf %mul3A_10, %add3A : vector<1000x128xf32>
    %get3A_12 = arith.constant 0 : index
    %get3A_13 = arith.constant 0 : index
    %get3A_14 = vector.load %arg4[%get3A_12, %get3A_13] : memref<1000x128xf32, #tpu.memory_space<vmem>>, vector<1000x128xf32>
    %sub3A = arith.subf %mul3A_11, %get3A_14 : vector<1000x128xf32>
    %swap3A = arith.constant 0 : index
    %swap3A_15 = arith.constant 0 : index
    %swap3A_16 = vector.load %arg5[%swap3A, %swap3A_15] : memref<1000x128xf32, #tpu.memory_space<vmem>>, vector<1000x128xf32>
    tpu.vector_store %arg5[%swap3A, %swap3A_15], %sub3A {strides = array<i32>} : memref<1000x128xf32, #tpu.memory_space<vmem>>, vector<1000x128xf32>,
    %mul3A_17 = vector.broadcast %get3A_1 : vector<1000x1xf32> to vector<1000x128xf32>
    %mul3A_18 = arith.mulf %mul3A_17, %sub3A : vector<1000x128xf32>
    %swap3A_19 = arith.constant 0 : index
    %swap3A_20 = arith.constant 0 : index
    %swap3A_21 = vector.load %arg6[%swap3A_19, %swap3A_20] : memref<1000x128xf32, #tpu.memory_space<vmem>>, vector<1000x128xf32>
    tpu.vector_store %arg6[%swap3A_19, %swap3A_20], %mul3A_18 {strides = array<i32>} : memref<1000x128xf32, #tpu.memory_space<vmem>>, vector<1000x128xf32>,
    return
  }
  func.func @transform_0(%arg0: i32) -> (i32, i32) {
    %c0_i32 = arith.constant 0 : i32
    %c0_i32_0 = arith.constant 0 : i32
    return %arg0, %c0_i32 : i32, i32
  }
  func.func @transform_1(%arg0: i32) -> (i32, i32) {
    %c0_i32 = arith.constant 0 : i32
    %c0_i32_0 = arith.constant 0 : i32
    return %arg0, %c0_i32 : i32, i32
  }
  func.func @transform_2(%arg0: i32) -> (i32, i32) {
    %c0_i32 = arith.constant 0 : i32
    %c0_i32_0 = arith.constant 0 : i32
    return %arg0, %c0_i32 : i32, i32
  }
  func.func @transform_3(%arg0: i32) -> (i32, i32) {
    %c0_i32 = arith.constant 0 : i32
    %c0_i32_0 = arith.constant 0 : i32
    return %arg0, %c0_i32 : i32, i32
  }
  func.func @transform_4(%arg0: i32) -> (i32, i32) {
    %c0_i32 = arith.constant 0 : i32
    %c0_i32_0 = arith.constant 0 : i32
    return %arg0, %c0_i32 : i32, i32
  }
  func.func @transform_5(%arg0: i32) -> (i32, i32) {
    %c0_i32 = arith.constant 0 : i32
    %c0_i32_0 = arith.constant 0 : i32
    return %arg0, %c0_i32 : i32, i32
  }
}

module attributes {stable_mosaic.version = 14 : i64} {
  func.func @_head_body(%arg0: i32, %arg1: memref<1000x128xf32, #tpu.memory_space<vmem>>, %arg2: memref<1000x128xf32, #tpu.memory_space<vmem>>, %arg3: memref<1000x1xf32, #tpu.memory_space<vmem>>, %arg4: memref<1000x128xf32, #tpu.memory_space<vmem>>, %arg5: memref<1000x128xf32, #tpu.memory_space<vmem>>, %arg6: memref<1000x128xf32, #tpu.memory_space<vmem>>, %arg7: memref<4x128x512xf32, #tpu.memory_space<vmem>>, %arg8: memref<1x512xf32, #tpu.memory_space<vmem>>, %arg9: memref<1x128xf32, #tpu.memory_space<vmem>>, %arg10: memref<128x1xf32, #tpu.memory_space<vmem>>, %arg11: memref<1x1xf32, #tpu.memory_space<vmem>>, %arg12: memref<1000x1xf32, #tpu.memory_space<vmem>>) attributes {dimension_semantics = [#tpu.dimension_semantics<arbitrary>], iteration_bounds = array<i64: 10>, scalar_prefetch = 0 : i64, scratch_operands = 0 : i64, tpu.core_type = #tpu.core_type<tc>, window_params = [{transform_indices = @transform_0, window_bounds = array<i64: 1000, 128>}, {transform_indices = @transform_1, window_bounds = array<i64: 1000, 128>}, {transform_indices = @transform_2, window_bounds = array<i64: 1000, 1>}, {transform_indices = @transform_3, window_bounds = array<i64: 1000, 128>}, {transform_indices = @transform_4, window_bounds = array<i64: 1000, 128>}, {transform_indices = @transform_5, window_bounds = array<i64: 1000, 128>}, {pipeline_mode = #tpu.pipeline_mode<synchronous>, transform_indices = @transform_6, window_bounds = array<i64: 4, 128, 512>}, {pipeline_mode = #tpu.pipeline_mode<synchronous>, transform_indices = @transform_7, window_bounds = array<i64: 1, 512>}, {pipeline_mode = #tpu.pipeline_mode<synchronous>, transform_indices = @transform_8, window_bounds = array<i64: 1, 128>}, {pipeline_mode = #tpu.pipeline_mode<synchronous>, transform_indices = @transform_9, window_bounds = array<i64: 128, 1>}, {pipeline_mode = #tpu.pipeline_mode<synchronous>, transform_indices = @transform_10, window_bounds = array<i64: 1, 1>}, {transform_indices = @transform_11, window_bounds = array<i64: 1000, 1>}]} {
    %get3A = arith.constant 0 : index
    %get3A_0 = arith.constant 0 : index
    %get3A_1 = vector.load %arg3[%get3A, %get3A_0] : memref<1000x1xf32, #tpu.memory_space<vmem>>, vector<1000x1xf32>
    %mul3A = arith.constant -2.000000e+00 : f32
    %mul3A_2 = vector.broadcast %mul3A : f32 to vector<1000x1xf32>
    %mul3A_3 = arith.mulf %mul3A_2, %get3A_1 : vector<1000x1xf32>
    %get3A_4 = arith.constant 0 : index
    %get3A_5 = arith.constant 0 : index
    %get3A_6 = vector.load %arg1[%get3A_4, %get3A_5] : memref<1000x128xf32, #tpu.memory_space<vmem>>, vector<1000x128xf32>
    %get3A_7 = arith.constant 0 : index
    %get3A_8 = arith.constant 0 : index
    %get3A_9 = vector.load %arg2[%get3A_7, %get3A_8] : memref<1000x128xf32, #tpu.memory_space<vmem>>, vector<1000x128xf32>
    %add3A = arith.addf %get3A_6, %get3A_9 : vector<1000x128xf32>
    %mul3A_10 = vector.broadcast %mul3A_3 : vector<1000x1xf32> to vector<1000x128xf32>
    %mul3A_11 = arith.mulf %mul3A_10, %add3A : vector<1000x128xf32>
    %get3A_12 = arith.constant 0 : index
    %get3A_13 = arith.constant 0 : index
    %get3A_14 = vector.load %arg5[%get3A_12, %get3A_13] : memref<1000x128xf32, #tpu.memory_space<vmem>>, vector<1000x128xf32>
    %sub3A = arith.subf %mul3A_11, %get3A_14 : vector<1000x128xf32>
    %get3A_15 = arith.constant 0 : index
    %get3A_16 = arith.constant 0 : index
    %get3A_17 = vector.load %arg4[%get3A_15, %get3A_16] : memref<1000x128xf32, #tpu.memory_space<vmem>>, vector<1000x128xf32>
    %get3A_18 = arith.constant 0 : index
    %get3A_19 = arith.constant 0 : index
    %get3A_20 = arith.constant 0 : index
    %get3A_21 = vector.load %arg7[%get3A_18, %get3A_19, %get3A_20] : memref<4x128x512xf32, #tpu.memory_space<vmem>>, vector<1x128x512xf32>
    %get3A_22 = vector.shape_cast %get3A_21 : vector<1x128x512xf32> to vector<128x512xf32>
    %dot_general3A = arith.constant dense<0.000000e+00> : vector<1000x512xf32>
    %dot_general3A_23 = tpu.matmul %get3A_17, %get3A_22, %dot_general3A {dimension_numbers = #tpu.dot_dimension_numbers<[1], [0], [0], [1], [0, 0, 1, 1], [], []>, transpose_lhs_hint = false} : vector<1000x128xf32>, vector<128x512xf32>, vector<1000x512xf32> -> vector<1000x512xf32>
    %get3A_24 = arith.constant 0 : index
    %get3A_25 = arith.constant 0 : index
    %get3A_26 = vector.load %arg5[%get3A_24, %get3A_25] : memref<1000x128xf32, #tpu.memory_space<vmem>>, vector<1000x128xf32>
    %get3A_27 = arith.constant 1 : index
    %get3A_28 = arith.constant 0 : index
    %get3A_29 = arith.constant 0 : index
    %get3A_30 = vector.load %arg7[%get3A_27, %get3A_28, %get3A_29] : memref<4x128x512xf32, #tpu.memory_space<vmem>>, vector<1x128x512xf32>
    %get3A_31 = vector.shape_cast %get3A_30 : vector<1x128x512xf32> to vector<128x512xf32>
    %dot_general3A_32 = arith.constant dense<0.000000e+00> : vector<1000x512xf32>
    %dot_general3A_33 = tpu.matmul %get3A_26, %get3A_31, %dot_general3A_32 {dimension_numbers = #tpu.dot_dimension_numbers<[1], [0], [0], [1], [0, 0, 1, 1], [], []>, transpose_lhs_hint = false} : vector<1000x128xf32>, vector<128x512xf32>, vector<1000x512xf32> -> vector<1000x512xf32>
    %add3A_34 = arith.addf %dot_general3A_23, %dot_general3A_33 : vector<1000x512xf32>
    %get3A_35 = arith.constant 0 : index
    %get3A_36 = arith.constant 0 : index
    %get3A_37 = vector.load %arg6[%get3A_35, %get3A_36] : memref<1000x128xf32, #tpu.memory_space<vmem>>, vector<1000x128xf32>
    %get3A_38 = arith.constant 2 : index
    %get3A_39 = arith.constant 0 : index
    %get3A_40 = arith.constant 0 : index
    %get3A_41 = vector.load %arg7[%get3A_38, %get3A_39, %get3A_40] : memref<4x128x512xf32, #tpu.memory_space<vmem>>, vector<1x128x512xf32>
    %get3A_42 = vector.shape_cast %get3A_41 : vector<1x128x512xf32> to vector<128x512xf32>
    %dot_general3A_43 = arith.constant dense<0.000000e+00> : vector<1000x512xf32>
    %dot_general3A_44 = tpu.matmul %get3A_37, %get3A_42, %dot_general3A_43 {dimension_numbers = #tpu.dot_dimension_numbers<[1], [0], [0], [1], [0, 0, 1, 1], [], []>, transpose_lhs_hint = false} : vector<1000x128xf32>, vector<128x512xf32>, vector<1000x512xf32> -> vector<1000x512xf32>
    %add3A_45 = arith.addf %add3A_34, %dot_general3A_44 : vector<1000x512xf32>
    %get3A_46 = arith.constant 3 : index
    %get3A_47 = arith.constant 0 : index
    %get3A_48 = arith.constant 0 : index
    %get3A_49 = vector.load %arg7[%get3A_46, %get3A_47, %get3A_48] : memref<4x128x512xf32, #tpu.memory_space<vmem>>, vector<1x128x512xf32>
    %get3A_50 = vector.shape_cast %get3A_49 : vector<1x128x512xf32> to vector<128x512xf32>
    %dot_general3A_51 = arith.constant dense<0.000000e+00> : vector<1000x512xf32>
    %dot_general3A_52 = tpu.matmul %sub3A, %get3A_50, %dot_general3A_51 {dimension_numbers = #tpu.dot_dimension_numbers<[1], [0], [0], [1], [0, 0, 1, 1], [], []>, transpose_lhs_hint = false} : vector<1000x128xf32>, vector<128x512xf32>, vector<1000x512xf32> -> vector<1000x512xf32>
    %add3A_53 = arith.addf %add3A_45, %dot_general3A_52 : vector<1000x512xf32>
    %get3A_54 = arith.constant 0 : index
    %get3A_55 = arith.constant 0 : index
    %get3A_56 = vector.load %arg8[%get3A_54, %get3A_55] : memref<1x512xf32, #tpu.memory_space<vmem>>, vector<1x512xf32>
    %add3A_57 = vector.broadcast %get3A_56 : vector<1x512xf32> to vector<1000x512xf32>
    %add3A_58 = arith.addf %add3A_53, %add3A_57 : vector<1000x512xf32>
    %slice3A = vector.extract_strided_slice %add3A_58 {offsets = [0, 0], sizes = [1000, 128], strides = [1, 1]} : vector<1000x512xf32> to vector<1000x128xf32>
    %logistic3A = arith.negf %slice3A : vector<1000x128xf32>
    %logistic3A_59 = math.exp %logistic3A : vector<1000x128xf32>
    %logistic3A_60 = arith.constant 1.000000e+00 : f32
    %logistic3A_61 = vector.broadcast %logistic3A_60 : f32 to vector<1000x128xf32>
    %logistic3A_62 = arith.addf %logistic3A_61, %logistic3A_59 : vector<1000x128xf32>
    %logistic3A_63 = arith.divf %logistic3A_61, %logistic3A_62 : vector<1000x128xf32>
    %slice3A_64 = vector.extract_strided_slice %add3A_58 {offsets = [0, 256], sizes = [1000, 128], strides = [1, 1]} : vector<1000x512xf32> to vector<1000x128xf32>
    %tanh3A = math.tanh %slice3A_64 : vector<1000x128xf32>
    %mul3A_65 = arith.mulf %logistic3A_63, %tanh3A : vector<1000x128xf32>
    %slice3A_66 = vector.extract_strided_slice %add3A_58 {offsets = [0, 384], sizes = [1000, 128], strides = [1, 1]} : vector<1000x512xf32> to vector<1000x128xf32>
    %get3A_67 = arith.constant 0 : index
    %get3A_68 = arith.constant 0 : index
    %get3A_69 = vector.load %arg9[%get3A_67, %get3A_68] : memref<1x128xf32, #tpu.memory_space<vmem>>, vector<1x128xf32>
    %mul3A_70 = vector.broadcast %get3A_69 : vector<1x128xf32> to vector<1000x128xf32>
    %mul3A_71 = arith.mulf %mul3A_70, %mul3A_65 : vector<1000x128xf32>
    %add3A_72 = arith.addf %slice3A_66, %mul3A_71 : vector<1000x128xf32>
    %logistic3A_73 = arith.negf %add3A_72 : vector<1000x128xf32>
    %logistic3A_74 = math.exp %logistic3A_73 : vector<1000x128xf32>
    %logistic3A_75 = arith.constant 1.000000e+00 : f32
    %logistic3A_76 = vector.broadcast %logistic3A_75 : f32 to vector<1000x128xf32>
    %logistic3A_77 = arith.addf %logistic3A_76, %logistic3A_74 : vector<1000x128xf32>
    %logistic3A_78 = arith.divf %logistic3A_76, %logistic3A_77 : vector<1000x128xf32>
    %tanh3A_79 = math.tanh %mul3A_65 : vector<1000x128xf32>
    %mul3A_80 = arith.mulf %logistic3A_78, %tanh3A_79 : vector<1000x128xf32>
    %get3A_81 = arith.constant 0 : index
    %get3A_82 = arith.constant 0 : index
    %get3A_83 = vector.load %arg10[%get3A_81, %get3A_82] : memref<128x1xf32, #tpu.memory_space<vmem>>, vector<128x1xf32>
    %dot_general3A_84 = arith.constant dense<0.000000e+00> : vector<1000x1xf32>
    %dot_general3A_85 = tpu.matmul %mul3A_80, %get3A_83, %dot_general3A_84 {dimension_numbers = #tpu.dot_dimension_numbers<[1], [0], [0], [1], [0, 0, 1, 1], [], []>, transpose_lhs_hint = false} : vector<1000x128xf32>, vector<128x1xf32>, vector<1000x1xf32> -> vector<1000x1xf32>
    %get3A_86 = arith.constant 0 : index
    %get3A_87 = arith.constant 0 : index
    %get3A_88 = vector.load %arg11[%get3A_86, %get3A_87] : memref<1x1xf32, #tpu.memory_space<vmem>>, vector<1x1xf32>
    %add3A_89 = vector.broadcast %get3A_88 : vector<1x1xf32> to vector<1000x1xf32>
    %add3A_90 = arith.addf %dot_general3A_85, %add3A_89 : vector<1000x1xf32>
    %swap3A = arith.constant 0 : index
    %swap3A_91 = arith.constant 0 : index
    %swap3A_92 = vector.load %arg12[%swap3A, %swap3A_91] : memref<1000x1xf32, #tpu.memory_space<vmem>>, vector<1000x1xf32>
    tpu.vector_store %arg12[%swap3A, %swap3A_91], %add3A_90 {strides = array<i32>} : memref<1000x1xf32, #tpu.memory_space<vmem>>, vector<1000x1xf32>,
    return
  }
  func.func @transform_0(%arg0: i32) -> (i32, i32) {
    %c0_i32 = arith.constant 0 : i32
    %c0_i32_0 = arith.constant 0 : i32
    return %arg0, %c0_i32 : i32, i32
  }
  func.func @transform_1(%arg0: i32) -> (i32, i32) {
    %c0_i32 = arith.constant 0 : i32
    %c0_i32_0 = arith.constant 0 : i32
    return %arg0, %c0_i32 : i32, i32
  }
  func.func @transform_2(%arg0: i32) -> (i32, i32) {
    %c0_i32 = arith.constant 0 : i32
    %c0_i32_0 = arith.constant 0 : i32
    return %arg0, %c0_i32 : i32, i32
  }
  func.func @transform_3(%arg0: i32) -> (i32, i32) {
    %c0_i32 = arith.constant 0 : i32
    %c0_i32_0 = arith.constant 0 : i32
    return %arg0, %c0_i32 : i32, i32
  }
  func.func @transform_4(%arg0: i32) -> (i32, i32) {
    %c0_i32 = arith.constant 0 : i32
    %c0_i32_0 = arith.constant 0 : i32
    return %arg0, %c0_i32 : i32, i32
  }
  func.func @transform_5(%arg0: i32) -> (i32, i32) {
    %c0_i32 = arith.constant 0 : i32
    %c0_i32_0 = arith.constant 0 : i32
    return %arg0, %c0_i32 : i32, i32
  }
  func.func @transform_6(%arg0: i32) -> (i32, i32, i32) {
    %c0_i32 = arith.constant 0 : i32
    %c0_i32_0 = arith.constant 0 : i32
    %c0_i32_1 = arith.constant 0 : i32
    %c0_i32_2 = arith.constant 0 : i32
    return %c0_i32, %c0_i32_0, %c0_i32_1 : i32, i32, i32
  }
  func.func @transform_7(%arg0: i32) -> (i32, i32) {
    %c0_i32 = arith.constant 0 : i32
    %c0_i32_0 = arith.constant 0 : i32
    %c0_i32_1 = arith.constant 0 : i32
    return %c0_i32, %c0_i32_0 : i32, i32
  }
  func.func @transform_8(%arg0: i32) -> (i32, i32) {
    %c0_i32 = arith.constant 0 : i32
    %c0_i32_0 = arith.constant 0 : i32
    %c0_i32_1 = arith.constant 0 : i32
    return %c0_i32, %c0_i32_0 : i32, i32
  }
  func.func @transform_9(%arg0: i32) -> (i32, i32) {
    %c0_i32 = arith.constant 0 : i32
    %c0_i32_0 = arith.constant 0 : i32
    %c0_i32_1 = arith.constant 0 : i32
    return %c0_i32, %c0_i32_0 : i32, i32
  }
  func.func @transform_10(%arg0: i32) -> (i32, i32) {
    %c0_i32 = arith.constant 0 : i32
    %c0_i32_0 = arith.constant 0 : i32
    %c0_i32_1 = arith.constant 0 : i32
    return %c0_i32, %c0_i32_0 : i32, i32
  }
  func.func @transform_11(%arg0: i32) -> (i32, i32) {
    %c0_i32 = arith.constant 0 : i32
    %c0_i32_0 = arith.constant 0 : i32
    return %arg0, %c0_i32 : i32, i32
  }
}

</mosaic_0001>

<sc_bundles>
// kernel: kernel.10.cloned.1.call-start
scs
__scs_entry_jumppad:
0x0: {  	(pc) =	sbr.rel $0x88, $3  }
0x1: {  	(tag) =	ssettag $0x0;
	lr =	simm.s32 $0x1  }
0x2: {  	[smem:$0x3F8C] =	sst lr;
	_ =	strace $0xD0000000  }
0x3: {  	_ = 	snop  }
0x4: {  	_ = 	snop  }
0x5: {  	_ = 	snop  }
0x6: {  	_ = 	snop  }
0x7: {  	_ = 	snop  }
__scs_overlays_trampoline_lowered:
0x8: {  	[smem:$0x3F9B] =	sst s0  }
0x9: {  	[smem:$0x3F9C] =	sst s1  }
0xa: {  	[smem:$0x3F9D] =	sst s2  }
0xb: {  	[smem:$0x3F9E] =	sst s3  }
0xc: {  	[smem:$0x3F9F] =	sst s4  }
0xd: {  	[smem:$0x3FA0] =	sst s5  }
0xe: {  	[smem:$0x3FA1] =	sst s6  }
0xf: {  	[smem:$0x3FA2] =	sst s7  }
0x10: {  	[smem:$0x3FA3] =	sst s8  }
0x11: {  	[smem:$0x3FA4] =	sst s9;
	s0 =	simm.s32 @!p0 $0x0  }
0x12: {  	s1 =	sld [smem:$0x3F8A];
	s0 =	simm.s32 @p0 $0x1  }
0x13: {  	[smem:$0x3FA5] =	sst s0;
	s0 =	simm.s32 @!p1 $0x0  }
0x14: {  	s2 =	sld [smem:$0x3F89];
	s0 =	simm.s32 @p1 $0x1  }
0x15: {  	[smem:$0x3FA6] =	sst s0;
	s0 =	simm.s32 @!p2 $0x0  }
0x16: {  	s3 =	sld [smem:$0x3FDB];
	s0 =	simm.s32 @p2 $0x1  }
0x17: {  	s4 =	simm.s32 $0x1BF5;
	[smem:$0x3FA8] =	sst s0  }
0x18: {  	s0 =	sld [smem:$0x3F8B];
	_ =	swait.ge [sflag:s4], $0x0  }
0x19: {  	s7 =	sld [smem:$0x3F8C]  }
0x1a: {  	s8 =	sadd.s32 $0xFFFFE003, lr  }
0x1b: {  	s9 =	sadd.s32 $0xFFFFFEF7, lr;
	s5 =	simm.s32 $0xFFFFFFFF;
	p2 =	slt.u32 s8, $0xFFFFF086  }
0x1c: {  	p1 =	slt.u32 s9, $0xF7A;
	s5 =	simm.s32 @!p2 $0x0  }
0x1d: {  	s5 =	simm.s32 @p1 $0x1;
	p0 =	seq.s32 s7, s2  }
0x1e: {  	s7 =	smul.u32 @!p0 $0xF7A, s2;
	p2 =	seq.s32 @!p0 s5, $0x0  }
0x1f: {  	s9 =	smul.u32 $0xF7A, s1;
	s8 =	simm.s32 @!p0 $0x1BF5;
	p2 =	por !p2, p0  }
0x20: {  	[sflag:s8] =	ssyncset.s32 @!p0 $0xFFFFF086;
	s6 =	sadd.s32 @!p0 s3, s7;
	s7 =	simm.s32 @!p0 $0x108  }
0x21: {  	s3 =	sadd.s32 s3, s9;
	s6 =	sadd.s32 @!p0 $0x88, s6;
	s7 =	simm.s32 @p2 $0x1082  }
0x22: {  	[simem:s7], [sflag:s8] =	dma.local @!p0 [hbm:s6], $0xF7A  }
0x23: {  	s9 =	sor.u32 $0xD0000000, s2;
	s6 =	simm.s32 $0x108;
	_ =	swait.ge @!p0 [sflag:s8], $0x0  }
0x24: {  	s3 =	sadd.s32 $0x88, s3;
	s6 =	simm.s32 @!p1 $0x1082;
	[sflag:s4] =	ssyncset.s32 $0xFFFFF086  }
0x25: {  	[simem:s6], [sflag:s4] =	dma.local [hbm:s3], $0xF7A  }
0x26: {  	[smem:$0x3F8C] =	sst s1;
	(tag) =	ssettag s2;
	_ =	strace s9  }
0x27: {  	s1 =	sld [smem:$0x3F9C]  }
0x28: {  	s2 =	sld [smem:$0x3F9D]  }
0x29: {  	s4 =	sld [smem:$0x3F9F]  }
0x2a: {  	p0 =	seq.s32 s5, $0x0;
	s5 =	sld [smem:$0x3FA0]  }
0x2b: {  	s6 =	sld [smem:$0x3FA1]  }
0x2c: {  	s7 =	sld [smem:$0x3FA2]  }
0x2d: {  	s3 =	simm.s32 $0x108;
	s8 =	sld [smem:$0x3FA3]  }
0x2e: {  	s3 =	simm.s32 @!p0 $0x1082;
	s9 =	sld [smem:$0x3FA4]  }
0x2f: {  	lr =	sadd.s32 s0, s3;
	s0 =	sld [smem:$0x3F9B]  }
0x30: {  	s3 =	sld [smem:$0x3F9E]  }
0x31: {  	[smem:$0x3FA7] =	sst s10  }
0x32: {  	s10 =	sld [smem:$0x3FA5];
	_ =	sdelay $0x3  }
0x33: {  	p0 =	seq.s32 s10, $0x1;
	s10 =	sld [smem:$0x3FA7];
	_ =	sdelay $0x3  }
0x34: {  	[smem:$0x3FA7] =	sst s10  }
0x35: {  	s10 =	sld [smem:$0x3FA6];
	_ =	sdelay $0x3  }
0x36: {  	p1 =	seq.s32 s10, $0x1;
	s10 =	sld [smem:$0x3FA7];
	_ =	sdelay $0x3  }
0x37: {  	[smem:$0x3FA7] =	sst s10  }
0x38: {  	s10 =	sld [smem:$0x3FA8]  }
0x39: {  	_ = 	snop;
	(pc) =	sbr.ind lr, $3  }
0x3a: {  	_ = 	snop  }
0x3b: {  	_ = 	snop  }
0x3c: {  	p2 =	seq.s32 s10, $0x1;
	s10 =	sld [smem:$0x3FA7]  }
0x3d: {  	_ =	shalt  }
0x3e: {  	_ =	shalt  }
0x3f: {  	_ =	shalt  }
0x40: {  	_ =	shalt  }
0x41: {  	_ =	shalt  }
0x42: {  	_ =	shalt  }
0x43: {  	_ =	shalt  }
0x44: {  	_ =	shalt  }
0x45: {  	_ =	shalt  }
0x46: {  	_ =	shalt  }
0x47: {  	_ =	shalt  }
0x48: {  	_ =	shalt  }
0x49: {  	_ =	shalt  }
0x4a: {  	_ =	shalt  }
0x4b: {  	_ =	shalt  }
0x4c: {  	_ =	shalt  }
0x4d: {  	_ =	shalt  }
0x4e: {  	_ =	shalt  }
0x4f: {  	_ =	shalt  }
0x50: {  	_ =	shalt  }
0x51: {  	_ =	shalt  }
0x52: {  	_ =	shalt  }
0x53: {  	_ =	shalt  }
0x54: {  	_ =	shalt  }
0x55: {  	_ =	shalt  }
0x56: {  	_ =	shalt  }
0x57: {  	_ =	shalt  }
0x58: {  	_ =	shalt  }
0x59: {  	_ =	shalt  }
0x5a: {  	_ =	shalt  }
0x5b: {  	_ =	shalt  }
0x5c: {  	_ =	shalt  }
0x5d: {  	_ =	shalt  }
0x5e: {  	_ =	shalt  }
0x5f: {  	_ =	shalt  }
0x60: {  	_ =	shalt  }
0x61: {  	_ =	shalt  }
0x62: {  	_ =	shalt  }
0x63: {  	_ =	shalt  }
0x64: {  	_ =	shalt  }
0x65: {  	_ =	shalt  }
0x66: {  	_ =	shalt  }
0x67: {  	_ =	shalt  }
0x68: {  	_ =	shalt  }
0x69: {  	_ =	shalt  }
0x6a: {  	_ =	shalt  }
0x6b: {  	_ =	shalt  }
0x6c: {  	_ =	shalt  }
0x6d: {  	_ =	shalt  }
0x6e: {  	_ =	shalt  }
0x6f: {  	_ =	shalt  }
0x70: {  	_ =	shalt  }
0x71: {  	_ =	shalt  }
0x72: {  	_ =	shalt  }
0x73: {  	_ =	shalt  }
0x74: {  	_ =	shalt  }
0x75: {  	_ =	shalt  }
0x76: {  	_ =	shalt  }
0x77: {  	_ =	shalt  }
0x78: {  	_ =	shalt  }
0x79: {  	_ =	shalt  }
0x7a: {  	_ =	shalt  }
0x7b: {  	_ =	shalt  }
0x7c: {  	_ =	shalt  }
0x7d: {  	_ =	shalt  }
0x7e: {  	_ =	shalt  }
0x7f: {  	_ =	shalt  }
0x80: {  	_ =	shalt  }
0x81: {  	_ =	shalt  }
0x82: {  	_ =	shalt  }
0x83: {  	_ =	shalt  }
0x84: {  	_ =	shalt  }
0x85: {  	_ =	shalt  }
0x86: {  	_ =	shalt  }
0x87: {  	_ =	shalt  }
.Lfunc_end0:
.L_simem_size_0:
called_computation_lowered:
.L_overlay_start_0:
0x88: {  	s2 =	sld [smem:$0x3FD9]  }
0x89: {  	s3 =	sld [smem:$0x3FFE];
	_ =	sdelay $0x1  }
0x8a: {  	s1 =	srdreg.scid  }
0x8b: {  	s0 =	sand.u32 $0x1, s1  }
0x8c: {  	s16 =	sshll.u32 s0, $0xA;
	s2 =	sadd.s32 s3, s2  }
0x8d: {  	s2 =	sadd.s32 s2, s16  }
0x8e: {  	[smem:$0x3FB3] =	sst s2  }
0x8f: {  	_ = 	snop  }
0x90: {  	(tm) =	ssettm $0x1  }
0x91: {  	s17 =	sld [smem:$0x3FFB];
	_ =	sdelay $0x3  }
0x92: {  	_ =	strace s17  }
0x93: {  	s2 =	sld [smem:$0x3FFC];
	_ =	sdelay $0x3  }
0x94: {  	_ =	strace s2  }
0x95: {  	s2 =	sld [smem:$0x3FFD];
	_ =	sdelay $0x3  }
0x96: {  	_ =	strace s2  }
0x97: {  	_ =	strace $0x8FFFFFFF  }
0x98: {  	s18 =	sld [smem:$0x3FDB];
	_ =	sdelay $0x1  }
0x99: {  	s19 =	simm.s32 $_scs_section_size  }
0x9a: {  	s4 =	simm.s32 $_size__tile_overlayer_lowered;
	s5 =	simm.s32 $_tile_overlayer_lowered  }
0x9b: {  	s22 =	simm.s32 $0x1BFF;
	s21 =	sshll.u32 s5, $0x1;
	s2 =	sadd.s32 s19, s18  }
0x9c: {  	s6 =	simm.s32 $0x0;
	s20 =	sshll.u32 s4, $0x1;
	s4 =	sadd.s32 s21, s2  }
0x9d: {  	[timem:s6], [sflag:s22] =	dma.local [hbm:s4], s20  }
0x9e: {  	_ =	swait.ge [sflag:s22], s20  }
0x9f: {  	s3 =	ssub.s32 $0x0, s20;
	[sflag:s22] =	ssyncset.done $0x0  }
0xa0: {  	[sflag:s22] =	ssyncadd.s32 s3;
	_ =	sdelay $0x1  }
0xa1: {  	s23 =	simm.s32 $0x1B8B  }
0xa2: {  	_ =	swait.ge [sflag:s23], $0x1  }
0xa3: {  	[sflag:s23] =	ssyncset.done $0x0  }
0xa4: {  	s25 =	simm.s32 $0x1B8E;
	s24 =	sld [smem:$0x3FFE];
	[sflag:s23] =	ssyncadd.s32 $0xFFFFFFFF  }
0xa5: {  	s26 =	simm.s32 $execute0_lowered;
	[smem:$0x3FD2] =	sst s25  }
0xa6: {  	s4 =	sshll.u32 s26, $0x1;
	_ =	strace $0x80000046;
	[dreg:$0x1] =	wrdreg $0xFFFFFFFF  }
0xa7: {  	s28 =	simm.s32 $_size_execute0_lowered;
	s2 =	sadd.s32 s2, s4;
	[dreg:$0x0] =	wrdreg $0x0  }
0xa8: {  	s4 =	sshll.u32 s28, $0x1;
	[dreg:$0x2] =	wrdreg s2  }
0xa9: {  	[dreg:$0x3] =	wrdreg s4  }
0xaa: {  	[dreg:$0x4] =	wrdreg $0xC0  }
0xab: {  	_ =	task [dreg:s6], $0x5FFFF  }
0xac: {  	[dreg:$0x1] =	wrdreg $0xFFFFFFFF  }
0xad: {  	[dreg:$0x0] =	wrdreg $0x60  }
0xae: {  	[dreg:$0x2] =	wrdreg s24  }
0xaf: {  	[dreg:$0x3] =	wrdreg $0x68000  }
0xb0: {  	[dreg:$0x4] =	wrdreg $0x9  }
0xb1: {  	_ =	task.clear_ibuf [dreg:s6], $0x5FFFF;
	_ =	strace $0x90000046  }
0xb2: {  	s29 =	simm.s32 $0x9;
	_ =	strace $0x80000048  }
0xb3: {  	_ =	swait.ge [sflag:s29], $0x1  }
0xb4: {  	[sflag:s29] =	ssyncadd.s32 $0xFFFFFFFF  }
0xb5: {  	_ =	strace $0x90000048  }
0xb6: {  	_ =	sfence  }
0xb7: {  	s30 =	sld [smem:$0x0];
	_ =	sdelay $0x2  }
0xb8: {  	s31 =	sshll.u32 s1, $0xD;
	s1 =	sshrl.u32 s1, $0x2  }
0xb9: {  	s3 =	sand.u32 $0x4000, s31;
	s1 =	sadd.s32 s1, s30  }
0xba: {  	s0 =	sor.u32 s3, s0;
	s1 =	sshll.u32 s1, $0x11  }
0xbb: {  	s0 =	sor.u32 s1, s0  }
0xbc: {  	s0 =	sadd.s32 $0x8F2B, s0  }
0xbd: {  	[sflag:s0] =	ssyncadd.remote.s32 $0x1  }
0xbe: {  	_ =	sfence.sel $0xFFFF  }
0xbf: {  	[dreg:$0x0] =	wrdreg $0xFFFFFFFF;
	(pc) =	sbr.abs _section_cstart, $3  }
0xc0: {  	[dreg:$0x1] =	wrdreg $0xFFFFFFFF  }
0xc1: {  	_ =	task.clear_ibuf [dreg:s6], $0x2FFFF;
	_ =	strace $0x9FFFFFFF  }
0xc2: {  	(tm) =	ssettm $0x7FFFFFFF  }
0xc3: {  	_ =	shalt  }
tec
execute0_lowered:
.L_overlay_start_1:
0x0: {  	(tag) =	ssettag $0x1  }
0x1: {  	s7 =	rddreg [dreg:$0x0]  }
0x2: {  	s0 =	srdreg.scid;
	s2 =	rddreg [dreg:$0x1];
	s3 =	simm.s32 $0x0  }
0x3: {  	s13 =	simm.s32 $0x7D;
	s14 =	simm.s32 $0x1;
	s15 =	simm.s32 $0x2  }
0x4: {  	s16 =	simm.s32 $0x3;
	s17 =	simm.s32 $0x4;
	s6 =	sand.u32 $0x1, s0  }
0x5: {  	s18 =	simm.s32 $0x0;
	s0 =	stileid.u32;
	s5 =	smul.u32 $0x140000, s6  }
0x6: {  	[smem:$0x7FF] =	sst s3;
	s1 =	sshll.u32 s6, $0x4;
	s8 =	smul.u32 $0x14000, s0  }
0x7: {  	s10 =	smul.u32 $0x50000, s0;
	s6 =	ssub.s32 $0x2, s6;
	s1 =	sor.u32 s0, s1  }
0x8: {  	s11 =	sshll.u32 s0, $0x6;
	s31 =	sshrl.u32 s6, $0x1;
	s4 =	smul.u32 $0x500, s1  }
0x9: {  	s1 =	rddreg [dreg:$0x2];
	_ =	strace $0x80000047;
	s5 =	sadd.s32 s8, s5  }
0xa: {  	s10 =	sshrl.u32 s10, $0x2;
	s12 =	ssub.s32 s6, s31;
	s6 =	sor.u32 $0x1C05, s11  }
0xb: {  	s11 =	simm.s32 $0x5;
	s8 =	sshrl.u32 s5, $0x3;
	s5 =	sadd.s32 $0xFE00, s7  }
0xc: {  	s10 =	sadd.s32 s10, s2;
	s9 =	sadd.s32 s4, s7;
	s4 =	sadd.s32 $0x12600, s7  }
0xd: {  	s8 =	sadd.s32 s8, s7;
	s10 =	sshrl.u32 s10, $0x3;
	s7 =	sadd.s32 $0x5E00, s9  }
0xe: {  	s8 =	sadd.s32 $0x12E00, s8;
	s9 =	smax.u32 s12, $0x1;
	s12 =	simm.s32 $0x2800  }
.LBB2_1:
0xf: {  	[spmem:s10], [sflag:s6] =	dma.local [hbm:s5], $0x2800  }
0x10: {  	_ =	swait.ge [sflag:s11], $0x2800  }
0x11: {  	[sflag:s11] =	ssyncset.done $0x0  }
0x12: {  	[sflag:s11] =	ssyncadd.s32 $0xFFFFD800  }
0x13: {  	[tilespmem:s12], [sflag:$0x5] =	stream.linear.gather [hbm4b:s4+s3], $0x3E80, $0x38;
	[tilespmem:$0x1A800] =	vst v63  }
0x14: {  	_ =	swait.ge [sflag:s11], $0x3E80  }
0x15: {  	[sflag:s11] =	ssyncset.done $0x0  }
0x16: {  	[sflag:s11] =	ssyncadd.s32 $0xFFFFC180  }
0x17: {  	[tilespmem:s3], [sflag:$0x5] =	stream.linear.gather [hbm4b:s7+s3], $0x2800, $0x38;
	[tilespmem:$0x1A800] =	vst v63  }
0x18: {  	_ =	swait.ge [sflag:s11], $0x2800  }
0x19: {  	[sflag:s11] =	ssyncset.done $0x0  }
0x1a: {  	[sflag:s11] =	ssyncadd.s32 $0xFFFFD800  }
0x1b: {  	s19 =	simm.s32 $0x0;
	[bflag:$0x0] =	sbarrier.arrive $0xFFFF  }
0x1c: {  	[spmem:s2] =	stream.indirect.scatter.add.f32 [tilespmem:s12], [sflag:$0x1], $0x80, s19, s13, $0xb8;
	[tilespmem:$0x1A800] =	vst v63  }
0x1d: {  	s29 =	simm.s32 $0x80  }
0x1e: {  	[spmem:s2] =	stream.indirect.scatter.add.f32 [tilespmem:s12], [sflag:$0x2], $0x80, s29, s13, $0xb8;
	[tilespmem:$0x1A800] =	vst v63  }
0x1f: {  	s30 =	simm.s32 $0x100  }
0x20: {  	[spmem:s2] =	stream.indirect.scatter.add.f32 [tilespmem:s12], [sflag:$0x3], $0x80, s30, s13, $0xb8;
	[tilespmem:$0x1A800] =	vst v63  }
0x21: {  	s31 =	simm.s32 $0x180  }
0x22: {  	[spmem:s2] =	stream.indirect.scatter.add.f32 [tilespmem:s12], [sflag:$0x4], $0x80, s31, s13, $0xb8;
	[tilespmem:$0x1A800] =	vst v63  }
0x23: {  	_ =	swait.ge [sflag:s14], $0x3E80  }
0x24: {  	[sflag:s14] =	ssyncset.done $0x0  }
0x25: {  	[sflag:s14] =	ssyncadd.s32 $0xFFFFC180  }
0x26: {  	_ =	swait.ge [sflag:s15], $0x3E80  }
0x27: {  	[sflag:s15] =	ssyncset.done $0x0  }
0x28: {  	[sflag:s15] =	ssyncadd.s32 $0xFFFFC180  }
0x29: {  	_ =	swait.ge [sflag:s16], $0x3E80  }
0x2a: {  	[sflag:s16] =	ssyncset.done $0x0  }
0x2b: {  	[sflag:s16] =	ssyncadd.s32 $0xFFFFC180  }
0x2c: {  	_ =	swait.ge [sflag:s17], $0x3E80  }
0x2d: {  	s20 =	simm.s32 $0x1000;
	s19 =	simm.s32 $0x800;
	[sflag:s17] =	ssyncset.done $0x0  }
.LBB2_2:
0x2e: {  	s21 =	sshra.s32 s19, $0x2  }
0x2f: {  	[sflag:s17] =	ssyncadd.s32 $0xFFFFC180;
	s19 =	smov.u32 s20;
	s22 =	sadd.s32 $0x800, s20  }
0x30: {  	[spmem:s2] =	stream.indirect.scatter.add.f32 [tilespmem:s12], [sflag:$0x1], $0x80, s21, s13, $0xb8;
	[tilespmem:$0x1A800] =	vst v63  }
0x31: {  	p0 =	sne.s32 s20, $0x9800;
	s20 =	sadd.s32 $0x80, s21  }
0x32: {  	[spmem:s2] =	stream.indirect.scatter.add.f32 [tilespmem:s12], [sflag:$0x2], $0x80, s20, s13, $0xb8;
	[tilespmem:$0x1A800] =	vst v63  }
0x33: {  	s20 =	sadd.s32 $0x100, s21  }
0x34: {  	[spmem:s2] =	stream.indirect.scatter.add.f32 [tilespmem:s12], [sflag:$0x3], $0x80, s20, s13, $0xb8;
	[tilespmem:$0x1A800] =	vst v63  }
0x35: {  	s20 =	sadd.s32 $0x180, s21  }
0x36: {  	[spmem:s2] =	stream.indirect.scatter.add.f32 [tilespmem:s12], [sflag:$0x4], $0x80, s20, s13, $0xb8;
	[tilespmem:$0x1A800] =	vst v63  }
0x37: {  	_ =	swait.ge [sflag:s14], $0x3E80  }
0x38: {  	[sflag:s14] =	ssyncset.done $0x0  }
0x39: {  	[sflag:s14] =	ssyncadd.s32 $0xFFFFC180  }
0x3a: {  	_ =	swait.ge [sflag:s15], $0x3E80  }
0x3b: {  	[sflag:s15] =	ssyncset.done $0x0  }
0x3c: {  	[sflag:s15] =	ssyncadd.s32 $0xFFFFC180  }
.Ltmp0:
0x3d: {  	_ =	swait.ge [sflag:s16], $0x3E80;
	(pc) =	sbr.rel @p0 .LBB2_2-.Ltmp0, $4  }
0x3e: {  	[sflag:s16] =	ssyncset.done $0x0  }
0x3f: {  	[sflag:s16] =	ssyncadd.s32 $0xFFFFC180  }
0x40: {  	_ =	swait.ge [sflag:s17], $0x3E80  }
0x41: {  	s20 =	smov.u32 s22;
	[sflag:s17] =	ssyncset.done $0x0  }
0x42: {  	s19 =	sshra.s32 s19, $0x2;
	[sflag:s17] =	ssyncadd.s32 $0xFFFFC180  }
0x43: {  	[spmem:s2] =	stream.indirect.scatter.add.f32 [tilespmem:s12], [sflag:$0x1], $0x80, s19, s13, $0xb8;
	[tilespmem:$0x1A800] =	vst v63  }
0x44: {  	s20 =	sadd.s32 $0x80, s19  }
0x45: {  	[spmem:s2] =	stream.indirect.scatter.add.f32 [tilespmem:s12], [sflag:$0x2], $0x80, s20, s13, $0xb8;
	[tilespmem:$0x1A800] =	vst v63  }
0x46: {  	s31 =	sadd.s32 $0x100, s19  }
0x47: {  	[spmem:s2] =	stream.indirect.scatter.add.f32 [tilespmem:s12], [sflag:$0x3], $0x80, s31, s13, $0xb8;
	[tilespmem:$0x1A800] =	vst v63  }
0x48: {  	s19 =	sadd.s32 $0x180, s19  }
0x49: {  	[spmem:s2] =	stream.indirect.scatter.add.f32 [tilespmem:s12], [sflag:$0x4], $0x80, s19, s13, $0xb8;
	[tilespmem:$0x1A800] =	vst v63  }
0x4a: {  	_ =	swait.ge [sflag:s14], $0x3E80  }
0x4b: {  	[sflag:s14] =	ssyncset.done $0x0  }
0x4c: {  	[sflag:s14] =	ssyncadd.s32 $0xFFFFC180  }
0x4d: {  	_ =	swait.ge [sflag:s15], $0x3E80  }
0x4e: {  	[sflag:s15] =	ssyncset.done $0x0  }
0x4f: {  	[sflag:s15] =	ssyncadd.s32 $0xFFFFC180  }
0x50: {  	_ =	swait.ge [sflag:s16], $0x3E80  }
0x51: {  	[sflag:s16] =	ssyncset.done $0x0  }
0x52: {  	[sflag:s16] =	ssyncadd.s32 $0xFFFFC180  }
0x53: {  	_ =	swait.ge [sflag:s17], $0x3E80  }
0x54: {  	s18 =	sadd.s32 $0x1, s18;
	[sflag:s17] =	ssyncset.done $0x0  }
0x55: {  	p0 =	sne.s32 s18, s9;
	[sflag:s17] =	ssyncadd.s32 $0xFFFFC180  }
.Ltmp1:
0x56: {  	[bflag:$0x0] =	sbarrier.arrive $0xFFFF;
	(pc) =	sbr.rel @p0 .LBB2_1-.Ltmp1, $4  }
0x57: {  	[hbm:s8], [sflag:s6] =	dma.local [spmem:s10], $0x2800  }
0x58: {  	_ =	swait.ge [sflag:s11], $0x2800  }
0x59: {  	[sflag:s11] =	ssyncset.done $0x0  }
0x5a: {  	[sflag:s11] =	ssyncadd.s32 $0xFFFFD800  }
0x5b: {  	_ =	sfence.sel $0x180000  }
0x5c: {  	[bflag:$0x0] =	sbarrier.arrive $0xFFFF  }
0x5d: {  	p0 =	sne.s32 s0, $0x0;
	_ =	strace $0x90000047  }
0x5e: {  	s0 =	sadd.s32 @!p0 $0x100000, s1;
	[bflag:$0x2] =	sbarrier.arrive $0xFFFF  }
0x5f: {  	[sflag:s0] =	ssyncadd.tile.s32 @!p0 $0x1;
	_ =	shalt  }
.Lfunc_end2:
_tile_overlayer_lowered:
.L_overlay_start_2:
0x60: {  	(tag) =	ssettag $0x2  }
0x61: {  	s0 =	rddreg [dreg:$0x0];
	s2 =	stileid.u32  }
0x62: {  	s1 =	rddreg [dreg:$0x1];
	p0 =	sne.s32 s2, $0x0  }
0x63: {  	s3 =	rddreg [dreg:$0x2];
	[bflag:$0x3] =	sbarrier.arrive $0xFFFF;
	s2 =	simm.s32 @!p0 $0x1C05  }
0x64: {  	[timem:s3], [sflag:s2] =	dma.local @!p0 [hbm:s0], s1  }
0x65: {  	s0 =	simm.s32 @!p0 $0x5  }
0x66: {  	_ =	swait.ge @!p0 [sflag:s0], s1  }
0x67: {  	s1 =	ssub.s32 @!p0 $0x0, s1;
	[sflag:s0] =	ssyncset.done @!p0 $0x0  }
0x68: {  	[sflag:s0] =	ssyncadd.s32 @!p0 s1  }
0x69: {  	[bflag:$0x3] =	sbarrier.arrive $0xFFFF  }
0x6a: {  	_ =	shalt  }

// kernel: kernel.13.cloned.1.call-start
scs
__scs_entry_jumppad:
0x0: {  	(pc) =	sbr.rel $0x88, $3  }
0x1: {  	(tag) =	ssettag $0x0;
	lr =	simm.s32 $0x1  }
0x2: {  	[smem:$0x3F8C] =	sst lr;
	_ =	strace $0xD0000000  }
0x3: {  	_ = 	snop  }
0x4: {  	_ = 	snop  }
0x5: {  	_ = 	snop  }
0x6: {  	_ = 	snop  }
0x7: {  	_ = 	snop  }
__scs_overlays_trampoline_lowered:
0x8: {  	[smem:$0x3F9B] =	sst s0  }
0x9: {  	[smem:$0x3F9C] =	sst s1  }
0xa: {  	[smem:$0x3F9D] =	sst s2  }
0xb: {  	[smem:$0x3F9E] =	sst s3  }
0xc: {  	[smem:$0x3F9F] =	sst s4  }
0xd: {  	[smem:$0x3FA0] =	sst s5  }
0xe: {  	[smem:$0x3FA1] =	sst s6  }
0xf: {  	[smem:$0x3FA2] =	sst s7  }
0x10: {  	[smem:$0x3FA3] =	sst s8  }
0x11: {  	[smem:$0x3FA4] =	sst s9;
	s0 =	simm.s32 @!p0 $0x0  }
0x12: {  	s1 =	sld [smem:$0x3F8A];
	s0 =	simm.s32 @p0 $0x1  }
0x13: {  	[smem:$0x3FA5] =	sst s0;
	s0 =	simm.s32 @!p1 $0x0  }
0x14: {  	s2 =	sld [smem:$0x3F89];
	s0 =	simm.s32 @p1 $0x1  }
0x15: {  	[smem:$0x3FA6] =	sst s0;
	s0 =	simm.s32 @!p2 $0x0  }
0x16: {  	s3 =	sld [smem:$0x3FDB];
	s0 =	simm.s32 @p2 $0x1  }
0x17: {  	s4 =	simm.s32 $0x1BF5;
	[smem:$0x3FA8] =	sst s0  }
0x18: {  	s0 =	sld [smem:$0x3F8B];
	_ =	swait.ge [sflag:s4], $0x0  }
0x19: {  	s7 =	sld [smem:$0x3F8C]  }
0x1a: {  	s8 =	sadd.s32 $0xFFFFE003, lr  }
0x1b: {  	s9 =	sadd.s32 $0xFFFFFEF7, lr;
	s5 =	simm.s32 $0xFFFFFFFF;
	p2 =	slt.u32 s8, $0xFFFFF086  }
0x1c: {  	p1 =	slt.u32 s9, $0xF7A;
	s5 =	simm.s32 @!p2 $0x0  }
0x1d: {  	s5 =	simm.s32 @p1 $0x1;
	p0 =	seq.s32 s7, s2  }
0x1e: {  	s7 =	smul.u32 @!p0 $0xF7A, s2;
	p2 =	seq.s32 @!p0 s5, $0x0  }
0x1f: {  	s9 =	smul.u32 $0xF7A, s1;
	s8 =	simm.s32 @!p0 $0x1BF5;
	p2 =	por !p2, p0  }
0x20: {  	[sflag:s8] =	ssyncset.s32 @!p0 $0xFFFFF086;
	s6 =	sadd.s32 @!p0 s3, s7;
	s7 =	simm.s32 @!p0 $0x108  }
0x21: {  	s3 =	sadd.s32 s3, s9;
	s6 =	sadd.s32 @!p0 $0x88, s6;
	s7 =	simm.s32 @p2 $0x1082  }
0x22: {  	[simem:s7], [sflag:s8] =	dma.local @!p0 [hbm:s6], $0xF7A  }
0x23: {  	s9 =	sor.u32 $0xD0000000, s2;
	s6 =	simm.s32 $0x108;
	_ =	swait.ge @!p0 [sflag:s8], $0x0  }
0x24: {  	s3 =	sadd.s32 $0x88, s3;
	s6 =	simm.s32 @!p1 $0x1082;
	[sflag:s4] =	ssyncset.s32 $0xFFFFF086  }
0x25: {  	[simem:s6], [sflag:s4] =	dma.local [hbm:s3], $0xF7A  }
0x26: {  	[smem:$0x3F8C] =	sst s1;
	(tag) =	ssettag s2;
	_ =	strace s9  }
0x27: {  	s1 =	sld [smem:$0x3F9C]  }
0x28: {  	s2 =	sld [smem:$0x3F9D]  }
0x29: {  	s4 =	sld [smem:$0x3F9F]  }
0x2a: {  	p0 =	seq.s32 s5, $0x0;
	s5 =	sld [smem:$0x3FA0]  }
0x2b: {  	s6 =	sld [smem:$0x3FA1]  }
0x2c: {  	s7 =	sld [smem:$0x3FA2]  }
0x2d: {  	s3 =	simm.s32 $0x108;
	s8 =	sld [smem:$0x3FA3]  }
0x2e: {  	s3 =	simm.s32 @!p0 $0x1082;
	s9 =	sld [smem:$0x3FA4]  }
0x2f: {  	lr =	sadd.s32 s0, s3;
	s0 =	sld [smem:$0x3F9B]  }
0x30: {  	s3 =	sld [smem:$0x3F9E]  }
0x31: {  	[smem:$0x3FA7] =	sst s10  }
0x32: {  	s10 =	sld [smem:$0x3FA5];
	_ =	sdelay $0x3  }
0x33: {  	p0 =	seq.s32 s10, $0x1;
	s10 =	sld [smem:$0x3FA7];
	_ =	sdelay $0x3  }
0x34: {  	[smem:$0x3FA7] =	sst s10  }
0x35: {  	s10 =	sld [smem:$0x3FA6];
	_ =	sdelay $0x3  }
0x36: {  	p1 =	seq.s32 s10, $0x1;
	s10 =	sld [smem:$0x3FA7];
	_ =	sdelay $0x3  }
0x37: {  	[smem:$0x3FA7] =	sst s10  }
0x38: {  	s10 =	sld [smem:$0x3FA8]  }
0x39: {  	_ = 	snop;
	(pc) =	sbr.ind lr, $3  }
0x3a: {  	_ = 	snop  }
0x3b: {  	_ = 	snop  }
0x3c: {  	p2 =	seq.s32 s10, $0x1;
	s10 =	sld [smem:$0x3FA7]  }
0x3d: {  	_ =	shalt  }
0x3e: {  	_ =	shalt  }
0x3f: {  	_ =	shalt  }
0x40: {  	_ =	shalt  }
0x41: {  	_ =	shalt  }
0x42: {  	_ =	shalt  }
0x43: {  	_ =	shalt  }
0x44: {  	_ =	shalt  }
0x45: {  	_ =	shalt  }
0x46: {  	_ =	shalt  }
0x47: {  	_ =	shalt  }
0x48: {  	_ =	shalt  }
0x49: {  	_ =	shalt  }
0x4a: {  	_ =	shalt  }
0x4b: {  	_ =	shalt  }
0x4c: {  	_ =	shalt  }
0x4d: {  	_ =	shalt  }
0x4e: {  	_ =	shalt  }
0x4f: {  	_ =	shalt  }
0x50: {  	_ =	shalt  }
0x51: {  	_ =	shalt  }
0x52: {  	_ =	shalt  }
0x53: {  	_ =	shalt  }
0x54: {  	_ =	shalt  }
0x55: {  	_ =	shalt  }
0x56: {  	_ =	shalt  }
0x57: {  	_ =	shalt  }
0x58: {  	_ =	shalt  }
0x59: {  	_ =	shalt  }
0x5a: {  	_ =	shalt  }
0x5b: {  	_ =	shalt  }
0x5c: {  	_ =	shalt  }
0x5d: {  	_ =	shalt  }
0x5e: {  	_ =	shalt  }
0x5f: {  	_ =	shalt  }
0x60: {  	_ =	shalt  }
0x61: {  	_ =	shalt  }
0x62: {  	_ =	shalt  }
0x63: {  	_ =	shalt  }
0x64: {  	_ =	shalt  }
0x65: {  	_ =	shalt  }
0x66: {  	_ =	shalt  }
0x67: {  	_ =	shalt  }
0x68: {  	_ =	shalt  }
0x69: {  	_ =	shalt  }
0x6a: {  	_ =	shalt  }
0x6b: {  	_ =	shalt  }
0x6c: {  	_ =	shalt  }
0x6d: {  	_ =	shalt  }
0x6e: {  	_ =	shalt  }
0x6f: {  	_ =	shalt  }
0x70: {  	_ =	shalt  }
0x71: {  	_ =	shalt  }
0x72: {  	_ =	shalt  }
0x73: {  	_ =	shalt  }
0x74: {  	_ =	shalt  }
0x75: {  	_ =	shalt  }
0x76: {  	_ =	shalt  }
0x77: {  	_ =	shalt  }
0x78: {  	_ =	shalt  }
0x79: {  	_ =	shalt  }
0x7a: {  	_ =	shalt  }
0x7b: {  	_ =	shalt  }
0x7c: {  	_ =	shalt  }
0x7d: {  	_ =	shalt  }
0x7e: {  	_ =	shalt  }
0x7f: {  	_ =	shalt  }
0x80: {  	_ =	shalt  }
0x81: {  	_ =	shalt  }
0x82: {  	_ =	shalt  }
0x83: {  	_ =	shalt  }
0x84: {  	_ =	shalt  }
0x85: {  	_ =	shalt  }
0x86: {  	_ =	shalt  }
0x87: {  	_ =	shalt  }
.Lfunc_end0:
.L_simem_size_0:
called_computation.1_lowered:
.L_overlay_start_0:
0x88: {  	s2 =	sld [smem:$0x3FD9]  }
0x89: {  	s3 =	sld [smem:$0x3FFE];
	_ =	sdelay $0x1  }
0x8a: {  	s1 =	srdreg.scid  }
0x8b: {  	s0 =	sand.u32 $0x1, s1  }
0x8c: {  	s16 =	sshll.u32 s0, $0xA;
	s2 =	sadd.s32 s3, s2  }
0x8d: {  	s2 =	sadd.s32 s2, s16  }
0x8e: {  	[smem:$0x3FB3] =	sst s2  }
0x8f: {  	_ = 	snop  }
0x90: {  	(tm) =	ssettm $0x1  }
0x91: {  	s17 =	sld [smem:$0x3FFB];
	_ =	sdelay $0x3  }
0x92: {  	_ =	strace s17  }
0x93: {  	s2 =	sld [smem:$0x3FFC];
	_ =	sdelay $0x3  }
0x94: {  	_ =	strace s2  }
0x95: {  	s2 =	sld [smem:$0x3FFD];
	_ =	sdelay $0x3  }
0x96: {  	_ =	strace s2  }
0x97: {  	_ =	strace $0x8FFFFFFF  }
0x98: {  	s18 =	sld [smem:$0x3FDB];
	_ =	sdelay $0x1  }
0x99: {  	s19 =	simm.s32 $_scs_section_size  }
0x9a: {  	s4 =	simm.s32 $_size__tile_overlayer_lowered;
	s5 =	simm.s32 $_tile_overlayer_lowered  }
0x9b: {  	s22 =	simm.s32 $0x1BFF;
	s21 =	sshll.u32 s5, $0x1;
	s2 =	sadd.s32 s19, s18  }
0x9c: {  	s6 =	simm.s32 $0x0;
	s20 =	sshll.u32 s4, $0x1;
	s4 =	sadd.s32 s21, s2  }
0x9d: {  	[timem:s6], [sflag:s22] =	dma.local [hbm:s4], s20  }
0x9e: {  	_ =	swait.ge [sflag:s22], s20  }
0x9f: {  	s3 =	ssub.s32 $0x0, s20;
	[sflag:s22] =	ssyncset.done $0x0  }
0xa0: {  	[sflag:s22] =	ssyncadd.s32 s3;
	_ =	sdelay $0x1  }
0xa1: {  	s23 =	simm.s32 $0x1B8B  }
0xa2: {  	_ =	swait.ge [sflag:s23], $0x1  }
0xa3: {  	[sflag:s23] =	ssyncset.done $0x0  }
0xa4: {  	s25 =	simm.s32 $0x1B8E;
	s24 =	sld [smem:$0x3FFE];
	[sflag:s23] =	ssyncadd.s32 $0xFFFFFFFF  }
0xa5: {  	s26 =	simm.s32 $execute0_lowered;
	[smem:$0x3FD2] =	sst s25  }
0xa6: {  	s4 =	sshll.u32 s26, $0x1;
	_ =	strace $0x80000049;
	[dreg:$0x1] =	wrdreg $0xFFFFFFFF  }
0xa7: {  	s28 =	simm.s32 $_size_execute0_lowered;
	s2 =	sadd.s32 s2, s4;
	[dreg:$0x0] =	wrdreg $0x0  }
0xa8: {  	s4 =	sshll.u32 s28, $0x1;
	[dreg:$0x2] =	wrdreg s2  }
0xa9: {  	[dreg:$0x3] =	wrdreg s4  }
0xaa: {  	[dreg:$0x4] =	wrdreg $0xC0  }
0xab: {  	_ =	task [dreg:s6], $0x5FFFF  }
0xac: {  	[dreg:$0x1] =	wrdreg $0xFFFFFFFF  }
0xad: {  	[dreg:$0x0] =	wrdreg $0x60  }
0xae: {  	[dreg:$0x2] =	wrdreg s24  }
0xaf: {  	[dreg:$0x3] =	wrdreg $0xA8000  }
0xb0: {  	[dreg:$0x4] =	wrdreg $0x9  }
0xb1: {  	_ =	task.clear_ibuf [dreg:s6], $0x5FFFF;
	_ =	strace $0x90000049  }
0xb2: {  	s29 =	simm.s32 $0x9;
	_ =	strace $0x8000004B  }
0xb3: {  	_ =	swait.ge [sflag:s29], $0x1  }
0xb4: {  	[sflag:s29] =	ssyncadd.s32 $0xFFFFFFFF  }
0xb5: {  	_ =	strace $0x9000004B  }
0xb6: {  	_ =	sfence  }
0xb7: {  	s30 =	sld [smem:$0x0];
	_ =	sdelay $0x2  }
0xb8: {  	s31 =	sshll.u32 s1, $0xD;
	s1 =	sshrl.u32 s1, $0x2  }
0xb9: {  	s3 =	sand.u32 $0x4000, s31;
	s1 =	sadd.s32 s1, s30  }
0xba: {  	s0 =	sor.u32 s3, s0;
	s1 =	sshll.u32 s1, $0x11  }
0xbb: {  	s0 =	sor.u32 s1, s0  }
0xbc: {  	s0 =	sadd.s32 $0x8F2B, s0  }
0xbd: {  	[sflag:s0] =	ssyncadd.remote.s32 $0x1  }
0xbe: {  	_ =	sfence.sel $0xFFFF  }
0xbf: {  	[dreg:$0x0] =	wrdreg $0xFFFFFFFF;
	(pc) =	sbr.abs _section_cstart, $3  }
0xc0: {  	[dreg:$0x1] =	wrdreg $0xFFFFFFFF  }
0xc1: {  	_ =	task.clear_ibuf [dreg:s6], $0x2FFFF;
	_ =	strace $0x9FFFFFFF  }
0xc2: {  	(tm) =	ssettm $0x7FFFFFFF  }
0xc3: {  	_ =	shalt  }
tec
execute0_lowered:
.L_overlay_start_1:
0x0: {  	(tag) =	ssettag $0x1  }
0x1: {  	s6 =	rddreg [dreg:$0x0]  }
0x2: {  	s1 =	rddreg [dreg:$0x1]  }
0x3: {  	s0 =	rddreg [dreg:$0x2];
	s3 =	simm.s32 $0x0;
	s2 =	srdreg.scid  }
0x4: {  	s16 =	simm.s32 $0x7D;
	s17 =	simm.s32 $0x2800;
	s18 =	simm.s32 $0x80  }
0x5: {  	s19 =	simm.s32 $0x6800;
	s20 =	simm.s32 $0x1;
	s21 =	simm.s32 $0x2  }
0x6: {  	s22 =	simm.s32 $0x2700;
	s23 =	simm.s32 $0x2780;
	[smem:$0x7FF] =	sst s3  }
0x7: {  	s7 =	sand.u32 $0x1, s2;
	s2 =	stileid.u32;
	s4 =	sadd.s32 $0x12600, s6  }
0x8: {  	s10 =	sadd.s32 $0x5E00, s6;
	s11 =	sadd.s32 $0x62E00, s6;
	s8 =	smul.u32 $0x140000, s7  }
0x9: {  	s5 =	sadd.s32 $0xFE00, s6;
	_ =	strace $0x8000004A;
	s9 =	smul.u32 $0x14000, s2  }
0xa: {  	s24 =	sshll.u32 s7, $0x4;
	s7 =	ssub.s32 $0x2, s7;
	s12 =	smul.u32 $0x50000, s2  }
0xb: {  	s26 =	sshll.u32 s2, $0x6;
	s13 =	sshrl.u32 s7, $0x1;
	s8 =	sadd.s32 s9, s8  }
0xc: {  	s9 =	sor.u32 s2, s24;
	s13 =	ssub.s32 s7, s13;
	s25 =	sshrl.u32 s12, $0x2  }
0xd: {  	s24 =	simm.s32 $0x0;
	s8 =	sshrl.u32 s8, $0x3;
	s14 =	smul.u32 $0x2800, s9  }
0xe: {  	s28 =	smul.u32 $0x500, s9;
	s30 =	sadd.s32 s25, s1;
	s12 =	smax.u32 s13, $0x1  }
0xf: {  	s15 =	sadd.s32 s8, s6;
	s6 =	sor.u32 $0x1C03, s26;
	s29 =	sshrl.u32 s14, $0x3  }
0x10: {  	s13 =	sshrl.u32 s30, $0x3;
	s7 =	sadd.s32 s10, s28;
	s31 =	sadd.s32 $0x280, s29  }
0x11: {  	s8 =	sadd.s32 s11, s28;
	s14 =	simm.s32 $0x3;
	s9 =	sadd.s32 s10, s31  }
0x12: {  	s10 =	sadd.s32 s11, s31;
	s11 =	sadd.s32 $0x6CE00, s15;
	s15 =	simm.s32 $0x1400  }
.LBB2_1:
0x13: {  	[spmem:s13], [sflag:s6] =	dma.local [hbm:s5], $0x2800  }
0x14: {  	_ =	swait.ge [sflag:s14], $0x2800  }
0x15: {  	[sflag:s14] =	ssyncset.done $0x0  }
0x16: {  	[sflag:s14] =	ssyncadd.s32 $0xFFFFD800  }
0x17: {  	[bflag:$0x0] =	sbarrier.arrive $0xFFFF  }
0x18: {  	[tilespmem:s3], [sflag:$0x3] =	stream.linear.gather [hbm4b:s7+s3], $0x1400, $0x38;
	[tilespmem:$0x1E800] =	vst v63  }
0x19: {  	_ =	swait.ge [sflag:s14], $0x1400  }
0x1a: {  	[sflag:s14] =	ssyncset.done $0x0  }
0x1b: {  	[sflag:s14] =	ssyncadd.s32 $0xFFFFEC00  }
0x1c: {  	[tilespmem:s15], [sflag:$0x3] =	stream.linear.gather [hbm4b:s8+s3], $0x1400, $0x38;
	[tilespmem:$0x1E800] =	vst v63  }
0x1d: {  	_ =	swait.ge [sflag:s14], $0x1400  }
0x1e: {  	[sflag:s14] =	ssyncset.done $0x0  }
0x1f: {  	[sflag:s14] =	ssyncadd.s32 $0xFFFFEC00  }
0x20: {  	[tilespmem:s17], [sflag:$0x1] =	stream.indirect.gather [hbm4b:s4+s16], $0x80, s3, s16, $0xb8;
	[tilespmem:$0x1E800] =	vst v63  }
0x21: {  	_ = 	snop  }
0x22: {  	[tilespmem:s19], [sflag:$0x2] =	stream.indirect.gather [hbm4b:s4+s16], $0x80, s18, s16, $0xb8;
	[tilespmem:$0x1E800] =	vst v63  }
0x23: {  	_ =	swait.ge [sflag:s20], $0x3E80  }
0x24: {  	[sflag:s20] =	ssyncset.done $0x0  }
0x25: {  	s25 =	simm.s32 $0x1400;
	[sflag:s20] =	ssyncadd.s32 $0xFFFFC180  }
0x26: {  	[spmem:s1] =	stream.indirect.scatter.add.f32 [tilespmem:s17], [sflag:$0x3], $0x80, s25, s16, $0xb8;
	[tilespmem:$0x1E800] =	vst v63  }
0x27: {  	_ =	swait.ge [sflag:s14], $0x3E80  }
0x28: {  	[sflag:s14] =	ssyncset.done $0x0  }
0x29: {  	s30 =	simm.s32 $0x100;
	[sflag:s14] =	ssyncadd.s32 $0xFFFFC180  }
0x2a: {  	[tilespmem:s17], [sflag:$0x1] =	stream.indirect.gather [hbm4b:s4+s16], $0x80, s30, s16, $0xb8;
	[tilespmem:$0x1E800] =	vst v63  }
0x2b: {  	_ =	swait.ge [sflag:s21], $0x3E80  }
0x2c: {  	[sflag:s21] =	ssyncset.done $0x0  }
0x2d: {  	s31 =	simm.s32 $0x1480;
	[sflag:s21] =	ssyncadd.s32 $0xFFFFC180  }
0x2e: {  	[spmem:s1] =	stream.indirect.scatter.add.f32 [tilespmem:s19], [sflag:$0x3], $0x80, s31, s16, $0xb8;
	[tilespmem:$0x1E800] =	vst v63  }
0x2f: {  	_ =	swait.ge [sflag:s14], $0x3E80  }
0x30: {  	[sflag:s14] =	ssyncset.done $0x0  }
0x31: {  	s26 =	simm.s32 $0x180;
	s25 =	simm.s32 $0x400;
	[sflag:s14] =	ssyncadd.s32 $0xFFFFC180  }
.LBB2_2:
0x32: {  	[tilespmem:s19], [sflag:$0x2] =	stream.indirect.gather [hbm4b:s4+s16], $0x80, s26, s16, $0xb8;
	[tilespmem:$0x1E800] =	vst v63  }
0x33: {  	s26 =	smov.u32 s25  }
0x34: {  	p0 =	sne.s32 s25, $0x4800;
	s25 =	sadd.s32 $0x400, s25;
	_ =	swait.ge [sflag:s20], $0x3E80  }
0x35: {  	s26 =	sshra.s32 s26, $0x2;
	[sflag:s20] =	ssyncset.done $0x0  }
0x36: {  	s28 =	sadd.s32 $0x1400, s26;
	[sflag:s20] =	ssyncadd.s32 $0xFFFFC180  }
0x37: {  	[spmem:s1] =	stream.indirect.scatter.add.f32 [tilespmem:s17], [sflag:$0x3], $0x80, s28, s16, $0xb8;
	[tilespmem:$0x1E800] =	vst v63  }
0x38: {  	_ =	swait.ge [sflag:s14], $0x3E80  }
0x39: {  	[sflag:s14] =	ssyncset.done $0x0  }
0x3a: {  	s28 =	sadd.s32 $0x100, s26;
	[sflag:s14] =	ssyncadd.s32 $0xFFFFC180  }
0x3b: {  	[tilespmem:s17], [sflag:$0x1] =	stream.indirect.gather [hbm4b:s4+s16], $0x80, s28, s16, $0xb8;
	[tilespmem:$0x1E800] =	vst v63  }
0x3c: {  	_ =	swait.ge [sflag:s21], $0x3E80  }
0x3d: {  	[sflag:s21] =	ssyncset.done $0x0  }
.Ltmp0:
0x3e: {  	s28 =	sadd.s32 $0x1480, s26;
	[sflag:s21] =	ssyncadd.s32 $0xFFFFC180;
	(pc) =	sbr.rel @p0 .LBB2_2-.Ltmp0, $4  }
0x3f: {  	[spmem:s1] =	stream.indirect.scatter.add.f32 [tilespmem:s19], [sflag:$0x3], $0x80, s28, s16, $0xb8;
	[tilespmem:$0x1E800] =	vst v63  }
0x40: {  	_ =	swait.ge [sflag:s14], $0x3E80  }
0x41: {  	[sflag:s14] =	ssyncset.done $0x0  }
0x42: {  	s26 =	sadd.s32 $0x180, s26;
	[sflag:s14] =	ssyncadd.s32 $0xFFFFC180  }
0x43: {  	[tilespmem:s19], [sflag:$0x2] =	stream.indirect.gather [hbm4b:s4+s16], $0x80, s26, s16, $0xb8;
	[tilespmem:$0x1E800] =	vst v63  }
0x44: {  	_ =	swait.ge [sflag:s20], $0x3E80  }
0x45: {  	[sflag:s20] =	ssyncset.done $0x0  }
0x46: {  	[sflag:s20] =	ssyncadd.s32 $0xFFFFC180  }
0x47: {  	[spmem:s1] =	stream.indirect.scatter.add.f32 [tilespmem:s17], [sflag:$0x3], $0x80, s22, s16, $0xb8;
	[tilespmem:$0x1E800] =	vst v63  }
0x48: {  	_ =	swait.ge [sflag:s14], $0x3E80  }
0x49: {  	[sflag:s14] =	ssyncset.done $0x0  }
0x4a: {  	[sflag:s14] =	ssyncadd.s32 $0xFFFFC180  }
0x4b: {  	_ =	swait.ge [sflag:s21], $0x3E80  }
0x4c: {  	[sflag:s21] =	ssyncset.done $0x0  }
0x4d: {  	[sflag:s21] =	ssyncadd.s32 $0xFFFFC180  }
0x4e: {  	[spmem:s1] =	stream.indirect.scatter.add.f32 [tilespmem:s19], [sflag:$0x3], $0x80, s23, s16, $0xb8;
	[tilespmem:$0x1E800] =	vst v63  }
0x4f: {  	_ =	swait.ge [sflag:s14], $0x3E80  }
0x50: {  	[sflag:s14] =	ssyncset.done $0x0  }
0x51: {  	s25 =	simm.s32 $0x0;
	[sflag:s14] =	ssyncadd.s32 $0xFFFFC180  }
0x52: {  	[tilespmem:s25], [sflag:$0x3] =	stream.linear.gather [hbm4b:s9+s25], $0x1400, $0x38;
	[tilespmem:$0x1E800] =	vst v63  }
0x53: {  	_ =	swait.ge [sflag:s14], $0x1400  }
0x54: {  	[sflag:s14] =	ssyncset.done $0x0  }
0x55: {  	[sflag:s14] =	ssyncadd.s32 $0xFFFFEC00  }
0x56: {  	[tilespmem:s15], [sflag:$0x3] =	stream.linear.gather [hbm4b:s10+s25], $0x1400, $0x38;
	[tilespmem:$0x1E800] =	vst v63  }
0x57: {  	_ =	swait.ge [sflag:s14], $0x1400  }
0x58: {  	[sflag:s14] =	ssyncset.done $0x0  }
0x59: {  	[sflag:s14] =	ssyncadd.s32 $0xFFFFEC00  }
0x5a: {  	[tilespmem:s17], [sflag:$0x1] =	stream.indirect.gather [hbm4b:s4+s16], $0x80, s25, s16, $0xb8;
	[tilespmem:$0x1E800] =	vst v63  }
0x5b: {  	_ = 	snop  }
0x5c: {  	[tilespmem:s19], [sflag:$0x2] =	stream.indirect.gather [hbm4b:s4+s16], $0x80, s18, s16, $0xb8;
	[tilespmem:$0x1E800] =	vst v63  }
0x5d: {  	_ =	swait.ge [sflag:s20], $0x3E80  }
0x5e: {  	[sflag:s20] =	ssyncset.done $0x0  }
0x5f: {  	s29 =	simm.s32 $0x1400;
	[sflag:s20] =	ssyncadd.s32 $0xFFFFC180  }
0x60: {  	[spmem:s1] =	stream.indirect.scatter.add.f32 [tilespmem:s17], [sflag:$0x3], $0x80, s29, s16, $0xb8;
	[tilespmem:$0x1E800] =	vst v63  }
0x61: {  	_ =	swait.ge [sflag:s14], $0x3E80  }
0x62: {  	[sflag:s14] =	ssyncset.done $0x0  }
0x63: {  	s30 =	simm.s32 $0x100;
	[sflag:s14] =	ssyncadd.s32 $0xFFFFC180  }
0x64: {  	[tilespmem:s17], [sflag:$0x1] =	stream.indirect.gather [hbm4b:s4+s16], $0x80, s30, s16, $0xb8;
	[tilespmem:$0x1E800] =	vst v63  }
0x65: {  	_ =	swait.ge [sflag:s21], $0x3E80  }
0x66: {  	[sflag:s21] =	ssyncset.done $0x0  }
0x67: {  	s31 =	simm.s32 $0x1480;
	[sflag:s21] =	ssyncadd.s32 $0xFFFFC180  }
0x68: {  	[spmem:s1] =	stream.indirect.scatter.add.f32 [tilespmem:s19], [sflag:$0x3], $0x80, s31, s16, $0xb8;
	[tilespmem:$0x1E800] =	vst v63  }
0x69: {  	_ =	swait.ge [sflag:s14], $0x3E80  }
0x6a: {  	[sflag:s14] =	ssyncset.done $0x0  }
0x6b: {  	s26 =	simm.s32 $0x180;
	s25 =	simm.s32 $0x400;
	[sflag:s14] =	ssyncadd.s32 $0xFFFFC180  }
.LBB2_4:
0x6c: {  	[tilespmem:s19], [sflag:$0x2] =	stream.indirect.gather [hbm4b:s4+s16], $0x80, s26, s16, $0xb8;
	[tilespmem:$0x1E800] =	vst v63  }
0x6d: {  	s26 =	smov.u32 s25  }
0x6e: {  	p0 =	sne.s32 s25, $0x4800;
	s25 =	sadd.s32 $0x400, s25;
	_ =	swait.ge [sflag:s20], $0x3E80  }
0x6f: {  	s26 =	sshra.s32 s26, $0x2;
	[sflag:s20] =	ssyncset.done $0x0  }
0x70: {  	s28 =	sadd.s32 $0x1400, s26;
	[sflag:s20] =	ssyncadd.s32 $0xFFFFC180  }
0x71: {  	[spmem:s1] =	stream.indirect.scatter.add.f32 [tilespmem:s17], [sflag:$0x3], $0x80, s28, s16, $0xb8;
	[tilespmem:$0x1E800] =	vst v63  }
0x72: {  	_ =	swait.ge [sflag:s14], $0x3E80  }
0x73: {  	[sflag:s14] =	ssyncset.done $0x0  }
0x74: {  	s28 =	sadd.s32 $0x100, s26;
	[sflag:s14] =	ssyncadd.s32 $0xFFFFC180  }
0x75: {  	[tilespmem:s17], [sflag:$0x1] =	stream.indirect.gather [hbm4b:s4+s16], $0x80, s28, s16, $0xb8;
	[tilespmem:$0x1E800] =	vst v63  }
0x76: {  	_ =	swait.ge [sflag:s21], $0x3E80  }
0x77: {  	[sflag:s21] =	ssyncset.done $0x0  }
.Ltmp1:
0x78: {  	s28 =	sadd.s32 $0x1480, s26;
	[sflag:s21] =	ssyncadd.s32 $0xFFFFC180;
	(pc) =	sbr.rel @p0 .LBB2_4-.Ltmp1, $4  }
0x79: {  	[spmem:s1] =	stream.indirect.scatter.add.f32 [tilespmem:s19], [sflag:$0x3], $0x80, s28, s16, $0xb8;
	[tilespmem:$0x1E800] =	vst v63  }
0x7a: {  	_ =	swait.ge [sflag:s14], $0x3E80  }
0x7b: {  	[sflag:s14] =	ssyncset.done $0x0  }
0x7c: {  	s26 =	sadd.s32 $0x180, s26;
	[sflag:s14] =	ssyncadd.s32 $0xFFFFC180  }
0x7d: {  	[tilespmem:s19], [sflag:$0x2] =	stream.indirect.gather [hbm4b:s4+s16], $0x80, s26, s16, $0xb8;
	[tilespmem:$0x1E800] =	vst v63  }
0x7e: {  	_ =	swait.ge [sflag:s20], $0x3E80  }
0x7f: {  	[sflag:s20] =	ssyncset.done $0x0  }
0x80: {  	[sflag:s20] =	ssyncadd.s32 $0xFFFFC180  }
0x81: {  	[spmem:s1] =	stream.indirect.scatter.add.f32 [tilespmem:s17], [sflag:$0x3], $0x80, s22, s16, $0xb8;
	[tilespmem:$0x1E800] =	vst v63  }
0x82: {  	_ =	swait.ge [sflag:s14], $0x3E80  }
0x83: {  	[sflag:s14] =	ssyncset.done $0x0  }
0x84: {  	[sflag:s14] =	ssyncadd.s32 $0xFFFFC180  }
0x85: {  	_ =	swait.ge [sflag:s21], $0x3E80  }
0x86: {  	[sflag:s21] =	ssyncset.done $0x0  }
0x87: {  	[sflag:s21] =	ssyncadd.s32 $0xFFFFC180  }
0x88: {  	[spmem:s1] =	stream.indirect.scatter.add.f32 [tilespmem:s19], [sflag:$0x3], $0x80, s23, s16, $0xb8;
	[tilespmem:$0x1E800] =	vst v63  }
0x89: {  	_ =	swait.ge [sflag:s14], $0x3E80  }
0x8a: {  	s24 =	sadd.s32 $0x1, s24;
	[sflag:s14] =	ssyncset.done $0x0  }
0x8b: {  	p0 =	sne.s32 s24, s12;
	[sflag:s14] =	ssyncadd.s32 $0xFFFFC180  }
.Ltmp2:
0x8c: {  	[bflag:$0x0] =	sbarrier.arrive $0xFFFF;
	(pc) =	sbr.rel @p0 .LBB2_1-.Ltmp2, $4  }
0x8d: {  	[hbm:s11], [sflag:s6] =	dma.local [spmem:s13], $0x2800  }
0x8e: {  	_ =	swait.ge [sflag:s14], $0x2800  }
0x8f: {  	[sflag:s14] =	ssyncset.done $0x0  }
0x90: {  	[sflag:s14] =	ssyncadd.s32 $0xFFFFD800  }
0x91: {  	_ =	sfence.sel $0x180000  }
0x92: {  	[bflag:$0x0] =	sbarrier.arrive $0xFFFF  }
0x93: {  	p0 =	sne.s32 s2, $0x0;
	_ =	strace $0x9000004A  }
0x94: {  	s0 =	sadd.s32 @!p0 $0x100000, s0;
	[bflag:$0x2] =	sbarrier.arrive $0xFFFF  }
0x95: {  	[sflag:s0] =	ssyncadd.tile.s32 @!p0 $0x1;
	_ =	shalt  }
.Lfunc_end2:
_tile_overlayer_lowered:
.L_overlay_start_2:
0x96: {  	(tag) =	ssettag $0x2  }
0x97: {  	s0 =	rddreg [dreg:$0x0];
	s2 =	stileid.u32  }
0x98: {  	s1 =	rddreg [dreg:$0x1];
	p0 =	sne.s32 s2, $0x0  }
0x99: {  	s3 =	rddreg [dreg:$0x2];
	[bflag:$0x3] =	sbarrier.arrive $0xFFFF;
	s2 =	simm.s32 @!p0 $0x1C03  }
0x9a: {  	[timem:s3], [sflag:s2] =	dma.local @!p0 [hbm:s0], s1  }
0x9b: {  	s0 =	simm.s32 @!p0 $0x3  }
0x9c: {  	_ =	swait.ge @!p0 [sflag:s0], s1  }
0x9d: {  	s1 =	ssub.s32 @!p0 $0x0, s1;
	[sflag:s0] =	ssyncset.done @!p0 $0x0  }
0x9e: {  	[sflag:s0] =	ssyncadd.s32 @!p0 s1  }
0x9f: {  	[bflag:$0x3] =	sbarrier.arrive $0xFFFF  }
0xa0: {  	_ =	shalt  }

// kernel: kernel.16.cloned.1.call-start
scs
__scs_entry_jumppad:
0x0: {  	(pc) =	sbr.rel $0x88, $3  }
0x1: {  	(tag) =	ssettag $0x0;
	lr =	simm.s32 $0x1  }
0x2: {  	[smem:$0x3F8C] =	sst lr;
	_ =	strace $0xD0000000  }
0x3: {  	_ = 	snop  }
0x4: {  	_ = 	snop  }
0x5: {  	_ = 	snop  }
0x6: {  	_ = 	snop  }
0x7: {  	_ = 	snop  }
__scs_overlays_trampoline_lowered:
0x8: {  	[smem:$0x3F9B] =	sst s0  }
0x9: {  	[smem:$0x3F9C] =	sst s1  }
0xa: {  	[smem:$0x3F9D] =	sst s2  }
0xb: {  	[smem:$0x3F9E] =	sst s3  }
0xc: {  	[smem:$0x3F9F] =	sst s4  }
0xd: {  	[smem:$0x3FA0] =	sst s5  }
0xe: {  	[smem:$0x3FA1] =	sst s6  }
0xf: {  	[smem:$0x3FA2] =	sst s7  }
0x10: {  	[smem:$0x3FA3] =	sst s8  }
0x11: {  	[smem:$0x3FA4] =	sst s9;
	s0 =	simm.s32 @!p0 $0x0  }
0x12: {  	s1 =	sld [smem:$0x3F8A];
	s0 =	simm.s32 @p0 $0x1  }
0x13: {  	[smem:$0x3FA5] =	sst s0;
	s0 =	simm.s32 @!p1 $0x0  }
0x14: {  	s2 =	sld [smem:$0x3F89];
	s0 =	simm.s32 @p1 $0x1  }
0x15: {  	[smem:$0x3FA6] =	sst s0;
	s0 =	simm.s32 @!p2 $0x0  }
0x16: {  	s3 =	sld [smem:$0x3FDB];
	s0 =	simm.s32 @p2 $0x1  }
0x17: {  	s4 =	simm.s32 $0x1BF5;
	[smem:$0x3FA8] =	sst s0  }
0x18: {  	s0 =	sld [smem:$0x3F8B];
	_ =	swait.ge [sflag:s4], $0x0  }
0x19: {  	s7 =	sld [smem:$0x3F8C]  }
0x1a: {  	s8 =	sadd.s32 $0xFFFFE003, lr  }
0x1b: {  	s9 =	sadd.s32 $0xFFFFFEF7, lr;
	s5 =	simm.s32 $0xFFFFFFFF;
	p2 =	slt.u32 s8, $0xFFFFF086  }
0x1c: {  	p1 =	slt.u32 s9, $0xF7A;
	s5 =	simm.s32 @!p2 $0x0  }
0x1d: {  	s5 =	simm.s32 @p1 $0x1;
	p0 =	seq.s32 s7, s2  }
0x1e: {  	s7 =	smul.u32 @!p0 $0xF7A, s2;
	p2 =	seq.s32 @!p0 s5, $0x0  }
0x1f: {  	s9 =	smul.u32 $0xF7A, s1;
	s8 =	simm.s32 @!p0 $0x1BF5;
	p2 =	por !p2, p0  }
0x20: {  	[sflag:s8] =	ssyncset.s32 @!p0 $0xFFFFF086;
	s6 =	sadd.s32 @!p0 s3, s7;
	s7 =	simm.s32 @!p0 $0x108  }
0x21: {  	s3 =	sadd.s32 s3, s9;
	s6 =	sadd.s32 @!p0 $0x88, s6;
	s7 =	simm.s32 @p2 $0x1082  }
0x22: {  	[simem:s7], [sflag:s8] =	dma.local @!p0 [hbm:s6], $0xF7A  }
0x23: {  	s9 =	sor.u32 $0xD0000000, s2;
	s6 =	simm.s32 $0x108;
	_ =	swait.ge @!p0 [sflag:s8], $0x0  }
0x24: {  	s3 =	sadd.s32 $0x88, s3;
	s6 =	simm.s32 @!p1 $0x1082;
	[sflag:s4] =	ssyncset.s32 $0xFFFFF086  }
0x25: {  	[simem:s6], [sflag:s4] =	dma.local [hbm:s3], $0xF7A  }
0x26: {  	[smem:$0x3F8C] =	sst s1;
	(tag) =	ssettag s2;
	_ =	strace s9  }
0x27: {  	s1 =	sld [smem:$0x3F9C]  }
0x28: {  	s2 =	sld [smem:$0x3F9D]  }
0x29: {  	s4 =	sld [smem:$0x3F9F]  }
0x2a: {  	p0 =	seq.s32 s5, $0x0;
	s5 =	sld [smem:$0x3FA0]  }
0x2b: {  	s6 =	sld [smem:$0x3FA1]  }
0x2c: {  	s7 =	sld [smem:$0x3FA2]  }
0x2d: {  	s3 =	simm.s32 $0x108;
	s8 =	sld [smem:$0x3FA3]  }
0x2e: {  	s3 =	simm.s32 @!p0 $0x1082;
	s9 =	sld [smem:$0x3FA4]  }
0x2f: {  	lr =	sadd.s32 s0, s3;
	s0 =	sld [smem:$0x3F9B]  }
0x30: {  	s3 =	sld [smem:$0x3F9E]  }
0x31: {  	[smem:$0x3FA7] =	sst s10  }
0x32: {  	s10 =	sld [smem:$0x3FA5];
	_ =	sdelay $0x3  }
0x33: {  	p0 =	seq.s32 s10, $0x1;
	s10 =	sld [smem:$0x3FA7];
	_ =	sdelay $0x3  }
0x34: {  	[smem:$0x3FA7] =	sst s10  }
0x35: {  	s10 =	sld [smem:$0x3FA6];
	_ =	sdelay $0x3  }
0x36: {  	p1 =	seq.s32 s10, $0x1;
	s10 =	sld [smem:$0x3FA7];
	_ =	sdelay $0x3  }
0x37: {  	[smem:$0x3FA7] =	sst s10  }
0x38: {  	s10 =	sld [smem:$0x3FA8]  }
0x39: {  	_ = 	snop;
	(pc) =	sbr.ind lr, $3  }
0x3a: {  	_ = 	snop  }
0x3b: {  	_ = 	snop  }
0x3c: {  	p2 =	seq.s32 s10, $0x1;
	s10 =	sld [smem:$0x3FA7]  }
0x3d: {  	_ =	shalt  }
0x3e: {  	_ =	shalt  }
0x3f: {  	_ =	shalt  }
0x40: {  	_ =	shalt  }
0x41: {  	_ =	shalt  }
0x42: {  	_ =	shalt  }
0x43: {  	_ =	shalt  }
0x44: {  	_ =	shalt  }
0x45: {  	_ =	shalt  }
0x46: {  	_ =	shalt  }
0x47: {  	_ =	shalt  }
0x48: {  	_ =	shalt  }
0x49: {  	_ =	shalt  }
0x4a: {  	_ =	shalt  }
0x4b: {  	_ =	shalt  }
0x4c: {  	_ =	shalt  }
0x4d: {  	_ =	shalt  }
0x4e: {  	_ =	shalt  }
0x4f: {  	_ =	shalt  }
0x50: {  	_ =	shalt  }
0x51: {  	_ =	shalt  }
0x52: {  	_ =	shalt  }
0x53: {  	_ =	shalt  }
0x54: {  	_ =	shalt  }
0x55: {  	_ =	shalt  }
0x56: {  	_ =	shalt  }
0x57: {  	_ =	shalt  }
0x58: {  	_ =	shalt  }
0x59: {  	_ =	shalt  }
0x5a: {  	_ =	shalt  }
0x5b: {  	_ =	shalt  }
0x5c: {  	_ =	shalt  }
0x5d: {  	_ =	shalt  }
0x5e: {  	_ =	shalt  }
0x5f: {  	_ =	shalt  }
0x60: {  	_ =	shalt  }
0x61: {  	_ =	shalt  }
0x62: {  	_ =	shalt  }
0x63: {  	_ =	shalt  }
0x64: {  	_ =	shalt  }
0x65: {  	_ =	shalt  }
0x66: {  	_ =	shalt  }
0x67: {  	_ =	shalt  }
0x68: {  	_ =	shalt  }
0x69: {  	_ =	shalt  }
0x6a: {  	_ =	shalt  }
0x6b: {  	_ =	shalt  }
0x6c: {  	_ =	shalt  }
0x6d: {  	_ =	shalt  }
0x6e: {  	_ =	shalt  }
0x6f: {  	_ =	shalt  }
0x70: {  	_ =	shalt  }
0x71: {  	_ =	shalt  }
0x72: {  	_ =	shalt  }
0x73: {  	_ =	shalt  }
0x74: {  	_ =	shalt  }
0x75: {  	_ =	shalt  }
0x76: {  	_ =	shalt  }
0x77: {  	_ =	shalt  }
0x78: {  	_ =	shalt  }
0x79: {  	_ =	shalt  }
0x7a: {  	_ =	shalt  }
0x7b: {  	_ =	shalt  }
0x7c: {  	_ =	shalt  }
0x7d: {  	_ =	shalt  }
0x7e: {  	_ =	shalt  }
0x7f: {  	_ =	shalt  }
0x80: {  	_ =	shalt  }
0x81: {  	_ =	shalt  }
0x82: {  	_ =	shalt  }
0x83: {  	_ =	shalt  }
0x84: {  	_ =	shalt  }
0x85: {  	_ =	shalt  }
0x86: {  	_ =	shalt  }
0x87: {  	_ =	shalt  }
.Lfunc_end0:
.L_simem_size_0:
called_computation.2_lowered:
.L_overlay_start_0:
0x88: {  	s2 =	sld [smem:$0x3FD9]  }
0x89: {  	s3 =	sld [smem:$0x3FFE];
	_ =	sdelay $0x1  }
0x8a: {  	s1 =	srdreg.scid  }
0x8b: {  	s0 =	sand.u32 $0x1, s1  }
0x8c: {  	s16 =	sshll.u32 s0, $0xA;
	s2 =	sadd.s32 s3, s2  }
0x8d: {  	s2 =	sadd.s32 s2, s16  }
0x8e: {  	[smem:$0x3FB3] =	sst s2  }
0x8f: {  	_ = 	snop  }
0x90: {  	(tm) =	ssettm $0x1  }
0x91: {  	s17 =	sld [smem:$0x3FFB];
	_ =	sdelay $0x3  }
0x92: {  	_ =	strace s17  }
0x93: {  	s2 =	sld [smem:$0x3FFC];
	_ =	sdelay $0x3  }
0x94: {  	_ =	strace s2  }
0x95: {  	s2 =	sld [smem:$0x3FFD];
	_ =	sdelay $0x3  }
0x96: {  	_ =	strace s2  }
0x97: {  	_ =	strace $0x8FFFFFFF  }
0x98: {  	s18 =	sld [smem:$0x3FDB];
	_ =	sdelay $0x1  }
0x99: {  	s19 =	simm.s32 $_scs_section_size  }
0x9a: {  	s4 =	simm.s32 $_size__tile_overlayer_lowered;
	s5 =	simm.s32 $_tile_overlayer_lowered  }
0x9b: {  	s22 =	simm.s32 $0x1BFF;
	s21 =	sshll.u32 s5, $0x1;
	s2 =	sadd.s32 s19, s18  }
0x9c: {  	s6 =	simm.s32 $0x0;
	s20 =	sshll.u32 s4, $0x1;
	s4 =	sadd.s32 s21, s2  }
0x9d: {  	[timem:s6], [sflag:s22] =	dma.local [hbm:s4], s20  }
0x9e: {  	_ =	swait.ge [sflag:s22], s20  }
0x9f: {  	s3 =	ssub.s32 $0x0, s20;
	[sflag:s22] =	ssyncset.done $0x0  }
0xa0: {  	[sflag:s22] =	ssyncadd.s32 s3;
	_ =	sdelay $0x1  }
0xa1: {  	s23 =	simm.s32 $0x1B8B  }
0xa2: {  	_ =	swait.ge [sflag:s23], $0x1  }
0xa3: {  	[sflag:s23] =	ssyncset.done $0x0  }
0xa4: {  	s25 =	simm.s32 $0x1B8E;
	s24 =	sld [smem:$0x3FFE];
	[sflag:s23] =	ssyncadd.s32 $0xFFFFFFFF  }
0xa5: {  	s26 =	simm.s32 $execute0_lowered;
	[smem:$0x3FD2] =	sst s25  }
0xa6: {  	s4 =	sshll.u32 s26, $0x1;
	_ =	strace $0x8000004C;
	[dreg:$0x1] =	wrdreg $0xFFFFFFFF  }
0xa7: {  	s28 =	simm.s32 $_size_execute0_lowered;
	s2 =	sadd.s32 s2, s4;
	[dreg:$0x0] =	wrdreg $0x0  }
0xa8: {  	s4 =	sshll.u32 s28, $0x1;
	[dreg:$0x2] =	wrdreg s2  }
0xa9: {  	[dreg:$0x3] =	wrdreg s4  }
0xaa: {  	[dreg:$0x4] =	wrdreg $0xC0  }
0xab: {  	_ =	task [dreg:s6], $0x5FFFF  }
0xac: {  	[dreg:$0x1] =	wrdreg $0xFFFFFFFF  }
0xad: {  	[dreg:$0x0] =	wrdreg $0x60  }
0xae: {  	[dreg:$0x2] =	wrdreg s24  }
0xaf: {  	[dreg:$0x3] =	wrdreg $0xA8000  }
0xb0: {  	[dreg:$0x4] =	wrdreg $0x9  }
0xb1: {  	_ =	task.clear_ibuf [dreg:s6], $0x5FFFF;
	_ =	strace $0x9000004C  }
0xb2: {  	s29 =	simm.s32 $0x9;
	_ =	strace $0x8000004E  }
0xb3: {  	_ =	swait.ge [sflag:s29], $0x1  }
0xb4: {  	[sflag:s29] =	ssyncadd.s32 $0xFFFFFFFF  }
0xb5: {  	_ =	strace $0x9000004E  }
0xb6: {  	_ =	sfence  }
0xb7: {  	s30 =	sld [smem:$0x0];
	_ =	sdelay $0x2  }
0xb8: {  	s31 =	sshll.u32 s1, $0xD;
	s1 =	sshrl.u32 s1, $0x2  }
0xb9: {  	s3 =	sand.u32 $0x4000, s31;
	s1 =	sadd.s32 s1, s30  }
0xba: {  	s0 =	sor.u32 s3, s0;
	s1 =	sshll.u32 s1, $0x11  }
0xbb: {  	s0 =	sor.u32 s1, s0  }
0xbc: {  	s0 =	sadd.s32 $0x8F2B, s0  }
0xbd: {  	[sflag:s0] =	ssyncadd.remote.s32 $0x1  }
0xbe: {  	_ =	sfence.sel $0xFFFF  }
0xbf: {  	[dreg:$0x0] =	wrdreg $0xFFFFFFFF;
	(pc) =	sbr.abs _section_cstart, $3  }
0xc0: {  	[dreg:$0x1] =	wrdreg $0xFFFFFFFF  }
0xc1: {  	_ =	task.clear_ibuf [dreg:s6], $0x2FFFF;
	_ =	strace $0x9FFFFFFF  }
0xc2: {  	(tm) =	ssettm $0x7FFFFFFF  }
0xc3: {  	_ =	shalt  }
tec
execute0_lowered:
.L_overlay_start_1:
0x0: {  	(tag) =	ssettag $0x1  }
0x1: {  	s6 =	rddreg [dreg:$0x0]  }
0x2: {  	s1 =	rddreg [dreg:$0x1]  }
0x3: {  	s0 =	rddreg [dreg:$0x2];
	s3 =	simm.s32 $0x0;
	s2 =	srdreg.scid  }
0x4: {  	s16 =	simm.s32 $0x7D;
	s17 =	simm.s32 $0x2800;
	s18 =	simm.s32 $0x80  }
0x5: {  	s19 =	simm.s32 $0x6800;
	s20 =	simm.s32 $0x1;
	s21 =	simm.s32 $0x2  }
0x6: {  	s22 =	simm.s32 $0x2700;
	s23 =	simm.s32 $0x2780;
	[smem:$0x7FF] =	sst s3  }
0x7: {  	s7 =	sand.u32 $0x1, s2;
	s2 =	stileid.u32;
	s4 =	sadd.s32 $0x12600, s6  }
0x8: {  	s10 =	sadd.s32 $0x5E00, s6;
	s11 =	sadd.s32 $0x62E00, s6;
	s8 =	smul.u32 $0x140000, s7  }
0x9: {  	s5 =	sadd.s32 $0xFE00, s6;
	_ =	strace $0x8000004D;
	s9 =	smul.u32 $0x14000, s2  }
0xa: {  	s24 =	sshll.u32 s7, $0x4;
	s7 =	ssub.s32 $0x2, s7;
	s12 =	smul.u32 $0x50000, s2  }
0xb: {  	s26 =	sshll.u32 s2, $0x6;
	s13 =	sshrl.u32 s7, $0x1;
	s8 =	sadd.s32 s9, s8  }
0xc: {  	s9 =	sor.u32 s2, s24;
	s13 =	ssub.s32 s7, s13;
	s25 =	sshrl.u32 s12, $0x2  }
0xd: {  	s24 =	simm.s32 $0x0;
	s8 =	sshrl.u32 s8, $0x3;
	s14 =	smul.u32 $0x2800, s9  }
0xe: {  	s28 =	smul.u32 $0x500, s9;
	s30 =	sadd.s32 s25, s1;
	s12 =	smax.u32 s13, $0x1  }
0xf: {  	s15 =	sadd.s32 s8, s6;
	s6 =	sor.u32 $0x1C03, s26;
	s29 =	sshrl.u32 s14, $0x3  }
0x10: {  	s13 =	sshrl.u32 s30, $0x3;
	s7 =	sadd.s32 s10, s28;
	s31 =	sadd.s32 $0x280, s29  }
0x11: {  	s8 =	sadd.s32 s11, s28;
	s14 =	simm.s32 $0x3;
	s9 =	sadd.s32 s10, s31  }
0x12: {  	s10 =	sadd.s32 s11, s31;
	s11 =	sadd.s32 $0x94000, s15;
	s15 =	simm.s32 $0x1400  }
.LBB2_1:
0x13: {  	[spmem:s13], [sflag:s6] =	dma.local [hbm:s5], $0x2800  }
0x14: {  	_ =	swait.ge [sflag:s14], $0x2800  }
0x15: {  	[sflag:s14] =	ssyncset.done $0x0  }
0x16: {  	[sflag:s14] =	ssyncadd.s32 $0xFFFFD800  }
0x17: {  	[bflag:$0x0] =	sbarrier.arrive $0xFFFF  }
0x18: {  	[tilespmem:s3], [sflag:$0x3] =	stream.linear.gather [hbm4b:s7+s3], $0x1400, $0x38;
	[tilespmem:$0x1E800] =	vst v63  }
0x19: {  	_ =	swait.ge [sflag:s14], $0x1400  }
0x1a: {  	[sflag:s14] =	ssyncset.done $0x0  }
0x1b: {  	[sflag:s14] =	ssyncadd.s32 $0xFFFFEC00  }
0x1c: {  	[tilespmem:s15], [sflag:$0x3] =	stream.linear.gather [hbm4b:s8+s3], $0x1400, $0x38;
	[tilespmem:$0x1E800] =	vst v63  }
0x1d: {  	_ =	swait.ge [sflag:s14], $0x1400  }
0x1e: {  	[sflag:s14] =	ssyncset.done $0x0  }
0x1f: {  	[sflag:s14] =	ssyncadd.s32 $0xFFFFEC00  }
0x20: {  	[tilespmem:s17], [sflag:$0x1] =	stream.indirect.gather [hbm4b:s4+s16], $0x80, s3, s16, $0xb8;
	[tilespmem:$0x1E800] =	vst v63  }
0x21: {  	_ = 	snop  }
0x22: {  	[tilespmem:s19], [sflag:$0x2] =	stream.indirect.gather [hbm4b:s4+s16], $0x80, s18, s16, $0xb8;
	[tilespmem:$0x1E800] =	vst v63  }
0x23: {  	_ =	swait.ge [sflag:s20], $0x3E80  }
0x24: {  	[sflag:s20] =	ssyncset.done $0x0  }
0x25: {  	s25 =	simm.s32 $0x1400;
	[sflag:s20] =	ssyncadd.s32 $0xFFFFC180  }
0x26: {  	[spmem:s1] =	stream.indirect.scatter.add.f32 [tilespmem:s17], [sflag:$0x3], $0x80, s25, s16, $0xb8;
	[tilespmem:$0x1E800] =	vst v63  }
0x27: {  	_ =	swait.ge [sflag:s14], $0x3E80  }
0x28: {  	[sflag:s14] =	ssyncset.done $0x0  }
0x29: {  	s30 =	simm.s32 $0x100;
	[sflag:s14] =	ssyncadd.s32 $0xFFFFC180  }
0x2a: {  	[tilespmem:s17], [sflag:$0x1] =	stream.indirect.gather [hbm4b:s4+s16], $0x80, s30, s16, $0xb8;
	[tilespmem:$0x1E800] =	vst v63  }
0x2b: {  	_ =	swait.ge [sflag:s21], $0x3E80  }
0x2c: {  	[sflag:s21] =	ssyncset.done $0x0  }
0x2d: {  	s31 =	simm.s32 $0x1480;
	[sflag:s21] =	ssyncadd.s32 $0xFFFFC180  }
0x2e: {  	[spmem:s1] =	stream.indirect.scatter.add.f32 [tilespmem:s19], [sflag:$0x3], $0x80, s31, s16, $0xb8;
	[tilespmem:$0x1E800] =	vst v63  }
0x2f: {  	_ =	swait.ge [sflag:s14], $0x3E80  }
0x30: {  	[sflag:s14] =	ssyncset.done $0x0  }
0x31: {  	s26 =	simm.s32 $0x180;
	s25 =	simm.s32 $0x400;
	[sflag:s14] =	ssyncadd.s32 $0xFFFFC180  }
.LBB2_2:
0x32: {  	[tilespmem:s19], [sflag:$0x2] =	stream.indirect.gather [hbm4b:s4+s16], $0x80, s26, s16, $0xb8;
	[tilespmem:$0x1E800] =	vst v63  }
0x33: {  	s26 =	smov.u32 s25  }
0x34: {  	p0 =	sne.s32 s25, $0x4800;
	s25 =	sadd.s32 $0x400, s25;
	_ =	swait.ge [sflag:s20], $0x3E80  }
0x35: {  	s26 =	sshra.s32 s26, $0x2;
	[sflag:s20] =	ssyncset.done $0x0  }
0x36: {  	s28 =	sadd.s32 $0x1400, s26;
	[sflag:s20] =	ssyncadd.s32 $0xFFFFC180  }
0x37: {  	[spmem:s1] =	stream.indirect.scatter.add.f32 [tilespmem:s17], [sflag:$0x3], $0x80, s28, s16, $0xb8;
	[tilespmem:$0x1E800] =	vst v63  }
0x38: {  	_ =	swait.ge [sflag:s14], $0x3E80  }
0x39: {  	[sflag:s14] =	ssyncset.done $0x0  }
0x3a: {  	s28 =	sadd.s32 $0x100, s26;
	[sflag:s14] =	ssyncadd.s32 $0xFFFFC180  }
0x3b: {  	[tilespmem:s17], [sflag:$0x1] =	stream.indirect.gather [hbm4b:s4+s16], $0x80, s28, s16, $0xb8;
	[tilespmem:$0x1E800] =	vst v63  }
0x3c: {  	_ =	swait.ge [sflag:s21], $0x3E80  }
0x3d: {  	[sflag:s21] =	ssyncset.done $0x0  }
.Ltmp0:
0x3e: {  	s28 =	sadd.s32 $0x1480, s26;
	[sflag:s21] =	ssyncadd.s32 $0xFFFFC180;
	(pc) =	sbr.rel @p0 .LBB2_2-.Ltmp0, $4  }
0x3f: {  	[spmem:s1] =	stream.indirect.scatter.add.f32 [tilespmem:s19], [sflag:$0x3], $0x80, s28, s16, $0xb8;
	[tilespmem:$0x1E800] =	vst v63  }
0x40: {  	_ =	swait.ge [sflag:s14], $0x3E80  }
0x41: {  	[sflag:s14] =	ssyncset.done $0x0  }
0x42: {  	s26 =	sadd.s32 $0x180, s26;
	[sflag:s14] =	ssyncadd.s32 $0xFFFFC180  }
0x43: {  	[tilespmem:s19], [sflag:$0x2] =	stream.indirect.gather [hbm4b:s4+s16], $0x80, s26, s16, $0xb8;
	[tilespmem:$0x1E800] =	vst v63  }
0x44: {  	_ =	swait.ge [sflag:s20], $0x3E80  }
0x45: {  	[sflag:s20] =	ssyncset.done $0x0  }
0x46: {  	[sflag:s20] =	ssyncadd.s32 $0xFFFFC180  }
0x47: {  	[spmem:s1] =	stream.indirect.scatter.add.f32 [tilespmem:s17], [sflag:$0x3], $0x80, s22, s16, $0xb8;
	[tilespmem:$0x1E800] =	vst v63  }
0x48: {  	_ =	swait.ge [sflag:s14], $0x3E80  }
0x49: {  	[sflag:s14] =	ssyncset.done $0x0  }
0x4a: {  	[sflag:s14] =	ssyncadd.s32 $0xFFFFC180  }
0x4b: {  	_ =	swait.ge [sflag:s21], $0x3E80  }
0x4c: {  	[sflag:s21] =	ssyncset.done $0x0  }
0x4d: {  	[sflag:s21] =	ssyncadd.s32 $0xFFFFC180  }
0x4e: {  	[spmem:s1] =	stream.indirect.scatter.add.f32 [tilespmem:s19], [sflag:$0x3], $0x80, s23, s16, $0xb8;
	[tilespmem:$0x1E800] =	vst v63  }
0x4f: {  	_ =	swait.ge [sflag:s14], $0x3E80  }
0x50: {  	[sflag:s14] =	ssyncset.done $0x0  }
0x51: {  	s25 =	simm.s32 $0x0;
	[sflag:s14] =	ssyncadd.s32 $0xFFFFC180  }
0x52: {  	[tilespmem:s25], [sflag:$0x3] =	stream.linear.gather [hbm4b:s9+s25], $0x1400, $0x38;
	[tilespmem:$0x1E800] =	vst v63  }
0x53: {  	_ =	swait.ge [sflag:s14], $0x1400  }
0x54: {  	[sflag:s14] =	ssyncset.done $0x0  }
0x55: {  	[sflag:s14] =	ssyncadd.s32 $0xFFFFEC00  }
0x56: {  	[tilespmem:s15], [sflag:$0x3] =	stream.linear.gather [hbm4b:s10+s25], $0x1400, $0x38;
	[tilespmem:$0x1E800] =	vst v63  }
0x57: {  	_ =	swait.ge [sflag:s14], $0x1400  }
0x58: {  	[sflag:s14] =	ssyncset.done $0x0  }
0x59: {  	[sflag:s14] =	ssyncadd.s32 $0xFFFFEC00  }
0x5a: {  	[tilespmem:s17], [sflag:$0x1] =	stream.indirect.gather [hbm4b:s4+s16], $0x80, s25, s16, $0xb8;
	[tilespmem:$0x1E800] =	vst v63  }
0x5b: {  	_ = 	snop  }
0x5c: {  	[tilespmem:s19], [sflag:$0x2] =	stream.indirect.gather [hbm4b:s4+s16], $0x80, s18, s16, $0xb8;
	[tilespmem:$0x1E800] =	vst v63  }
0x5d: {  	_ =	swait.ge [sflag:s20], $0x3E80  }
0x5e: {  	[sflag:s20] =	ssyncset.done $0x0  }
0x5f: {  	s29 =	simm.s32 $0x1400;
	[sflag:s20] =	ssyncadd.s32 $0xFFFFC180  }
0x60: {  	[spmem:s1] =	stream.indirect.scatter.add.f32 [tilespmem:s17], [sflag:$0x3], $0x80, s29, s16, $0xb8;
	[tilespmem:$0x1E800] =	vst v63  }
0x61: {  	_ =	swait.ge [sflag:s14], $0x3E80  }
0x62: {  	[sflag:s14] =	ssyncset.done $0x0  }
0x63: {  	s30 =	simm.s32 $0x100;
	[sflag:s14] =	ssyncadd.s32 $0xFFFFC180  }
0x64: {  	[tilespmem:s17], [sflag:$0x1] =	stream.indirect.gather [hbm4b:s4+s16], $0x80, s30, s16, $0xb8;
	[tilespmem:$0x1E800] =	vst v63  }
0x65: {  	_ =	swait.ge [sflag:s21], $0x3E80  }
0x66: {  	[sflag:s21] =	ssyncset.done $0x0  }
0x67: {  	s31 =	simm.s32 $0x1480;
	[sflag:s21] =	ssyncadd.s32 $0xFFFFC180  }
0x68: {  	[spmem:s1] =	stream.indirect.scatter.add.f32 [tilespmem:s19], [sflag:$0x3], $0x80, s31, s16, $0xb8;
	[tilespmem:$0x1E800] =	vst v63  }
0x69: {  	_ =	swait.ge [sflag:s14], $0x3E80  }
0x6a: {  	[sflag:s14] =	ssyncset.done $0x0  }
0x6b: {  	s26 =	simm.s32 $0x180;
	s25 =	simm.s32 $0x400;
	[sflag:s14] =	ssyncadd.s32 $0xFFFFC180  }
.LBB2_4:
0x6c: {  	[tilespmem:s19], [sflag:$0x2] =	stream.indirect.gather [hbm4b:s4+s16], $0x80, s26, s16, $0xb8;
	[tilespmem:$0x1E800] =	vst v63  }
0x6d: {  	s26 =	smov.u32 s25  }
0x6e: {  	p0 =	sne.s32 s25, $0x4800;
	s25 =	sadd.s32 $0x400, s25;
	_ =	swait.ge [sflag:s20], $0x3E80  }
0x6f: {  	s26 =	sshra.s32 s26, $0x2;
	[sflag:s20] =	ssyncset.done $0x0  }
0x70: {  	s28 =	sadd.s32 $0x1400, s26;
	[sflag:s20] =	ssyncadd.s32 $0xFFFFC180  }
0x71: {  	[spmem:s1] =	stream.indirect.scatter.add.f32 [tilespmem:s17], [sflag:$0x3], $0x80, s28, s16, $0xb8;
	[tilespmem:$0x1E800] =	vst v63  }
0x72: {  	_ =	swait.ge [sflag:s14], $0x3E80  }
0x73: {  	[sflag:s14] =	ssyncset.done $0x0  }
0x74: {  	s28 =	sadd.s32 $0x100, s26;
	[sflag:s14] =	ssyncadd.s32 $0xFFFFC180  }
0x75: {  	[tilespmem:s17], [sflag:$0x1] =	stream.indirect.gather [hbm4b:s4+s16], $0x80, s28, s16, $0xb8;
	[tilespmem:$0x1E800] =	vst v63  }
0x76: {  	_ =	swait.ge [sflag:s21], $0x3E80  }
0x77: {  	[sflag:s21] =	ssyncset.done $0x0  }
.Ltmp1:
0x78: {  	s28 =	sadd.s32 $0x1480, s26;
	[sflag:s21] =	ssyncadd.s32 $0xFFFFC180;
	(pc) =	sbr.rel @p0 .LBB2_4-.Ltmp1, $4  }
0x79: {  	[spmem:s1] =	stream.indirect.scatter.add.f32 [tilespmem:s19], [sflag:$0x3], $0x80, s28, s16, $0xb8;
	[tilespmem:$0x1E800] =	vst v63  }
0x7a: {  	_ =	swait.ge [sflag:s14], $0x3E80  }
0x7b: {  	[sflag:s14] =	ssyncset.done $0x0  }
0x7c: {  	s26 =	sadd.s32 $0x180, s26;
	[sflag:s14] =	ssyncadd.s32 $0xFFFFC180  }
0x7d: {  	[tilespmem:s19], [sflag:$0x2] =	stream.indirect.gather [hbm4b:s4+s16], $0x80, s26, s16, $0xb8;
	[tilespmem:$0x1E800] =	vst v63  }
0x7e: {  	_ =	swait.ge [sflag:s20], $0x3E80  }
0x7f: {  	[sflag:s20] =	ssyncset.done $0x0  }
0x80: {  	[sflag:s20] =	ssyncadd.s32 $0xFFFFC180  }
0x81: {  	[spmem:s1] =	stream.indirect.scatter.add.f32 [tilespmem:s17], [sflag:$0x3], $0x80, s22, s16, $0xb8;
	[tilespmem:$0x1E800] =	vst v63  }
0x82: {  	_ =	swait.ge [sflag:s14], $0x3E80  }
0x83: {  	[sflag:s14] =	ssyncset.done $0x0  }
0x84: {  	[sflag:s14] =	ssyncadd.s32 $0xFFFFC180  }
0x85: {  	_ =	swait.ge [sflag:s21], $0x3E80  }
0x86: {  	[sflag:s21] =	ssyncset.done $0x0  }
0x87: {  	[sflag:s21] =	ssyncadd.s32 $0xFFFFC180  }
0x88: {  	[spmem:s1] =	stream.indirect.scatter.add.f32 [tilespmem:s19], [sflag:$0x3], $0x80, s23, s16, $0xb8;
	[tilespmem:$0x1E800] =	vst v63  }
0x89: {  	_ =	swait.ge [sflag:s14], $0x3E80  }
0x8a: {  	s24 =	sadd.s32 $0x1, s24;
	[sflag:s14] =	ssyncset.done $0x0  }
0x8b: {  	p0 =	sne.s32 s24, s12;
	[sflag:s14] =	ssyncadd.s32 $0xFFFFC180  }
.Ltmp2:
0x8c: {  	[bflag:$0x0] =	sbarrier.arrive $0xFFFF;
	(pc) =	sbr.rel @p0 .LBB2_1-.Ltmp2, $4  }
0x8d: {  	[hbm:s11], [sflag:s6] =	dma.local [spmem:s13], $0x2800  }
0x8e: {  	_ =	swait.ge [sflag:s14], $0x2800  }
0x8f: {  	[sflag:s14] =	ssyncset.done $0x0  }
0x90: {  	[sflag:s14] =	ssyncadd.s32 $0xFFFFD800  }
0x91: {  	_ =	sfence.sel $0x180000  }
0x92: {  	[bflag:$0x0] =	sbarrier.arrive $0xFFFF  }
0x93: {  	p0 =	sne.s32 s2, $0x0;
	_ =	strace $0x9000004D  }
0x94: {  	s0 =	sadd.s32 @!p0 $0x100000, s0;
	[bflag:$0x2] =	sbarrier.arrive $0xFFFF  }
0x95: {  	[sflag:s0] =	ssyncadd.tile.s32 @!p0 $0x1;
	_ =	shalt  }
.Lfunc_end2:
_tile_overlayer_lowered:
.L_overlay_start_2:
0x96: {  	(tag) =	ssettag $0x2  }
0x97: {  	s0 =	rddreg [dreg:$0x0];
	s2 =	stileid.u32  }
0x98: {  	s1 =	rddreg [dreg:$0x1];
	p0 =	sne.s32 s2, $0x0  }
0x99: {  	s3 =	rddreg [dreg:$0x2];
	[bflag:$0x3] =	sbarrier.arrive $0xFFFF;
	s2 =	simm.s32 @!p0 $0x1C03  }
0x9a: {  	[timem:s3], [sflag:s2] =	dma.local @!p0 [hbm:s0], s1  }
0x9b: {  	s0 =	simm.s32 @!p0 $0x3  }
0x9c: {  	_ =	swait.ge @!p0 [sflag:s0], s1  }
0x9d: {  	s1 =	ssub.s32 @!p0 $0x0, s1;
	[sflag:s0] =	ssyncset.done @!p0 $0x0  }
0x9e: {  	[sflag:s0] =	ssyncadd.s32 @!p0 s1  }
0x9f: {  	[bflag:$0x3] =	sbarrier.arrive $0xFFFF  }
0xa0: {  	_ =	shalt  }

// kernel: kernel.19.cloned.1.call-start
scs
__scs_entry_jumppad:
0x0: {  	(pc) =	sbr.rel $0x88, $3  }
0x1: {  	(tag) =	ssettag $0x0;
	lr =	simm.s32 $0x1  }
0x2: {  	[smem:$0x3F8C] =	sst lr;
	_ =	strace $0xD0000000  }
0x3: {  	_ = 	snop  }
0x4: {  	_ = 	snop  }
0x5: {  	_ = 	snop  }
0x6: {  	_ = 	snop  }
0x7: {  	_ = 	snop  }
__scs_overlays_trampoline_lowered:
0x8: {  	[smem:$0x3F9B] =	sst s0  }
0x9: {  	[smem:$0x3F9C] =	sst s1  }
0xa: {  	[smem:$0x3F9D] =	sst s2  }
0xb: {  	[smem:$0x3F9E] =	sst s3  }
0xc: {  	[smem:$0x3F9F] =	sst s4  }
0xd: {  	[smem:$0x3FA0] =	sst s5  }
0xe: {  	[smem:$0x3FA1] =	sst s6  }
0xf: {  	[smem:$0x3FA2] =	sst s7  }
0x10: {  	[smem:$0x3FA3] =	sst s8  }
0x11: {  	[smem:$0x3FA4] =	sst s9;
	s0 =	simm.s32 @!p0 $0x0  }
0x12: {  	s1 =	sld [smem:$0x3F8A];
	s0 =	simm.s32 @p0 $0x1  }
0x13: {  	[smem:$0x3FA5] =	sst s0;
	s0 =	simm.s32 @!p1 $0x0  }
0x14: {  	s2 =	sld [smem:$0x3F89];
	s0 =	simm.s32 @p1 $0x1  }
0x15: {  	[smem:$0x3FA6] =	sst s0;
	s0 =	simm.s32 @!p2 $0x0  }
0x16: {  	s3 =	sld [smem:$0x3FDB];
	s0 =	simm.s32 @p2 $0x1  }
0x17: {  	s4 =	simm.s32 $0x1BF5;
	[smem:$0x3FA8] =	sst s0  }
0x18: {  	s0 =	sld [smem:$0x3F8B];
	_ =	swait.ge [sflag:s4], $0x0  }
0x19: {  	s7 =	sld [smem:$0x3F8C]  }
0x1a: {  	s8 =	sadd.s32 $0xFFFFE003, lr  }
0x1b: {  	s9 =	sadd.s32 $0xFFFFFEF7, lr;
	s5 =	simm.s32 $0xFFFFFFFF;
	p2 =	slt.u32 s8, $0xFFFFF086  }
0x1c: {  	p1 =	slt.u32 s9, $0xF7A;
	s5 =	simm.s32 @!p2 $0x0  }
0x1d: {  	s5 =	simm.s32 @p1 $0x1;
	p0 =	seq.s32 s7, s2  }
0x1e: {  	s7 =	smul.u32 @!p0 $0xF7A, s2;
	p2 =	seq.s32 @!p0 s5, $0x0  }
0x1f: {  	s9 =	smul.u32 $0xF7A, s1;
	s8 =	simm.s32 @!p0 $0x1BF5;
	p2 =	por !p2, p0  }
0x20: {  	[sflag:s8] =	ssyncset.s32 @!p0 $0xFFFFF086;
	s6 =	sadd.s32 @!p0 s3, s7;
	s7 =	simm.s32 @!p0 $0x108  }
0x21: {  	s3 =	sadd.s32 s3, s9;
	s6 =	sadd.s32 @!p0 $0x88, s6;
	s7 =	simm.s32 @p2 $0x1082  }
0x22: {  	[simem:s7], [sflag:s8] =	dma.local @!p0 [hbm:s6], $0xF7A  }
0x23: {  	s9 =	sor.u32 $0xD0000000, s2;
	s6 =	simm.s32 $0x108;
	_ =	swait.ge @!p0 [sflag:s8], $0x0  }
0x24: {  	s3 =	sadd.s32 $0x88, s3;
	s6 =	simm.s32 @!p1 $0x1082;
	[sflag:s4] =	ssyncset.s32 $0xFFFFF086  }
0x25: {  	[simem:s6], [sflag:s4] =	dma.local [hbm:s3], $0xF7A  }
0x26: {  	[smem:$0x3F8C] =	sst s1;
	(tag) =	ssettag s2;
	_ =	strace s9  }
0x27: {  	s1 =	sld [smem:$0x3F9C]  }
0x28: {  	s2 =	sld [smem:$0x3F9D]  }
0x29: {  	s4 =	sld [smem:$0x3F9F]  }
0x2a: {  	p0 =	seq.s32 s5, $0x0;
	s5 =	sld [smem:$0x3FA0]  }
0x2b: {  	s6 =	sld [smem:$0x3FA1]  }
0x2c: {  	s7 =	sld [smem:$0x3FA2]  }
0x2d: {  	s3 =	simm.s32 $0x108;
	s8 =	sld [smem:$0x3FA3]  }
0x2e: {  	s3 =	simm.s32 @!p0 $0x1082;
	s9 =	sld [smem:$0x3FA4]  }
0x2f: {  	lr =	sadd.s32 s0, s3;
	s0 =	sld [smem:$0x3F9B]  }
0x30: {  	s3 =	sld [smem:$0x3F9E]  }
0x31: {  	[smem:$0x3FA7] =	sst s10  }
0x32: {  	s10 =	sld [smem:$0x3FA5];
	_ =	sdelay $0x3  }
0x33: {  	p0 =	seq.s32 s10, $0x1;
	s10 =	sld [smem:$0x3FA7];
	_ =	sdelay $0x3  }
0x34: {  	[smem:$0x3FA7] =	sst s10  }
0x35: {  	s10 =	sld [smem:$0x3FA6];
	_ =	sdelay $0x3  }
0x36: {  	p1 =	seq.s32 s10, $0x1;
	s10 =	sld [smem:$0x3FA7];
	_ =	sdelay $0x3  }
0x37: {  	[smem:$0x3FA7] =	sst s10  }
0x38: {  	s10 =	sld [smem:$0x3FA8]  }
0x39: {  	_ = 	snop;
	(pc) =	sbr.ind lr, $3  }
0x3a: {  	_ = 	snop  }
0x3b: {  	_ = 	snop  }
0x3c: {  	p2 =	seq.s32 s10, $0x1;
	s10 =	sld [smem:$0x3FA7]  }
0x3d: {  	_ =	shalt  }
0x3e: {  	_ =	shalt  }
0x3f: {  	_ =	shalt  }
0x40: {  	_ =	shalt  }
0x41: {  	_ =	shalt  }
0x42: {  	_ =	shalt  }
0x43: {  	_ =	shalt  }
0x44: {  	_ =	shalt  }
0x45: {  	_ =	shalt  }
0x46: {  	_ =	shalt  }
0x47: {  	_ =	shalt  }
0x48: {  	_ =	shalt  }
0x49: {  	_ =	shalt  }
0x4a: {  	_ =	shalt  }
0x4b: {  	_ =	shalt  }
0x4c: {  	_ =	shalt  }
0x4d: {  	_ =	shalt  }
0x4e: {  	_ =	shalt  }
0x4f: {  	_ =	shalt  }
0x50: {  	_ =	shalt  }
0x51: {  	_ =	shalt  }
0x52: {  	_ =	shalt  }
0x53: {  	_ =	shalt  }
0x54: {  	_ =	shalt  }
0x55: {  	_ =	shalt  }
0x56: {  	_ =	shalt  }
0x57: {  	_ =	shalt  }
0x58: {  	_ =	shalt  }
0x59: {  	_ =	shalt  }
0x5a: {  	_ =	shalt  }
0x5b: {  	_ =	shalt  }
0x5c: {  	_ =	shalt  }
0x5d: {  	_ =	shalt  }
0x5e: {  	_ =	shalt  }
0x5f: {  	_ =	shalt  }
0x60: {  	_ =	shalt  }
0x61: {  	_ =	shalt  }
0x62: {  	_ =	shalt  }
0x63: {  	_ =	shalt  }
0x64: {  	_ =	shalt  }
0x65: {  	_ =	shalt  }
0x66: {  	_ =	shalt  }
0x67: {  	_ =	shalt  }
0x68: {  	_ =	shalt  }
0x69: {  	_ =	shalt  }
0x6a: {  	_ =	shalt  }
0x6b: {  	_ =	shalt  }
0x6c: {  	_ =	shalt  }
0x6d: {  	_ =	shalt  }
0x6e: {  	_ =	shalt  }
0x6f: {  	_ =	shalt  }
0x70: {  	_ =	shalt  }
0x71: {  	_ =	shalt  }
0x72: {  	_ =	shalt  }
0x73: {  	_ =	shalt  }
0x74: {  	_ =	shalt  }
0x75: {  	_ =	shalt  }
0x76: {  	_ =	shalt  }
0x77: {  	_ =	shalt  }
0x78: {  	_ =	shalt  }
0x79: {  	_ =	shalt  }
0x7a: {  	_ =	shalt  }
0x7b: {  	_ =	shalt  }
0x7c: {  	_ =	shalt  }
0x7d: {  	_ =	shalt  }
0x7e: {  	_ =	shalt  }
0x7f: {  	_ =	shalt  }
0x80: {  	_ =	shalt  }
0x81: {  	_ =	shalt  }
0x82: {  	_ =	shalt  }
0x83: {  	_ =	shalt  }
0x84: {  	_ =	shalt  }
0x85: {  	_ =	shalt  }
0x86: {  	_ =	shalt  }
0x87: {  	_ =	shalt  }
.Lfunc_end0:
.L_simem_size_0:
called_computation.3_lowered:
.L_overlay_start_0:
0x88: {  	s2 =	sld [smem:$0x3FD9]  }
0x89: {  	s3 =	sld [smem:$0x3FFE];
	_ =	sdelay $0x1  }
0x8a: {  	s1 =	srdreg.scid  }
0x8b: {  	s0 =	sand.u32 $0x1, s1  }
0x8c: {  	s16 =	sshll.u32 s0, $0xA;
	s2 =	sadd.s32 s3, s2  }
0x8d: {  	s2 =	sadd.s32 s2, s16  }
0x8e: {  	[smem:$0x3FB3] =	sst s2  }
0x8f: {  	_ = 	snop  }
0x90: {  	(tm) =	ssettm $0x1  }
0x91: {  	s17 =	sld [smem:$0x3FFB];
	_ =	sdelay $0x3  }
0x92: {  	_ =	strace s17  }
0x93: {  	s2 =	sld [smem:$0x3FFC];
	_ =	sdelay $0x3  }
0x94: {  	_ =	strace s2  }
0x95: {  	s2 =	sld [smem:$0x3FFD];
	_ =	sdelay $0x3  }
0x96: {  	_ =	strace s2  }
0x97: {  	_ =	strace $0x8FFFFFFF  }
0x98: {  	s18 =	sld [smem:$0x3FDB];
	_ =	sdelay $0x1  }
0x99: {  	s19 =	simm.s32 $_scs_section_size  }
0x9a: {  	s4 =	simm.s32 $_size__tile_overlayer_lowered;
	s5 =	simm.s32 $_tile_overlayer_lowered  }
0x9b: {  	s22 =	simm.s32 $0x1BFF;
	s21 =	sshll.u32 s5, $0x1;
	s2 =	sadd.s32 s19, s18  }
0x9c: {  	s6 =	simm.s32 $0x0;
	s20 =	sshll.u32 s4, $0x1;
	s4 =	sadd.s32 s21, s2  }
0x9d: {  	[timem:s6], [sflag:s22] =	dma.local [hbm:s4], s20  }
0x9e: {  	_ =	swait.ge [sflag:s22], s20  }
0x9f: {  	s3 =	ssub.s32 $0x0, s20;
	[sflag:s22] =	ssyncset.done $0x0  }
0xa0: {  	[sflag:s22] =	ssyncadd.s32 s3;
	_ =	sdelay $0x1  }
0xa1: {  	s23 =	simm.s32 $0x1B8B  }
0xa2: {  	_ =	swait.ge [sflag:s23], $0x1  }
0xa3: {  	[sflag:s23] =	ssyncset.done $0x0  }
0xa4: {  	s25 =	simm.s32 $0x1B8E;
	s24 =	sld [smem:$0x3FFE];
	[sflag:s23] =	ssyncadd.s32 $0xFFFFFFFF  }
0xa5: {  	s26 =	simm.s32 $execute0_lowered;
	[smem:$0x3FD2] =	sst s25  }
0xa6: {  	s4 =	sshll.u32 s26, $0x1;
	_ =	strace $0x8000004F;
	[dreg:$0x1] =	wrdreg $0xFFFFFFFF  }
0xa7: {  	s28 =	simm.s32 $_size_execute0_lowered;
	s2 =	sadd.s32 s2, s4;
	[dreg:$0x0] =	wrdreg $0x0  }
0xa8: {  	s4 =	sshll.u32 s28, $0x1;
	[dreg:$0x2] =	wrdreg s2  }
0xa9: {  	[dreg:$0x3] =	wrdreg s4  }
0xaa: {  	[dreg:$0x4] =	wrdreg $0xC0  }
0xab: {  	_ =	task [dreg:s6], $0x5FFFF  }
0xac: {  	[dreg:$0x1] =	wrdreg $0xFFFFFFFF  }
0xad: {  	[dreg:$0x0] =	wrdreg $0x60  }
0xae: {  	[dreg:$0x2] =	wrdreg s24  }
0xaf: {  	[dreg:$0x3] =	wrdreg $0xA8000  }
0xb0: {  	[dreg:$0x4] =	wrdreg $0x9  }
0xb1: {  	_ =	task.clear_ibuf [dreg:s6], $0x5FFFF;
	_ =	strace $0x9000004F  }
0xb2: {  	s29 =	simm.s32 $0x9;
	_ =	strace $0x80000051  }
0xb3: {  	_ =	swait.ge [sflag:s29], $0x1  }
0xb4: {  	[sflag:s29] =	ssyncadd.s32 $0xFFFFFFFF  }
0xb5: {  	_ =	strace $0x90000051  }
0xb6: {  	_ =	sfence  }
0xb7: {  	s30 =	sld [smem:$0x0];
	_ =	sdelay $0x2  }
0xb8: {  	s31 =	sshll.u32 s1, $0xD;
	s1 =	sshrl.u32 s1, $0x2  }
0xb9: {  	s3 =	sand.u32 $0x4000, s31;
	s1 =	sadd.s32 s1, s30  }
0xba: {  	s0 =	sor.u32 s3, s0;
	s1 =	sshll.u32 s1, $0x11  }
0xbb: {  	s0 =	sor.u32 s1, s0  }
0xbc: {  	s0 =	sadd.s32 $0x8F2B, s0  }
0xbd: {  	[sflag:s0] =	ssyncadd.remote.s32 $0x1  }
0xbe: {  	_ =	sfence.sel $0xFFFF  }
0xbf: {  	[dreg:$0x0] =	wrdreg $0xFFFFFFFF;
	(pc) =	sbr.abs _section_cstart, $3  }
0xc0: {  	[dreg:$0x1] =	wrdreg $0xFFFFFFFF  }
0xc1: {  	_ =	task.clear_ibuf [dreg:s6], $0x2FFFF;
	_ =	strace $0x9FFFFFFF  }
0xc2: {  	(tm) =	ssettm $0x7FFFFFFF  }
0xc3: {  	_ =	shalt  }
tec
execute0_lowered:
.L_overlay_start_1:
0x0: {  	(tag) =	ssettag $0x1  }
0x1: {  	s6 =	rddreg [dreg:$0x0]  }
0x2: {  	s1 =	rddreg [dreg:$0x1]  }
0x3: {  	s0 =	rddreg [dreg:$0x2];
	s3 =	simm.s32 $0x0;
	s2 =	srdreg.scid  }
0x4: {  	s16 =	simm.s32 $0x7D;
	s17 =	simm.s32 $0x2800;
	s18 =	simm.s32 $0x80  }
0x5: {  	s19 =	simm.s32 $0x6800;
	s20 =	simm.s32 $0x1;
	s21 =	simm.s32 $0x2  }
0x6: {  	s22 =	simm.s32 $0x2700;
	s23 =	simm.s32 $0x2780;
	[smem:$0x7FF] =	sst s3  }
0x7: {  	s7 =	sand.u32 $0x1, s2;
	s2 =	stileid.u32;
	s4 =	sadd.s32 $0x12600, s6  }
0x8: {  	s10 =	sadd.s32 $0x5E00, s6;
	s11 =	sadd.s32 $0x62E00, s6;
	s8 =	smul.u32 $0x140000, s7  }
0x9: {  	s5 =	sadd.s32 $0xFE00, s6;
	_ =	strace $0x80000050;
	s9 =	smul.u32 $0x14000, s2  }
0xa: {  	s24 =	sshll.u32 s7, $0x4;
	s7 =	ssub.s32 $0x2, s7;
	s12 =	smul.u32 $0x50000, s2  }
0xb: {  	s26 =	sshll.u32 s2, $0x6;
	s13 =	sshrl.u32 s7, $0x1;
	s8 =	sadd.s32 s9, s8  }
0xc: {  	s9 =	sor.u32 s2, s24;
	s13 =	ssub.s32 s7, s13;
	s25 =	sshrl.u32 s12, $0x2  }
0xd: {  	s24 =	simm.s32 $0x0;
	s8 =	sshrl.u32 s8, $0x3;
	s14 =	smul.u32 $0x2800, s9  }
0xe: {  	s28 =	smul.u32 $0x500, s9;
	s30 =	sadd.s32 s25, s1;
	s12 =	smax.u32 s13, $0x1  }
0xf: {  	s15 =	sadd.s32 s8, s6;
	s6 =	sor.u32 $0x1C03, s26;
	s29 =	sshrl.u32 s14, $0x3  }
0x10: {  	s13 =	sshrl.u32 s30, $0x3;
	s7 =	sadd.s32 s10, s28;
	s31 =	sadd.s32 $0x280, s29  }
0x11: {  	s8 =	sadd.s32 s11, s28;
	s14 =	simm.s32 $0x3;
	s9 =	sadd.s32 s10, s31  }
0x12: {  	s10 =	sadd.s32 s11, s31;
	s11 =	sadd.s32 $0xBB200, s15;
	s15 =	simm.s32 $0x1400  }
.LBB2_1:
0x13: {  	[spmem:s13], [sflag:s6] =	dma.local [hbm:s5], $0x2800  }
0x14: {  	_ =	swait.ge [sflag:s14], $0x2800  }
0x15: {  	[sflag:s14] =	ssyncset.done $0x0  }
0x16: {  	[sflag:s14] =	ssyncadd.s32 $0xFFFFD800  }
0x17: {  	[bflag:$0x0] =	sbarrier.arrive $0xFFFF  }
0x18: {  	[tilespmem:s3], [sflag:$0x3] =	stream.linear.gather [hbm4b:s7+s3], $0x1400, $0x38;
	[tilespmem:$0x1E800] =	vst v63  }
0x19: {  	_ =	swait.ge [sflag:s14], $0x1400  }
0x1a: {  	[sflag:s14] =	ssyncset.done $0x0  }
0x1b: {  	[sflag:s14] =	ssyncadd.s32 $0xFFFFEC00  }
0x1c: {  	[tilespmem:s15], [sflag:$0x3] =	stream.linear.gather [hbm4b:s8+s3], $0x1400, $0x38;
	[tilespmem:$0x1E800] =	vst v63  }
0x1d: {  	_ =	swait.ge [sflag:s14], $0x1400  }
0x1e: {  	[sflag:s14] =	ssyncset.done $0x0  }
0x1f: {  	[sflag:s14] =	ssyncadd.s32 $0xFFFFEC00  }
0x20: {  	[tilespmem:s17], [sflag:$0x1] =	stream.indirect.gather [hbm4b:s4+s16], $0x80, s3, s16, $0xb8;
	[tilespmem:$0x1E800] =	vst v63  }
0x21: {  	_ = 	snop  }
0x22: {  	[tilespmem:s19], [sflag:$0x2] =	stream.indirect.gather [hbm4b:s4+s16], $0x80, s18, s16, $0xb8;
	[tilespmem:$0x1E800] =	vst v63  }
0x23: {  	_ =	swait.ge [sflag:s20], $0x3E80  }
0x24: {  	[sflag:s20] =	ssyncset.done $0x0  }
0x25: {  	s25 =	simm.s32 $0x1400;
	[sflag:s20] =	ssyncadd.s32 $0xFFFFC180  }
0x26: {  	[spmem:s1] =	stream.indirect.scatter.add.f32 [tilespmem:s17], [sflag:$0x3], $0x80, s25, s16, $0xb8;
	[tilespmem:$0x1E800] =	vst v63  }
0x27: {  	_ =	swait.ge [sflag:s14], $0x3E80  }
0x28: {  	[sflag:s14] =	ssyncset.done $0x0  }
0x29: {  	s30 =	simm.s32 $0x100;
	[sflag:s14] =	ssyncadd.s32 $0xFFFFC180  }
0x2a: {  	[tilespmem:s17], [sflag:$0x1] =	stream.indirect.gather [hbm4b:s4+s16], $0x80, s30, s16, $0xb8;
	[tilespmem:$0x1E800] =	vst v63  }
0x2b: {  	_ =	swait.ge [sflag:s21], $0x3E80  }
0x2c: {  	[sflag:s21] =	ssyncset.done $0x0  }
0x2d: {  	s31 =	simm.s32 $0x1480;
	[sflag:s21] =	ssyncadd.s32 $0xFFFFC180  }
0x2e: {  	[spmem:s1] =	stream.indirect.scatter.add.f32 [tilespmem:s19], [sflag:$0x3], $0x80, s31, s16, $0xb8;
	[tilespmem:$0x1E800] =	vst v63  }
0x2f: {  	_ =	swait.ge [sflag:s14], $0x3E80  }
0x30: {  	[sflag:s14] =	ssyncset.done $0x0  }
0x31: {  	s26 =	simm.s32 $0x180;
	s25 =	simm.s32 $0x400;
	[sflag:s14] =	ssyncadd.s32 $0xFFFFC180  }
.LBB2_2:
0x32: {  	[tilespmem:s19], [sflag:$0x2] =	stream.indirect.gather [hbm4b:s4+s16], $0x80, s26, s16, $0xb8;
	[tilespmem:$0x1E800] =	vst v63  }
0x33: {  	s26 =	smov.u32 s25  }
0x34: {  	p0 =	sne.s32 s25, $0x4800;
	s25 =	sadd.s32 $0x400, s25;
	_ =	swait.ge [sflag:s20], $0x3E80  }
0x35: {  	s26 =	sshra.s32 s26, $0x2;
	[sflag:s20] =	ssyncset.done $0x0  }
0x36: {  	s28 =	sadd.s32 $0x1400, s26;
	[sflag:s20] =	ssyncadd.s32 $0xFFFFC180  }
0x37: {  	[spmem:s1] =	stream.indirect.scatter.add.f32 [tilespmem:s17], [sflag:$0x3], $0x80, s28, s16, $0xb8;
	[tilespmem:$0x1E800] =	vst v63  }
0x38: {  	_ =	swait.ge [sflag:s14], $0x3E80  }
0x39: {  	[sflag:s14] =	ssyncset.done $0x0  }
0x3a: {  	s28 =	sadd.s32 $0x100, s26;
	[sflag:s14] =	ssyncadd.s32 $0xFFFFC180  }
0x3b: {  	[tilespmem:s17], [sflag:$0x1] =	stream.indirect.gather [hbm4b:s4+s16], $0x80, s28, s16, $0xb8;
	[tilespmem:$0x1E800] =	vst v63  }
0x3c: {  	_ =	swait.ge [sflag:s21], $0x3E80  }
0x3d: {  	[sflag:s21] =	ssyncset.done $0x0  }
.Ltmp0:
0x3e: {  	s28 =	sadd.s32 $0x1480, s26;
	[sflag:s21] =	ssyncadd.s32 $0xFFFFC180;
	(pc) =	sbr.rel @p0 .LBB2_2-.Ltmp0, $4  }
0x3f: {  	[spmem:s1] =	stream.indirect.scatter.add.f32 [tilespmem:s19], [sflag:$0x3], $0x80, s28, s16, $0xb8;
	[tilespmem:$0x1E800] =	vst v63  }
0x40: {  	_ =	swait.ge [sflag:s14], $0x3E80  }
0x41: {  	[sflag:s14] =	ssyncset.done $0x0  }
0x42: {  	s26 =	sadd.s32 $0x180, s26;
	[sflag:s14] =	ssyncadd.s32 $0xFFFFC180  }
0x43: {  	[tilespmem:s19], [sflag:$0x2] =	stream.indirect.gather [hbm4b:s4+s16], $0x80, s26, s16, $0xb8;
	[tilespmem:$0x1E800] =	vst v63  }
0x44: {  	_ =	swait.ge [sflag:s20], $0x3E80  }
0x45: {  	[sflag:s20] =	ssyncset.done $0x0  }
0x46: {  	[sflag:s20] =	ssyncadd.s32 $0xFFFFC180  }
0x47: {  	[spmem:s1] =	stream.indirect.scatter.add.f32 [tilespmem:s17], [sflag:$0x3], $0x80, s22, s16, $0xb8;
	[tilespmem:$0x1E800] =	vst v63  }
0x48: {  	_ =	swait.ge [sflag:s14], $0x3E80  }
0x49: {  	[sflag:s14] =	ssyncset.done $0x0  }
0x4a: {  	[sflag:s14] =	ssyncadd.s32 $0xFFFFC180  }
0x4b: {  	_ =	swait.ge [sflag:s21], $0x3E80  }
0x4c: {  	[sflag:s21] =	ssyncset.done $0x0  }
0x4d: {  	[sflag:s21] =	ssyncadd.s32 $0xFFFFC180  }
0x4e: {  	[spmem:s1] =	stream.indirect.scatter.add.f32 [tilespmem:s19], [sflag:$0x3], $0x80, s23, s16, $0xb8;
	[tilespmem:$0x1E800] =	vst v63  }
0x4f: {  	_ =	swait.ge [sflag:s14], $0x3E80  }
0x50: {  	[sflag:s14] =	ssyncset.done $0x0  }
0x51: {  	s25 =	simm.s32 $0x0;
	[sflag:s14] =	ssyncadd.s32 $0xFFFFC180  }
0x52: {  	[tilespmem:s25], [sflag:$0x3] =	stream.linear.gather [hbm4b:s9+s25], $0x1400, $0x38;
	[tilespmem:$0x1E800] =	vst v63  }
0x53: {  	_ =	swait.ge [sflag:s14], $0x1400  }
0x54: {  	[sflag:s14] =	ssyncset.done $0x0  }
0x55: {  	[sflag:s14] =	ssyncadd.s32 $0xFFFFEC00  }
0x56: {  	[tilespmem:s15], [sflag:$0x3] =	stream.linear.gather [hbm4b:s10+s25], $0x1400, $0x38;
	[tilespmem:$0x1E800] =	vst v63  }
0x57: {  	_ =	swait.ge [sflag:s14], $0x1400  }
0x58: {  	[sflag:s14] =	ssyncset.done $0x0  }
0x59: {  	[sflag:s14] =	ssyncadd.s32 $0xFFFFEC00  }
0x5a: {  	[tilespmem:s17], [sflag:$0x1] =	stream.indirect.gather [hbm4b:s4+s16], $0x80, s25, s16, $0xb8;
	[tilespmem:$0x1E800] =	vst v63  }
0x5b: {  	_ = 	snop  }
0x5c: {  	[tilespmem:s19], [sflag:$0x2] =	stream.indirect.gather [hbm4b:s4+s16], $0x80, s18, s16, $0xb8;
	[tilespmem:$0x1E800] =	vst v63  }
0x5d: {  	_ =	swait.ge [sflag:s20], $0x3E80  }
0x5e: {  	[sflag:s20] =	ssyncset.done $0x0  }
0x5f: {  	s29 =	simm.s32 $0x1400;
	[sflag:s20] =	ssyncadd.s32 $0xFFFFC180  }
0x60: {  	[spmem:s1] =	stream.indirect.scatter.add.f32 [tilespmem:s17], [sflag:$0x3], $0x80, s29, s16, $0xb8;
	[tilespmem:$0x1E800] =	vst v63  }
0x61: {  	_ =	swait.ge [sflag:s14], $0x3E80  }
0x62: {  	[sflag:s14] =	ssyncset.done $0x0  }
0x63: {  	s30 =	simm.s32 $0x100;
	[sflag:s14] =	ssyncadd.s32 $0xFFFFC180  }
0x64: {  	[tilespmem:s17], [sflag:$0x1] =	stream.indirect.gather [hbm4b:s4+s16], $0x80, s30, s16, $0xb8;
	[tilespmem:$0x1E800] =	vst v63  }
0x65: {  	_ =	swait.ge [sflag:s21], $0x3E80  }
0x66: {  	[sflag:s21] =	ssyncset.done $0x0  }
0x67: {  	s31 =	simm.s32 $0x1480;
	[sflag:s21] =	ssyncadd.s32 $0xFFFFC180  }
0x68: {  	[spmem:s1] =	stream.indirect.scatter.add.f32 [tilespmem:s19], [sflag:$0x3], $0x80, s31, s16, $0xb8;
	[tilespmem:$0x1E800] =	vst v63  }
0x69: {  	_ =	swait.ge [sflag:s14], $0x3E80  }
0x6a: {  	[sflag:s14] =	ssyncset.done $0x0  }
0x6b: {  	s26 =	simm.s32 $0x180;
	s25 =	simm.s32 $0x400;
	[sflag:s14] =	ssyncadd.s32 $0xFFFFC180  }
.LBB2_4:
0x6c: {  	[tilespmem:s19], [sflag:$0x2] =	stream.indirect.gather [hbm4b:s4+s16], $0x80, s26, s16, $0xb8;
	[tilespmem:$0x1E800] =	vst v63  }
0x6d: {  	s26 =	smov.u32 s25  }
0x6e: {  	p0 =	sne.s32 s25, $0x4800;
	s25 =	sadd.s32 $0x400, s25;
	_ =	swait.ge [sflag:s20], $0x3E80  }
0x6f: {  	s26 =	sshra.s32 s26, $0x2;
	[sflag:s20] =	ssyncset.done $0x0  }
0x70: {  	s28 =	sadd.s32 $0x1400, s26;
	[sflag:s20] =	ssyncadd.s32 $0xFFFFC180  }
0x71: {  	[spmem:s1] =	stream.indirect.scatter.add.f32 [tilespmem:s17], [sflag:$0x3], $0x80, s28, s16, $0xb8;
	[tilespmem:$0x1E800] =	vst v63  }
0x72: {  	_ =	swait.ge [sflag:s14], $0x3E80  }
0x73: {  	[sflag:s14] =	ssyncset.done $0x0  }
0x74: {  	s28 =	sadd.s32 $0x100, s26;
	[sflag:s14] =	ssyncadd.s32 $0xFFFFC180  }
0x75: {  	[tilespmem:s17], [sflag:$0x1] =	stream.indirect.gather [hbm4b:s4+s16], $0x80, s28, s16, $0xb8;
	[tilespmem:$0x1E800] =	vst v63  }
0x76: {  	_ =	swait.ge [sflag:s21], $0x3E80  }
0x77: {  	[sflag:s21] =	ssyncset.done $0x0  }
.Ltmp1:
0x78: {  	s28 =	sadd.s32 $0x1480, s26;
	[sflag:s21] =	ssyncadd.s32 $0xFFFFC180;
	(pc) =	sbr.rel @p0 .LBB2_4-.Ltmp1, $4  }
0x79: {  	[spmem:s1] =	stream.indirect.scatter.add.f32 [tilespmem:s19], [sflag:$0x3], $0x80, s28, s16, $0xb8;
	[tilespmem:$0x1E800] =	vst v63  }
0x7a: {  	_ =	swait.ge [sflag:s14], $0x3E80  }
0x7b: {  	[sflag:s14] =	ssyncset.done $0x0  }
0x7c: {  	s26 =	sadd.s32 $0x180, s26;
	[sflag:s14] =	ssyncadd.s32 $0xFFFFC180  }
0x7d: {  	[tilespmem:s19], [sflag:$0x2] =	stream.indirect.gather [hbm4b:s4+s16], $0x80, s26, s16, $0xb8;
	[tilespmem:$0x1E800] =	vst v63  }
0x7e: {  	_ =	swait.ge [sflag:s20], $0x3E80  }
0x7f: {  	[sflag:s20] =	ssyncset.done $0x0  }
0x80: {  	[sflag:s20] =	ssyncadd.s32 $0xFFFFC180  }
0x81: {  	[spmem:s1] =	stream.indirect.scatter.add.f32 [tilespmem:s17], [sflag:$0x3], $0x80, s22, s16, $0xb8;
	[tilespmem:$0x1E800] =	vst v63  }
0x82: {  	_ =	swait.ge [sflag:s14], $0x3E80  }
0x83: {  	[sflag:s14] =	ssyncset.done $0x0  }
0x84: {  	[sflag:s14] =	ssyncadd.s32 $0xFFFFC180  }
0x85: {  	_ =	swait.ge [sflag:s21], $0x3E80  }
0x86: {  	[sflag:s21] =	ssyncset.done $0x0  }
0x87: {  	[sflag:s21] =	ssyncadd.s32 $0xFFFFC180  }
0x88: {  	[spmem:s1] =	stream.indirect.scatter.add.f32 [tilespmem:s19], [sflag:$0x3], $0x80, s23, s16, $0xb8;
	[tilespmem:$0x1E800] =	vst v63  }
0x89: {  	_ =	swait.ge [sflag:s14], $0x3E80  }
0x8a: {  	s24 =	sadd.s32 $0x1, s24;
	[sflag:s14] =	ssyncset.done $0x0  }
0x8b: {  	p0 =	sne.s32 s24, s12;
	[sflag:s14] =	ssyncadd.s32 $0xFFFFC180  }
.Ltmp2:
0x8c: {  	[bflag:$0x0] =	sbarrier.arrive $0xFFFF;
	(pc) =	sbr.rel @p0 .LBB2_1-.Ltmp2, $4  }
0x8d: {  	[hbm:s11], [sflag:s6] =	dma.local [spmem:s13], $0x2800  }
0x8e: {  	_ =	swait.ge [sflag:s14], $0x2800  }
0x8f: {  	[sflag:s14] =	ssyncset.done $0x0  }
0x90: {  	[sflag:s14] =	ssyncadd.s32 $0xFFFFD800  }
0x91: {  	_ =	sfence.sel $0x180000  }
0x92: {  	[bflag:$0x0] =	sbarrier.arrive $0xFFFF  }
0x93: {  	p0 =	sne.s32 s2, $0x0;
	_ =	strace $0x90000050  }
0x94: {  	s0 =	sadd.s32 @!p0 $0x100000, s0;
	[bflag:$0x2] =	sbarrier.arrive $0xFFFF  }
0x95: {  	[sflag:s0] =	ssyncadd.tile.s32 @!p0 $0x1;
	_ =	shalt  }
.Lfunc_end2:
_tile_overlayer_lowered:
.L_overlay_start_2:
0x96: {  	(tag) =	ssettag $0x2  }
0x97: {  	s0 =	rddreg [dreg:$0x0];
	s2 =	stileid.u32  }
0x98: {  	s1 =	rddreg [dreg:$0x1];
	p0 =	sne.s32 s2, $0x0  }
0x99: {  	s3 =	rddreg [dreg:$0x2];
	[bflag:$0x3] =	sbarrier.arrive $0xFFFF;
	s2 =	simm.s32 @!p0 $0x1C03  }
0x9a: {  	[timem:s3], [sflag:s2] =	dma.local @!p0 [hbm:s0], s1  }
0x9b: {  	s0 =	simm.s32 @!p0 $0x3  }
0x9c: {  	_ =	swait.ge @!p0 [sflag:s0], s1  }
0x9d: {  	s1 =	ssub.s32 @!p0 $0x0, s1;
	[sflag:s0] =	ssyncset.done @!p0 $0x0  }
0x9e: {  	[sflag:s0] =	ssyncadd.s32 @!p0 s1  }
0x9f: {  	[bflag:$0x3] =	sbarrier.arrive $0xFFFF  }
0xa0: {  	_ =	shalt  }

</sc_bundles>
